<compile_context>
chip_gen: v7x
topology: tpu7x:2x2x1
jax: 0.10.2.dev20260603
libtpu: 0.0.44.dev20260713+nightly
codegen_flags: <defaults>
</compile_context>

<pallas_src>
import jax
import jax.numpy as jnp
from jax import lax
from jax.experimental import pallas as pl
from jax.experimental.pallas import tpu as pltpu
from jax.experimental.pallas import tpu_sc as plsc

N_NODES = 10000
N_EDGES = 320000
D = 128
DH = D // 2

NC = 2
NS = 16
EPT = N_EDGES // NS
C = 160
NB = 5
CPB = EPT // C // NB
NR = 6
G = 5
NPAD = 10240
RPT = NPAD // NS
RCH = 64


def _sc_body(ncols_hbm, send_hbm, recv_hbm, out_hbm,
             sidx, ridx, rows, obuf, acc, gsems, isems):
    cid = lax.axis_index("c")
    sid = lax.axis_index("s")
    tbl = ncols_hbm.at[pl.ds(cid, 2 * N_NODES - 1)]

    pltpu.sync_copy(send_hbm.at[sid, 0], sidx.at[0])
    pltpu.sync_copy(recv_hbm.at[sid, 0], ridx.at[0])
    for t in range(G):
        pltpu.async_copy(tbl.at[sidx.at[0, t]], rows.at[t], gsems.at[t])

    def _zb(i, carry):
        obuf[i // (DH // 16), pl.ds((i % (DH // 16)) * 16, 16)] = (
            jnp.zeros((16,), jnp.float32))
        return carry
    lax.fori_loop(0, RCH * DH // 16, _zb, 0)
    r0 = sid * RPT
    for k in range(RPT // RCH):
        pltpu.async_copy(obuf, acc.at[pl.ds(r0 + k * RCH, RCH)], isems.at[0])
    for k in range(RPT // RCH):
        pltpu.make_async_copy(obuf, acc.at[pl.ds(r0 + k * RCH, RCH)],
                              isems.at[0]).wait()
    plsc.subcore_barrier()

    for b in range(NB):
        sl, nsl = b % 3, (b + 1) % 3
        off = (b * CPB) % NR

        if b + 1 < NB:
            pltpu.async_copy(send_hbm.at[sid, b + 1], sidx.at[nsl],
                             isems.at[0])
            pltpu.async_copy(recv_hbm.at[sid, b + 1], ridx.at[nsl],
                             isems.at[1])

        def _main(j, carry, sl=sl, off=off):
            jm = lax.rem(j + off, NR)
            jf = lax.rem(j + G + off, NR)
            pltpu.make_async_copy(tbl.at[sidx.at[sl, j]], rows.at[jm],
                                  gsems.at[jm]).wait()
            pltpu.sync_copy(rows.at[jm], acc.at[ridx.at[sl, j]], add=True)
            pltpu.async_copy(tbl.at[sidx.at[sl, j + G]], rows.at[jf],
                             gsems.at[jf])
            return carry
        lax.fori_loop(0, CPB - G, _main, 0)

        if b + 1 < NB:
            pltpu.make_async_copy(send_hbm.at[sid, b + 1], sidx.at[nsl],
                                  isems.at[0]).wait()
            pltpu.make_async_copy(recv_hbm.at[sid, b + 1], ridx.at[nsl],
                                  isems.at[1]).wait()

        def _tail(j, carry, sl=sl, nsl=nsl, off=off, last=(b + 1 == NB)):
            jm = lax.rem(j + off, NR)
            jf = lax.rem(j + G + off, NR)
            pltpu.make_async_copy(tbl.at[sidx.at[sl, j]], rows.at[jm],
                                  gsems.at[jm]).wait()
            pltpu.sync_copy(rows.at[jm], acc.at[ridx.at[sl, j]], add=True)
            if not last:
                pltpu.async_copy(tbl.at[sidx.at[nsl, j + G - CPB]],
                                 rows.at[jf], gsems.at[jf])
            return carry
        lax.fori_loop(CPB - G, CPB, _tail, 0)
    plsc.subcore_barrier()

    for k in range(RPT // RCH):
        pltpu.async_copy(acc.at[pl.ds(r0 + k * RCH, RCH)],
                         out_hbm.at[pl.ds(r0 + k * RCH, RCH)]
                         .at[:, pl.ds(cid * DH, DH)], isems.at[0])
    for k in range(RPT // RCH):
        pltpu.make_async_copy(acc.at[pl.ds(r0 + k * RCH, RCH)],
                              out_hbm.at[pl.ds(r0 + k * RCH, RCH)]
                              .at[:, pl.ds(cid * DH, DH)], isems.at[0]).wait()


_sc_aggregate = pl.kernel(
    _sc_body,
    out_type=jax.ShapeDtypeStruct((NPAD, D), jnp.float32),
    mesh=plsc.VectorSubcoreMesh(core_axis_name="c", subcore_axis_name="s",
                                num_cores=NC, num_subcores=NS),
    compiler_params=pltpu.CompilerParams(use_tc_tiling_on_sc=False),
    scratch_types=[
        pltpu.VMEM((3, CPB, C), jnp.int32),
        pltpu.VMEM((3, CPB, C), jnp.int32),
        pltpu.VMEM((NR, C, DH), jnp.float32),
        pltpu.VMEM((RCH, DH), jnp.float32),
        pltpu.VMEM_SHARED((NPAD, DH), jnp.float32),
        pltpu.SemaphoreType.DMA((NR,)),
        pltpu.SemaphoreType.DMA((2,)),
    ],
)


def _mlp_body(part_ref, nodes_ref, w1_ref, b1_ref, w2_ref, b2_ref, out_ref):
    h = part_ref[...] + nodes_ref[...]
    h1 = jnp.maximum(
        jnp.dot(h, w1_ref[...], preferred_element_type=jnp.float32)
        + b1_ref[...], 0.0)
    out_ref[...] = (jnp.dot(h1, w2_ref[...], preferred_element_type=jnp.float32)
                    + b2_ref[...])


_BLK = 5000


def _tc_mlp(partials, nodes, W1, b1, W2, b2):
    grid = N_NODES // _BLK
    return pl.pallas_call(
        _mlp_body,
        grid=(grid,),
        in_specs=[
            pl.BlockSpec((_BLK, D), lambda i: (i, 0)),
            pl.BlockSpec((_BLK, D), lambda i: (i, 0)),
            pl.BlockSpec((D, D), lambda i: (0, 0)),
            pl.BlockSpec((1, D), lambda i: (0, 0)),
            pl.BlockSpec((D, D), lambda i: (0, 0)),
            pl.BlockSpec((1, D), lambda i: (0, 0)),
        ],
        out_specs=pl.BlockSpec((_BLK, D), lambda i: (i, 0)),
        out_shape=jax.ShapeDtypeStruct((N_NODES, D), jnp.float32),
    )(partials, nodes, W1, b1, W2, b2)


def kernel(nodes, senders, receivers, W1, b1, W2, b2):
    ncols = nodes.reshape(2 * N_NODES, DH)
    send4d = (senders * 2).reshape(NS, NB, CPB, C)
    recv4d = receivers.reshape(NS, NB, CPB, C)
    partials = _sc_aggregate(ncols, send4d, recv4d)
    return _tc_mlp(partials, nodes, W1, b1.reshape(1, D), W2, b2.reshape(1, D))

# --- scband reference (transcript-rebuilt; emitter-appended) ---
"""Pipeline reference for scband-ginconv-86277303042054 (READ-ONLY COPY).

The authoritative reference and input builder live on the scoring server;
editing this copy changes nothing except your own understanding.
"""

import jax, jax.numpy as jnp
import numpy as np

N_NODES = 10000
N_EDGES = 320000
D_FEAT = 128
EPS = 0.0


def setup_inputs(seed: int = 0) -> dict:
    key = jax.random.key(seed)
    k1, k2, k3, k4, k5, k6, k7 = jax.random.split(key, 7)
    nodes = jax.random.normal(k1, (N_NODES, D_FEAT), dtype=jnp.float32)
    senders = jax.random.randint(k2, (N_EDGES,), 0, N_NODES, dtype=jnp.int32)
    receivers = jax.random.randint(k3, (N_EDGES,), 0, N_NODES, dtype=jnp.int32)
    # MLP phi: Linear(128->128) + relu + Linear(128->128), truncated-normal-ish init
    scale = 1.0 / np.sqrt(D_FEAT)
    W1 = jax.random.normal(k4, (D_FEAT, D_FEAT), dtype=jnp.float32) * scale
    b1 = jnp.zeros((D_FEAT,), dtype=jnp.float32)
    W2 = jax.random.normal(k5, (D_FEAT, D_FEAT), dtype=jnp.float32) * scale
    b2 = jnp.zeros((D_FEAT,), dtype=jnp.float32)
    return {"nodes": nodes, "senders": senders, "receivers": receivers,
            "W1": W1, "b1": b1, "W2": W2, "b2": b2}


def reference(nodes, senders, receivers, W1, b1, W2, b2):
    num_nodes = nodes.shape[0]
    # message passing: gather sender features, scatter-add into receivers
    msgs = nodes[senders]
    agg = jax.ops.segment_sum(msgs, receivers, num_segments=num_nodes)
    # GIN update: h = agg + (1 + eps) * x
    h = agg + (1.0 + EPS) * nodes
    # phi = MLP([128, 128]) with relu between layers
    h1 = jax.nn.relu(h @ W1 + b1)
    out = h1 @ W2 + b2
    return out

if __name__ == "__main__":
    import jax
    _d = setup_inputs()
    print(jax.jit(kernel)(*tuple(_d.values())))

</pallas_src>

<mosaic_0001>
#map = affine_map<(d0, d1) -> (0, 0)>
#map1 = affine_map<(d0, d1) -> (0, 0, 0, 0)>
module attributes {stable_mosaic.version = 14 : i64} {
  func.func @_sc_body(%arg0: i32, %arg1: i32, %arg2: memref<20000x64xf32, #tpu.memory_space<hbm>>, %arg3: memref<16x5x25x160xi32, #tpu.memory_space<hbm>>, %arg4: memref<16x5x25x160xi32, #tpu.memory_space<hbm>>, %arg5: memref<10240x128xf32, #tpu.memory_space<hbm>>, %arg6: memref<3x25x160xi32, #tpu.memory_space<vmem>>, %arg7: memref<3x25x160xi32, #tpu.memory_space<vmem>>, %arg8: memref<6x160x64xf32, #tpu.memory_space<vmem>>, %arg9: memref<64x64xf32, #tpu.memory_space<vmem>>, %arg10: memref<10240x64xf32, #tpu.memory_space<vmem_shared>>, %arg11: memref<6x!tpu.dma_semaphore, #tpu.memory_space<semaphore_mem>>, %arg12: memref<2x!tpu.dma_semaphore, #tpu.memory_space<semaphore_mem>>) attributes {dimension_semantics = [#tpu.dimension_semantics<core_parallel>, #tpu.dimension_semantics<subcore_parallel>], iteration_bounds = array<i64: 2, 16>, scalar_prefetch = 0 : i64, scratch_operands = 7 : i64, tpu.core_type = #tpu.core_type<sc_vector_subcore>, window_params = [{transform_indices = #map}, {transform_indices = #map1}, {transform_indices = #map1}, {transform_indices = #map}]} {
    %run_scoped3A = arith.constant 0 : i32
    %run_scoped3A_0 = arith.constant 0 : i32
    "tpu.region"() ({
      %run_scoped3A_973 = tpu.sem_alloc : memref<!tpu.dma_semaphore, #tpu.memory_space<semaphore_mem>>
      %dma_start3A_974 = arith.constant 0 : i32
      %dma_start3A_975 = arith.constant 0 : i32
      %dma_start3A_976 = tpu.memref_slice %arg6[%run_scoped3A_0, %dma_start3A_974, %dma_start3A_975] : memref<3x25x160xi32, #tpu.memory_space<vmem>> -> memref<1x25x160xi32, #tpu.memory_space<vmem>>
      %dma_start3A_977 = tpu.memref_squeeze %dma_start3A_976 : memref<1x25x160xi32, #tpu.memory_space<vmem>> -> memref<25x160xi32, #tpu.memory_space<vmem>>
      %dma_start3A_978 = arith.constant 0 : i32
      %dma_start3A_979 = arith.constant 0 : i32
      %dma_start3A_980 = tpu.memref_slice %arg3[%arg1, %run_scoped3A, %dma_start3A_978, %dma_start3A_979] : memref<16x5x25x160xi32, #tpu.memory_space<hbm>> -> memref<1x1x25x160xi32, #tpu.memory_space<hbm>>
      %dma_start3A_981 = tpu.memref_squeeze %dma_start3A_980 : memref<1x1x25x160xi32, #tpu.memory_space<hbm>> -> memref<25x160xi32, #tpu.memory_space<hbm>>
      %dma_start3A_982 = arith.constant 0 : i32
      %dma_start3A_983 = arith.constant 0 : i32
      %dma_start3A_984 = tpu.memref_slice %arg6[%run_scoped3A_0, %dma_start3A_982, %dma_start3A_983] : memref<3x25x160xi32, #tpu.memory_space<vmem>> -> memref<1x25x160xi32, #tpu.memory_space<vmem>>
      %dma_start3A_985 = tpu.memref_squeeze %dma_start3A_984 : memref<1x25x160xi32, #tpu.memory_space<vmem>> -> memref<25x160xi32, #tpu.memory_space<vmem>>
      %dma_start3A_986 = arith.constant 0 : i32
      %dma_start3A_987 = arith.constant 0 : i32
      %dma_start3A_988 = tpu.memref_slice %arg3[%arg1, %run_scoped3A, %dma_start3A_986, %dma_start3A_987] : memref<16x5x25x160xi32, #tpu.memory_space<hbm>> -> memref<1x1x25x160xi32, #tpu.memory_space<hbm>>
      %dma_start3A_989 = tpu.memref_squeeze %dma_start3A_988 : memref<1x1x25x160xi32, #tpu.memory_space<hbm>> -> memref<25x160xi32, #tpu.memory_space<hbm>>
      tpu.enqueue_dma source(%dma_start3A_989 : memref<25x160xi32, #tpu.memory_space<hbm>>) target(%dma_start3A_985 : memref<25x160xi32, #tpu.memory_space<vmem>>) target_semaphore(%run_scoped3A_973 : memref<!tpu.dma_semaphore, #tpu.memory_space<semaphore_mem>>)
      %dma_wait3A_990 = arith.constant 0 : i32
      %dma_wait3A_991 = arith.constant 0 : i32
      %dma_wait3A_992 = tpu.memref_slice %arg6[%run_scoped3A_0, %dma_wait3A_990, %dma_wait3A_991] : memref<3x25x160xi32, #tpu.memory_space<vmem>> -> memref<1x25x160xi32, #tpu.memory_space<vmem>>
      %dma_wait3A_993 = tpu.memref_squeeze %dma_wait3A_992 : memref<1x25x160xi32, #tpu.memory_space<vmem>> -> memref<25x160xi32, #tpu.memory_space<vmem>>
      %dma_wait3A_994 = arith.constant 0 : i32
      %dma_wait3A_995 = arith.constant 0 : i32
      %dma_wait3A_996 = tpu.memref_slice %arg3[%arg1, %run_scoped3A, %dma_wait3A_994, %dma_wait3A_995] : memref<16x5x25x160xi32, #tpu.memory_space<hbm>> -> memref<1x1x25x160xi32, #tpu.memory_space<hbm>>
      %dma_wait3A_997 = tpu.memref_squeeze %dma_wait3A_996 : memref<1x1x25x160xi32, #tpu.memory_space<hbm>> -> memref<25x160xi32, #tpu.memory_space<hbm>>
      %dma_wait3A_998 = arith.constant 0 : i32
      %dma_wait3A_999 = arith.constant 0 : i32
      %dma_wait3A_1000 = tpu.memref_slice %arg6[%run_scoped3A_0, %dma_wait3A_998, %dma_wait3A_999] : memref<3x25x160xi32, #tpu.memory_space<vmem>> -> memref<1x25x160xi32, #tpu.memory_space<vmem>>
      %dma_wait3A_1001 = tpu.memref_squeeze %dma_wait3A_1000 : memref<1x25x160xi32, #tpu.memory_space<vmem>> -> memref<25x160xi32, #tpu.memory_space<vmem>>
      %dma_wait3A_1002 = arith.constant 0 : i32
      %dma_wait3A_1003 = arith.constant 0 : i32
      %dma_wait3A_1004 = tpu.memref_slice %arg3[%arg1, %run_scoped3A, %dma_wait3A_1002, %dma_wait3A_1003] : memref<16x5x25x160xi32, #tpu.memory_space<hbm>> -> memref<1x1x25x160xi32, #tpu.memory_space<hbm>>
      %dma_wait3A_1005 = tpu.memref_squeeze %dma_wait3A_1004 : memref<1x1x25x160xi32, #tpu.memory_space<hbm>> -> memref<25x160xi32, #tpu.memory_space<hbm>>
      tpu.wait_dma2 semaphore(%run_scoped3A_973 : memref<!tpu.dma_semaphore, #tpu.memory_space<semaphore_mem>>) src(%dma_wait3A_1005 : memref<25x160xi32, #tpu.memory_space<hbm>>) dst(%dma_wait3A_1001 : memref<25x160xi32, #tpu.memory_space<vmem>>)
      tpu.yield
    }) : () -> ()
    %run_scoped3A_1 = arith.constant 0 : i32
    %run_scoped3A_2 = arith.constant 0 : i32
    "tpu.region"() ({
      %run_scoped3A_973 = tpu.sem_alloc : memref<!tpu.dma_semaphore, #tpu.memory_space<semaphore_mem>>
      %dma_start3A_974 = arith.constant 0 : i32
      %dma_start3A_975 = arith.constant 0 : i32
      %dma_start3A_976 = tpu.memref_slice %arg7[%run_scoped3A_2, %dma_start3A_974, %dma_start3A_975] : memref<3x25x160xi32, #tpu.memory_space<vmem>> -> memref<1x25x160xi32, #tpu.memory_space<vmem>>
      %dma_start3A_977 = tpu.memref_squeeze %dma_start3A_976 : memref<1x25x160xi32, #tpu.memory_space<vmem>> -> memref<25x160xi32, #tpu.memory_space<vmem>>
      %dma_start3A_978 = arith.constant 0 : i32
      %dma_start3A_979 = arith.constant 0 : i32
      %dma_start3A_980 = tpu.memref_slice %arg4[%arg1, %run_scoped3A_1, %dma_start3A_978, %dma_start3A_979] : memref<16x5x25x160xi32, #tpu.memory_space<hbm>> -> memref<1x1x25x160xi32, #tpu.memory_space<hbm>>
      %dma_start3A_981 = tpu.memref_squeeze %dma_start3A_980 : memref<1x1x25x160xi32, #tpu.memory_space<hbm>> -> memref<25x160xi32, #tpu.memory_space<hbm>>
      %dma_start3A_982 = arith.constant 0 : i32
      %dma_start3A_983 = arith.constant 0 : i32
      %dma_start3A_984 = tpu.memref_slice %arg7[%run_scoped3A_2, %dma_start3A_982, %dma_start3A_983] : memref<3x25x160xi32, #tpu.memory_space<vmem>> -> memref<1x25x160xi32, #tpu.memory_space<vmem>>
      %dma_start3A_985 = tpu.memref_squeeze %dma_start3A_984 : memref<1x25x160xi32, #tpu.memory_space<vmem>> -> memref<25x160xi32, #tpu.memory_space<vmem>>
      %dma_start3A_986 = arith.constant 0 : i32
      %dma_start3A_987 = arith.constant 0 : i32
      %dma_start3A_988 = tpu.memref_slice %arg4[%arg1, %run_scoped3A_1, %dma_start3A_986, %dma_start3A_987] : memref<16x5x25x160xi32, #tpu.memory_space<hbm>> -> memref<1x1x25x160xi32, #tpu.memory_space<hbm>>
      %dma_start3A_989 = tpu.memref_squeeze %dma_start3A_988 : memref<1x1x25x160xi32, #tpu.memory_space<hbm>> -> memref<25x160xi32, #tpu.memory_space<hbm>>
      tpu.enqueue_dma source(%dma_start3A_989 : memref<25x160xi32, #tpu.memory_space<hbm>>) target(%dma_start3A_985 : memref<25x160xi32, #tpu.memory_space<vmem>>) target_semaphore(%run_scoped3A_973 : memref<!tpu.dma_semaphore, #tpu.memory_space<semaphore_mem>>)
      %dma_wait3A_990 = arith.constant 0 : i32
      %dma_wait3A_991 = arith.constant 0 : i32
      %dma_wait3A_992 = tpu.memref_slice %arg7[%run_scoped3A_2, %dma_wait3A_990, %dma_wait3A_991] : memref<3x25x160xi32, #tpu.memory_space<vmem>> -> memref<1x25x160xi32, #tpu.memory_space<vmem>>
      %dma_wait3A_993 = tpu.memref_squeeze %dma_wait3A_992 : memref<1x25x160xi32, #tpu.memory_space<vmem>> -> memref<25x160xi32, #tpu.memory_space<vmem>>
      %dma_wait3A_994 = arith.constant 0 : i32
      %dma_wait3A_995 = arith.constant 0 : i32
      %dma_wait3A_996 = tpu.memref_slice %arg4[%arg1, %run_scoped3A_1, %dma_wait3A_994, %dma_wait3A_995] : memref<16x5x25x160xi32, #tpu.memory_space<hbm>> -> memref<1x1x25x160xi32, #tpu.memory_space<hbm>>
      %dma_wait3A_997 = tpu.memref_squeeze %dma_wait3A_996 : memref<1x1x25x160xi32, #tpu.memory_space<hbm>> -> memref<25x160xi32, #tpu.memory_space<hbm>>
      %dma_wait3A_998 = arith.constant 0 : i32
      %dma_wait3A_999 = arith.constant 0 : i32
      %dma_wait3A_1000 = tpu.memref_slice %arg7[%run_scoped3A_2, %dma_wait3A_998, %dma_wait3A_999] : memref<3x25x160xi32, #tpu.memory_space<vmem>> -> memref<1x25x160xi32, #tpu.memory_space<vmem>>
      %dma_wait3A_1001 = tpu.memref_squeeze %dma_wait3A_1000 : memref<1x25x160xi32, #tpu.memory_space<vmem>> -> memref<25x160xi32, #tpu.memory_space<vmem>>
      %dma_wait3A_1002 = arith.constant 0 : i32
      %dma_wait3A_1003 = arith.constant 0 : i32
      %dma_wait3A_1004 = tpu.memref_slice %arg4[%arg1, %run_scoped3A_1, %dma_wait3A_1002, %dma_wait3A_1003] : memref<16x5x25x160xi32, #tpu.memory_space<hbm>> -> memref<1x1x25x160xi32, #tpu.memory_space<hbm>>
      %dma_wait3A_1005 = tpu.memref_squeeze %dma_wait3A_1004 : memref<1x1x25x160xi32, #tpu.memory_space<hbm>> -> memref<25x160xi32, #tpu.memory_space<hbm>>
      tpu.wait_dma2 semaphore(%run_scoped3A_973 : memref<!tpu.dma_semaphore, #tpu.memory_space<semaphore_mem>>) src(%dma_wait3A_1005 : memref<25x160xi32, #tpu.memory_space<hbm>>) dst(%dma_wait3A_1001 : memref<25x160xi32, #tpu.memory_space<vmem>>)
      tpu.yield
    }) : () -> ()
    %dma_start3A = arith.constant 0 : i32
    %dma_start3A_3 = arith.constant 0 : i32
    %dma_start3A_4 = arith.constant 0 : i32
    %dma_start3A_5 = arith.constant 0 : i32
    %dma_start3A_6 = arith.constant 0 : i32
    %dma_start3A_7 = arith.constant 0 : i32
    %dma_start3A_8 = tpu.memref_slice %arg8[%dma_start3A_4, %dma_start3A_6, %dma_start3A_7] : memref<6x160x64xf32, #tpu.memory_space<vmem>> -> memref<1x160x64xf32, #tpu.memory_space<vmem>>
    %dma_start3A_9 = tpu.memref_squeeze %dma_start3A_8 : memref<1x160x64xf32, #tpu.memory_space<vmem>> -> memref<160x64xf32, #tpu.memory_space<vmem>>
    %dma_start3A_10 = arith.constant 0 : i32
    %dma_start3A_11 = tpu.memref_slice %arg6[%dma_start3A, %dma_start3A_3, %dma_start3A_10] : memref<3x25x160xi32, #tpu.memory_space<vmem>> -> memref<1x1x160xi32, #tpu.memory_space<vmem>>
    %dma_start3A_12 = tpu.memref_squeeze %dma_start3A_11 : memref<1x1x160xi32, #tpu.memory_space<vmem>> -> memref<160xi32, #tpu.memory_space<vmem>>
    %dma_start3A_13 = arith.constant 0 : i32
    %dma_start3A_14 = tpu.memref_slice %arg2[%arg0, %dma_start3A_13] : memref<20000x64xf32, #tpu.memory_space<hbm>> -> memref<19999x64xf32, #tpu.memory_space<hbm>>
    %dma_start3A_15 = arith.constant 0 : i32
    %dma_start3A_16 = arith.constant 0 : i32
    %dma_start3A_17 = tpu.memref_slice %dma_start3A_14[%dma_start3A_15, %dma_start3A_16] : memref<19999x64xf32, #tpu.memory_space<hbm>> -> memref<19999x64xf32, #tpu.memory_space<hbm>>
    %dma_start3A_18 = tpu.memref_slice %arg11[%dma_start3A_5] : memref<6x!tpu.dma_semaphore, #tpu.memory_space<semaphore_mem>> -> memref<1x!tpu.dma_semaphore, #tpu.memory_space<semaphore_mem>>
    %dma_start3A_19 = tpu.memref_squeeze %dma_start3A_18 : memref<1x!tpu.dma_semaphore, #tpu.memory_space<semaphore_mem>> -> memref<!tpu.dma_semaphore, #tpu.memory_space<semaphore_mem>>
    tpu.enqueue_indirect_dma source(%dma_start3A_17 : memref<19999x64xf32, #tpu.memory_space<hbm>>) target(%dma_start3A_9 : memref<160x64xf32, #tpu.memory_space<vmem>>) offsets(%dma_start3A_12 : memref<160xi32, #tpu.memory_space<vmem>>) semaphore(%dma_start3A_19 : memref<!tpu.dma_semaphore, #tpu.memory_space<semaphore_mem>>)
    %dma_start3A_20 = arith.constant 0 : i32
    %dma_start3A_21 = arith.constant 1 : i32
    %dma_start3A_22 = arith.constant 1 : i32
    %dma_start3A_23 = arith.constant 1 : i32
    %dma_start3A_24 = arith.constant 0 : i32
    %dma_start3A_25 = arith.constant 0 : i32
    %dma_start3A_26 = tpu.memref_slice %arg8[%dma_start3A_22, %dma_start3A_24, %dma_start3A_25] : memref<6x160x64xf32, #tpu.memory_space<vmem>> -> memref<1x160x64xf32, #tpu.memory_space<vmem>>
    %dma_start3A_27 = tpu.memref_squeeze %dma_start3A_26 : memref<1x160x64xf32, #tpu.memory_space<vmem>> -> memref<160x64xf32, #tpu.memory_space<vmem>>
    %dma_start3A_28 = arith.constant 0 : i32
    %dma_start3A_29 = tpu.memref_slice %arg6[%dma_start3A_20, %dma_start3A_21, %dma_start3A_28] : memref<3x25x160xi32, #tpu.memory_space<vmem>> -> memref<1x1x160xi32, #tpu.memory_space<vmem>>
    %dma_start3A_30 = tpu.memref_squeeze %dma_start3A_29 : memref<1x1x160xi32, #tpu.memory_space<vmem>> -> memref<160xi32, #tpu.memory_space<vmem>>
    %dma_start3A_31 = arith.constant 0 : i32
    %dma_start3A_32 = tpu.memref_slice %arg2[%arg0, %dma_start3A_31] : memref<20000x64xf32, #tpu.memory_space<hbm>> -> memref<19999x64xf32, #tpu.memory_space<hbm>>
    %dma_start3A_33 = arith.constant 0 : i32
    %dma_start3A_34 = arith.constant 0 : i32
    %dma_start3A_35 = tpu.memref_slice %dma_start3A_32[%dma_start3A_33, %dma_start3A_34] : memref<19999x64xf32, #tpu.memory_space<hbm>> -> memref<19999x64xf32, #tpu.memory_space<hbm>>
    %dma_start3A_36 = tpu.memref_slice %arg11[%dma_start3A_23] : memref<6x!tpu.dma_semaphore, #tpu.memory_space<semaphore_mem>> -> memref<1x!tpu.dma_semaphore, #tpu.memory_space<semaphore_mem>>
    %dma_start3A_37 = tpu.memref_squeeze %dma_start3A_36 : memref<1x!tpu.dma_semaphore, #tpu.memory_space<semaphore_mem>> -> memref<!tpu.dma_semaphore, #tpu.memory_space<semaphore_mem>>
    tpu.enqueue_indirect_dma source(%dma_start3A_35 : memref<19999x64xf32, #tpu.memory_space<hbm>>) target(%dma_start3A_27 : memref<160x64xf32, #tpu.memory_space<vmem>>) offsets(%dma_start3A_30 : memref<160xi32, #tpu.memory_space<vmem>>) semaphore(%dma_start3A_37 : memref<!tpu.dma_semaphore, #tpu.memory_space<semaphore_mem>>)
    %dma_start3A_38 = arith.constant 0 : i32
    %dma_start3A_39 = arith.constant 2 : i32
    %dma_start3A_40 = arith.constant 2 : i32
    %dma_start3A_41 = arith.constant 2 : i32
    %dma_start3A_42 = arith.constant 0 : i32
    %dma_start3A_43 = arith.constant 0 : i32
    %dma_start3A_44 = tpu.memref_slice %arg8[%dma_start3A_40, %dma_start3A_42, %dma_start3A_43] : memref<6x160x64xf32, #tpu.memory_space<vmem>> -> memref<1x160x64xf32, #tpu.memory_space<vmem>>
    %dma_start3A_45 = tpu.memref_squeeze %dma_start3A_44 : memref<1x160x64xf32, #tpu.memory_space<vmem>> -> memref<160x64xf32, #tpu.memory_space<vmem>>
    %dma_start3A_46 = arith.constant 0 : i32
    %dma_start3A_47 = tpu.memref_slice %arg6[%dma_start3A_38, %dma_start3A_39, %dma_start3A_46] : memref<3x25x160xi32, #tpu.memory_space<vmem>> -> memref<1x1x160xi32, #tpu.memory_space<vmem>>
    %dma_start3A_48 = tpu.memref_squeeze %dma_start3A_47 : memref<1x1x160xi32, #tpu.memory_space<vmem>> -> memref<160xi32, #tpu.memory_space<vmem>>
    %dma_start3A_49 = arith.constant 0 : i32
    %dma_start3A_50 = tpu.memref_slice %arg2[%arg0, %dma_start3A_49] : memref<20000x64xf32, #tpu.memory_space<hbm>> -> memref<19999x64xf32, #tpu.memory_space<hbm>>
    %dma_start3A_51 = arith.constant 0 : i32
    %dma_start3A_52 = arith.constant 0 : i32
    %dma_start3A_53 = tpu.memref_slice %dma_start3A_50[%dma_start3A_51, %dma_start3A_52] : memref<19999x64xf32, #tpu.memory_space<hbm>> -> memref<19999x64xf32, #tpu.memory_space<hbm>>
    %dma_start3A_54 = tpu.memref_slice %arg11[%dma_start3A_41] : memref<6x!tpu.dma_semaphore, #tpu.memory_space<semaphore_mem>> -> memref<1x!tpu.dma_semaphore, #tpu.memory_space<semaphore_mem>>
    %dma_start3A_55 = tpu.memref_squeeze %dma_start3A_54 : memref<1x!tpu.dma_semaphore, #tpu.memory_space<semaphore_mem>> -> memref<!tpu.dma_semaphore, #tpu.memory_space<semaphore_mem>>
    tpu.enqueue_indirect_dma source(%dma_start3A_53 : memref<19999x64xf32, #tpu.memory_space<hbm>>) target(%dma_start3A_45 : memref<160x64xf32, #tpu.memory_space<vmem>>) offsets(%dma_start3A_48 : memref<160xi32, #tpu.memory_space<vmem>>) semaphore(%dma_start3A_55 : memref<!tpu.dma_semaphore, #tpu.memory_space<semaphore_mem>>)
    %dma_start3A_56 = arith.constant 0 : i32
    %dma_start3A_57 = arith.constant 3 : i32
    %dma_start3A_58 = arith.constant 3 : i32
    %dma_start3A_59 = arith.constant 3 : i32
    %dma_start3A_60 = arith.constant 0 : i32
    %dma_start3A_61 = arith.constant 0 : i32
    %dma_start3A_62 = tpu.memref_slice %arg8[%dma_start3A_58, %dma_start3A_60, %dma_start3A_61] : memref<6x160x64xf32, #tpu.memory_space<vmem>> -> memref<1x160x64xf32, #tpu.memory_space<vmem>>
    %dma_start3A_63 = tpu.memref_squeeze %dma_start3A_62 : memref<1x160x64xf32, #tpu.memory_space<vmem>> -> memref<160x64xf32, #tpu.memory_space<vmem>>
    %dma_start3A_64 = arith.constant 0 : i32
    %dma_start3A_65 = tpu.memref_slice %arg6[%dma_start3A_56, %dma_start3A_57, %dma_start3A_64] : memref<3x25x160xi32, #tpu.memory_space<vmem>> -> memref<1x1x160xi32, #tpu.memory_space<vmem>>
    %dma_start3A_66 = tpu.memref_squeeze %dma_start3A_65 : memref<1x1x160xi32, #tpu.memory_space<vmem>> -> memref<160xi32, #tpu.memory_space<vmem>>
    %dma_start3A_67 = arith.constant 0 : i32
    %dma_start3A_68 = tpu.memref_slice %arg2[%arg0, %dma_start3A_67] : memref<20000x64xf32, #tpu.memory_space<hbm>> -> memref<19999x64xf32, #tpu.memory_space<hbm>>
    %dma_start3A_69 = arith.constant 0 : i32
    %dma_start3A_70 = arith.constant 0 : i32
    %dma_start3A_71 = tpu.memref_slice %dma_start3A_68[%dma_start3A_69, %dma_start3A_70] : memref<19999x64xf32, #tpu.memory_space<hbm>> -> memref<19999x64xf32, #tpu.memory_space<hbm>>
    %dma_start3A_72 = tpu.memref_slice %arg11[%dma_start3A_59] : memref<6x!tpu.dma_semaphore, #tpu.memory_space<semaphore_mem>> -> memref<1x!tpu.dma_semaphore, #tpu.memory_space<semaphore_mem>>
    %dma_start3A_73 = tpu.memref_squeeze %dma_start3A_72 : memref<1x!tpu.dma_semaphore, #tpu.memory_space<semaphore_mem>> -> memref<!tpu.dma_semaphore, #tpu.memory_space<semaphore_mem>>
    tpu.enqueue_indirect_dma source(%dma_start3A_71 : memref<19999x64xf32, #tpu.memory_space<hbm>>) target(%dma_start3A_63 : memref<160x64xf32, #tpu.memory_space<vmem>>) offsets(%dma_start3A_66 : memref<160xi32, #tpu.memory_space<vmem>>) semaphore(%dma_start3A_73 : memref<!tpu.dma_semaphore, #tpu.memory_space<semaphore_mem>>)
    %dma_start3A_74 = arith.constant 0 : i32
    %dma_start3A_75 = arith.constant 4 : i32
    %dma_start3A_76 = arith.constant 4 : i32
    %dma_start3A_77 = arith.constant 4 : i32
    %dma_start3A_78 = arith.constant 0 : i32
    %dma_start3A_79 = arith.constant 0 : i32
    %dma_start3A_80 = tpu.memref_slice %arg8[%dma_start3A_76, %dma_start3A_78, %dma_start3A_79] : memref<6x160x64xf32, #tpu.memory_space<vmem>> -> memref<1x160x64xf32, #tpu.memory_space<vmem>>
    %dma_start3A_81 = tpu.memref_squeeze %dma_start3A_80 : memref<1x160x64xf32, #tpu.memory_space<vmem>> -> memref<160x64xf32, #tpu.memory_space<vmem>>
    %dma_start3A_82 = arith.constant 0 : i32
    %dma_start3A_83 = tpu.memref_slice %arg6[%dma_start3A_74, %dma_start3A_75, %dma_start3A_82] : memref<3x25x160xi32, #tpu.memory_space<vmem>> -> memref<1x1x160xi32, #tpu.memory_space<vmem>>
    %dma_start3A_84 = tpu.memref_squeeze %dma_start3A_83 : memref<1x1x160xi32, #tpu.memory_space<vmem>> -> memref<160xi32, #tpu.memory_space<vmem>>
    %dma_start3A_85 = arith.constant 0 : i32
    %dma_start3A_86 = tpu.memref_slice %arg2[%arg0, %dma_start3A_85] : memref<20000x64xf32, #tpu.memory_space<hbm>> -> memref<19999x64xf32, #tpu.memory_space<hbm>>
    %dma_start3A_87 = arith.constant 0 : i32
    %dma_start3A_88 = arith.constant 0 : i32
    %dma_start3A_89 = tpu.memref_slice %dma_start3A_86[%dma_start3A_87, %dma_start3A_88] : memref<19999x64xf32, #tpu.memory_space<hbm>> -> memref<19999x64xf32, #tpu.memory_space<hbm>>
    %dma_start3A_90 = tpu.memref_slice %arg11[%dma_start3A_77] : memref<6x!tpu.dma_semaphore, #tpu.memory_space<semaphore_mem>> -> memref<1x!tpu.dma_semaphore, #tpu.memory_space<semaphore_mem>>
    %dma_start3A_91 = tpu.memref_squeeze %dma_start3A_90 : memref<1x!tpu.dma_semaphore, #tpu.memory_space<semaphore_mem>> -> memref<!tpu.dma_semaphore, #tpu.memory_space<semaphore_mem>>
    tpu.enqueue_indirect_dma source(%dma_start3A_89 : memref<19999x64xf32, #tpu.memory_space<hbm>>) target(%dma_start3A_81 : memref<160x64xf32, #tpu.memory_space<vmem>>) offsets(%dma_start3A_84 : memref<160xi32, #tpu.memory_space<vmem>>) semaphore(%dma_start3A_91 : memref<!tpu.dma_semaphore, #tpu.memory_space<semaphore_mem>>)
    %scan3A = arith.constant 0 : i32
    %scan3A_92 = arith.constant 0 : i32
    %scan3A_93 = arith.constant 256 : i32
    %scan3A_94 = arith.addi %scan3A_92, %scan3A_93 : i32
    %scan3A_95 = arith.constant 1 : i32
    scf.for %scan3A_973 = %scan3A_92 to %scan3A_94 step %scan3A_95  : i32 {
      %broadcast_in_dim3A = arith.constant 0.000000e+00 : f32
      %broadcast_in_dim3A_974 = vector.broadcast %broadcast_in_dim3A : f32 to vector<16xf32>
      %jit3A = arith.constant 4 : i32
      %div3A = arith.divsi %scan3A_973, %jit3A : i32
      %sign3A = arith.constant 0 : i32
      %sign3A_975 = arith.cmpi sgt, %scan3A_973, %sign3A : i32
      %sign3A_976 = arith.extui %sign3A_975 : i1 to i32
      %sign3A_977 = arith.constant 0 : i32
      %sign3A_978 = arith.cmpi slt, %scan3A_973, %sign3A_977 : i32
      %sign3A_979 = arith.extui %sign3A_978 : i1 to i32
      %sign3A_980 = arith.subi %sign3A_976, %sign3A_979 : i32
      %sign3A_981 = arith.constant 0 : i32
      %sign3A_982 = arith.cmpi sgt, %jit3A, %sign3A_981 : i32
      %sign3A_983 = arith.extui %sign3A_982 : i1 to i32
      %sign3A_984 = arith.constant 0 : i32
      %sign3A_985 = arith.cmpi slt, %jit3A, %sign3A_984 : i32
      %sign3A_986 = arith.extui %sign3A_985 : i1 to i32
      %sign3A_987 = arith.subi %sign3A_983, %sign3A_986 : i32
      %ne3A = arith.cmpi ne, %sign3A_980, %sign3A_987 : i32
      %rem3A = arith.remsi %scan3A_973, %jit3A : i32
      %ne3A_988 = arith.constant 0 : i32
      %ne3A_989 = arith.cmpi ne, %rem3A, %ne3A_988 : i32
      %and3A = arith.andi %ne3A, %ne3A_989 : i1
      %sub3A = arith.constant 1 : i32
      %sub3A_990 = arith.subi %div3A, %sub3A : i32
      %select_n3A = arith.select %and3A, %sub3A_990, %div3A : i32
      %jit3A_991 = arith.constant 4 : i32
      %eq3A = arith.constant 0 : i32
      %eq3A_992 = arith.cmpi eq, %jit3A_991, %eq3A : i32
      %jit3A_993 = arith.constant 1 : i32
      %select_n3A_994 = arith.select %eq3A_992, %jit3A_993, %jit3A_991 : i32
      %rem3A_995 = arith.remsi %scan3A_973, %select_n3A_994 : i32
      %ne3A_996 = arith.constant 0 : i32
      %ne3A_997 = arith.cmpi ne, %rem3A_995, %ne3A_996 : i32
      %lt3A = arith.constant 0 : i32
      %lt3A_998 = arith.cmpi slt, %rem3A_995, %lt3A : i32
      %lt3A_999 = arith.constant 0 : i32
      %lt3A_1000 = arith.cmpi slt, %select_n3A_994, %lt3A_999 : i32
      %ne3A_1001 = arith.xori %lt3A_998, %lt3A_1000 : i1
      %and3A_1002 = arith.andi %ne3A_1001, %ne3A_997 : i1
      %add3A_1003 = arith.addi %rem3A_995, %select_n3A_994 : i32
      %select_n3A_1004 = arith.select %and3A_1002, %add3A_1003, %rem3A_995 : i32
      %mul3A_1005 = arith.constant 16 : i32
      %mul3A_1006 = arith.muli %select_n3A_1004, %mul3A_1005 : i32
      %swap3A = arith.index_cast %select_n3A : i32 to index
      %swap3A_1007 = arith.index_cast %mul3A_1006 : i32 to index
      %swap3A_1008 = tpu.vector_load %arg9[%swap3A, %swap3A_1007] {strides = array<i32>} : memref<64x64xf32, #tpu.memory_space<vmem>>, vector<1x16xf32>,
      %swap3A_1009 = vector.shape_cast %swap3A_1008 : vector<1x16xf32> to vector<16xf32>
      %swap3A_1010 = vector.shape_cast %broadcast_in_dim3A_974 : vector<16xf32> to vector<1x16xf32>
      tpu.vector_store %arg9[%swap3A, %swap3A_1007], %swap3A_1010 {strides = array<i32>} : memref<64x64xf32, #tpu.memory_space<vmem>>, vector<1x16xf32>,
    }
    %scan3A_96 = arith.constant 256 : i32
    %mul3A = arith.constant 640 : i32
    %mul3A_97 = arith.muli %arg1, %mul3A : i32
    %add3A = arith.constant 0 : i32
    %add3A_98 = arith.addi %mul3A_97, %add3A : i32
    %dma_start3A_99 = arith.constant 0 : i32
    %dma_start3A_100 = arith.constant 0 : i32
    %dma_start3A_101 = tpu.memref_slice %arg10[%add3A_98, %dma_start3A_100] : memref<10240x64xf32, #tpu.memory_space<vmem_shared>> -> memref<64x64xf32, #tpu.memory_space<vmem_shared>>
    %dma_start3A_102 = tpu.memref_slice %arg12[%dma_start3A_99] : memref<2x!tpu.dma_semaphore, #tpu.memory_space<semaphore_mem>> -> memref<1x!tpu.dma_semaphore, #tpu.memory_space<semaphore_mem>>
    %dma_start3A_103 = tpu.memref_squeeze %dma_start3A_102 : memref<1x!tpu.dma_semaphore, #tpu.memory_space<semaphore_mem>> -> memref<!tpu.dma_semaphore, #tpu.memory_space<semaphore_mem>>
    %dma_start3A_104 = arith.constant 0 : i32
    %dma_start3A_105 = tpu.memref_slice %arg10[%add3A_98, %dma_start3A_104] : memref<10240x64xf32, #tpu.memory_space<vmem_shared>> -> memref<64x64xf32, #tpu.memory_space<vmem_shared>>
    tpu.enqueue_dma source(%arg9 : memref<64x64xf32, #tpu.memory_space<vmem>>) target(%dma_start3A_105 : memref<64x64xf32, #tpu.memory_space<vmem_shared>>) target_semaphore(%dma_start3A_103 : memref<!tpu.dma_semaphore, #tpu.memory_space<semaphore_mem>>)
    %add3A_106 = arith.constant 64 : i32
    %add3A_107 = arith.addi %mul3A_97, %add3A_106 : i32
    %dma_start3A_108 = arith.constant 0 : i32
    %dma_start3A_109 = arith.constant 0 : i32
    %dma_start3A_110 = tpu.memref_slice %arg10[%add3A_107, %dma_start3A_109] : memref<10240x64xf32, #tpu.memory_space<vmem_shared>> -> memref<64x64xf32, #tpu.memory_space<vmem_shared>>
    %dma_start3A_111 = tpu.memref_slice %arg12[%dma_start3A_108] : memref<2x!tpu.dma_semaphore, #tpu.memory_space<semaphore_mem>> -> memref<1x!tpu.dma_semaphore, #tpu.memory_space<semaphore_mem>>
    %dma_start3A_112 = tpu.memref_squeeze %dma_start3A_111 : memref<1x!tpu.dma_semaphore, #tpu.memory_space<semaphore_mem>> -> memref<!tpu.dma_semaphore, #tpu.memory_space<semaphore_mem>>
    %dma_start3A_113 = arith.constant 0 : i32
    %dma_start3A_114 = tpu.memref_slice %arg10[%add3A_107, %dma_start3A_113] : memref<10240x64xf32, #tpu.memory_space<vmem_shared>> -> memref<64x64xf32, #tpu.memory_space<vmem_shared>>
    tpu.enqueue_dma source(%arg9 : memref<64x64xf32, #tpu.memory_space<vmem>>) target(%dma_start3A_114 : memref<64x64xf32, #tpu.memory_space<vmem_shared>>) target_semaphore(%dma_start3A_112 : memref<!tpu.dma_semaphore, #tpu.memory_space<semaphore_mem>>)
    %add3A_115 = arith.constant 128 : i32
    %add3A_116 = arith.addi %mul3A_97, %add3A_115 : i32
    %dma_start3A_117 = arith.constant 0 : i32
    %dma_start3A_118 = arith.constant 0 : i32
    %dma_start3A_119 = tpu.memref_slice %arg10[%add3A_116, %dma_start3A_118] : memref<10240x64xf32, #tpu.memory_space<vmem_shared>> -> memref<64x64xf32, #tpu.memory_space<vmem_shared>>
    %dma_start3A_120 = tpu.memref_slice %arg12[%dma_start3A_117] : memref<2x!tpu.dma_semaphore, #tpu.memory_space<semaphore_mem>> -> memref<1x!tpu.dma_semaphore, #tpu.memory_space<semaphore_mem>>
    %dma_start3A_121 = tpu.memref_squeeze %dma_start3A_120 : memref<1x!tpu.dma_semaphore, #tpu.memory_space<semaphore_mem>> -> memref<!tpu.dma_semaphore, #tpu.memory_space<semaphore_mem>>
    %dma_start3A_122 = arith.constant 0 : i32
    %dma_start3A_123 = tpu.memref_slice %arg10[%add3A_116, %dma_start3A_122] : memref<10240x64xf32, #tpu.memory_space<vmem_shared>> -> memref<64x64xf32, #tpu.memory_space<vmem_shared>>
    tpu.enqueue_dma source(%arg9 : memref<64x64xf32, #tpu.memory_space<vmem>>) target(%dma_start3A_123 : memref<64x64xf32, #tpu.memory_space<vmem_shared>>) target_semaphore(%dma_start3A_121 : memref<!tpu.dma_semaphore, #tpu.memory_space<semaphore_mem>>)
    %add3A_124 = arith.constant 192 : i32
    %add3A_125 = arith.addi %mul3A_97, %add3A_124 : i32
    %dma_start3A_126 = arith.constant 0 : i32
    %dma_start3A_127 = arith.constant 0 : i32
    %dma_start3A_128 = tpu.memref_slice %arg10[%add3A_125, %dma_start3A_127] : memref<10240x64xf32, #tpu.memory_space<vmem_shared>> -> memref<64x64xf32, #tpu.memory_space<vmem_shared>>
    %dma_start3A_129 = tpu.memref_slice %arg12[%dma_start3A_126] : memref<2x!tpu.dma_semaphore, #tpu.memory_space<semaphore_mem>> -> memref<1x!tpu.dma_semaphore, #tpu.memory_space<semaphore_mem>>
    %dma_start3A_130 = tpu.memref_squeeze %dma_start3A_129 : memref<1x!tpu.dma_semaphore, #tpu.memory_space<semaphore_mem>> -> memref<!tpu.dma_semaphore, #tpu.memory_space<semaphore_mem>>
    %dma_start3A_131 = arith.constant 0 : i32
    %dma_start3A_132 = tpu.memref_slice %arg10[%add3A_125, %dma_start3A_131] : memref<10240x64xf32, #tpu.memory_space<vmem_shared>> -> memref<64x64xf32, #tpu.memory_space<vmem_shared>>
    tpu.enqueue_dma source(%arg9 : memref<64x64xf32, #tpu.memory_space<vmem>>) target(%dma_start3A_132 : memref<64x64xf32, #tpu.memory_space<vmem_shared>>) target_semaphore(%dma_start3A_130 : memref<!tpu.dma_semaphore, #tpu.memory_space<semaphore_mem>>)
    %add3A_133 = arith.constant 256 : i32
    %add3A_134 = arith.addi %mul3A_97, %add3A_133 : i32
    %dma_start3A_135 = arith.constant 0 : i32
    %dma_start3A_136 = arith.constant 0 : i32
    %dma_start3A_137 = tpu.memref_slice %arg10[%add3A_134, %dma_start3A_136] : memref<10240x64xf32, #tpu.memory_space<vmem_shared>> -> memref<64x64xf32, #tpu.memory_space<vmem_shared>>
    %dma_start3A_138 = tpu.memref_slice %arg12[%dma_start3A_135] : memref<2x!tpu.dma_semaphore, #tpu.memory_space<semaphore_mem>> -> memref<1x!tpu.dma_semaphore, #tpu.memory_space<semaphore_mem>>
    %dma_start3A_139 = tpu.memref_squeeze %dma_start3A_138 : memref<1x!tpu.dma_semaphore, #tpu.memory_space<semaphore_mem>> -> memref<!tpu.dma_semaphore, #tpu.memory_space<semaphore_mem>>
    %dma_start3A_140 = arith.constant 0 : i32
    %dma_start3A_141 = tpu.memref_slice %arg10[%add3A_134, %dma_start3A_140] : memref<10240x64xf32, #tpu.memory_space<vmem_shared>> -> memref<64x64xf32, #tpu.memory_space<vmem_shared>>
    tpu.enqueue_dma source(%arg9 : memref<64x64xf32, #tpu.memory_space<vmem>>) target(%dma_start3A_141 : memref<64x64xf32, #tpu.memory_space<vmem_shared>>) target_semaphore(%dma_start3A_139 : memref<!tpu.dma_semaphore, #tpu.memory_space<semaphore_mem>>)
    %add3A_142 = arith.constant 320 : i32
    %add3A_143 = arith.addi %mul3A_97, %add3A_142 : i32
    %dma_start3A_144 = arith.constant 0 : i32
    %dma_start3A_145 = arith.constant 0 : i32
    %dma_start3A_146 = tpu.memref_slice %arg10[%add3A_143, %dma_start3A_145] : memref<10240x64xf32, #tpu.memory_space<vmem_shared>> -> memref<64x64xf32, #tpu.memory_space<vmem_shared>>
    %dma_start3A_147 = tpu.memref_slice %arg12[%dma_start3A_144] : memref<2x!tpu.dma_semaphore, #tpu.memory_space<semaphore_mem>> -> memref<1x!tpu.dma_semaphore, #tpu.memory_space<semaphore_mem>>
    %dma_start3A_148 = tpu.memref_squeeze %dma_start3A_147 : memref<1x!tpu.dma_semaphore, #tpu.memory_space<semaphore_mem>> -> memref<!tpu.dma_semaphore, #tpu.memory_space<semaphore_mem>>
    %dma_start3A_149 = arith.constant 0 : i32
    %dma_start3A_150 = tpu.memref_slice %arg10[%add3A_143, %dma_start3A_149] : memref<10240x64xf32, #tpu.memory_space<vmem_shared>> -> memref<64x64xf32, #tpu.memory_space<vmem_shared>>
    tpu.enqueue_dma source(%arg9 : memref<64x64xf32, #tpu.memory_space<vmem>>) target(%dma_start3A_150 : memref<64x64xf32, #tpu.memory_space<vmem_shared>>) target_semaphore(%dma_start3A_148 : memref<!tpu.dma_semaphore, #tpu.memory_space<semaphore_mem>>)
    %add3A_151 = arith.constant 384 : i32
    %add3A_152 = arith.addi %mul3A_97, %add3A_151 : i32
    %dma_start3A_153 = arith.constant 0 : i32
    %dma_start3A_154 = arith.constant 0 : i32
    %dma_start3A_155 = tpu.memref_slice %arg10[%add3A_152, %dma_start3A_154] : memref<10240x64xf32, #tpu.memory_space<vmem_shared>> -> memref<64x64xf32, #tpu.memory_space<vmem_shared>>
    %dma_start3A_156 = tpu.memref_slice %arg12[%dma_start3A_153] : memref<2x!tpu.dma_semaphore, #tpu.memory_space<semaphore_mem>> -> memref<1x!tpu.dma_semaphore, #tpu.memory_space<semaphore_mem>>
    %dma_start3A_157 = tpu.memref_squeeze %dma_start3A_156 : memref<1x!tpu.dma_semaphore, #tpu.memory_space<semaphore_mem>> -> memref<!tpu.dma_semaphore, #tpu.memory_space<semaphore_mem>>
    %dma_start3A_158 = arith.constant 0 : i32
    %dma_start3A_159 = tpu.memref_slice %arg10[%add3A_152, %dma_start3A_158] : memref<10240x64xf32, #tpu.memory_space<vmem_shared>> -> memref<64x64xf32, #tpu.memory_space<vmem_shared>>
    tpu.enqueue_dma source(%arg9 : memref<64x64xf32, #tpu.memory_space<vmem>>) target(%dma_start3A_159 : memref<64x64xf32, #tpu.memory_space<vmem_shared>>) target_semaphore(%dma_start3A_157 : memref<!tpu.dma_semaphore, #tpu.memory_space<semaphore_mem>>)
    %add3A_160 = arith.constant 448 : i32
    %add3A_161 = arith.addi %mul3A_97, %add3A_160 : i32
    %dma_start3A_162 = arith.constant 0 : i32
    %dma_start3A_163 = arith.constant 0 : i32
    %dma_start3A_164 = tpu.memref_slice %arg10[%add3A_161, %dma_start3A_163] : memref<10240x64xf32, #tpu.memory_space<vmem_shared>> -> memref<64x64xf32, #tpu.memory_space<vmem_shared>>
    %dma_start3A_165 = tpu.memref_slice %arg12[%dma_start3A_162] : memref<2x!tpu.dma_semaphore, #tpu.memory_space<semaphore_mem>> -> memref<1x!tpu.dma_semaphore, #tpu.memory_space<semaphore_mem>>
    %dma_start3A_166 = tpu.memref_squeeze %dma_start3A_165 : memref<1x!tpu.dma_semaphore, #tpu.memory_space<semaphore_mem>> -> memref<!tpu.dma_semaphore, #tpu.memory_space<semaphore_mem>>
    %dma_start3A_167 = arith.constant 0 : i32
    %dma_start3A_168 = tpu.memref_slice %arg10[%add3A_161, %dma_start3A_167] : memref<10240x64xf32, #tpu.memory_space<vmem_shared>> -> memref<64x64xf32, #tpu.memory_space<vmem_shared>>
    tpu.enqueue_dma source(%arg9 : memref<64x64xf32, #tpu.memory_space<vmem>>) target(%dma_start3A_168 : memref<64x64xf32, #tpu.memory_space<vmem_shared>>) target_semaphore(%dma_start3A_166 : memref<!tpu.dma_semaphore, #tpu.memory_space<semaphore_mem>>)
    %add3A_169 = arith.constant 512 : i32
    %add3A_170 = arith.addi %mul3A_97, %add3A_169 : i32
    %dma_start3A_171 = arith.constant 0 : i32
    %dma_start3A_172 = arith.constant 0 : i32
    %dma_start3A_173 = tpu.memref_slice %arg10[%add3A_170, %dma_start3A_172] : memref<10240x64xf32, #tpu.memory_space<vmem_shared>> -> memref<64x64xf32, #tpu.memory_space<vmem_shared>>
    %dma_start3A_174 = tpu.memref_slice %arg12[%dma_start3A_171] : memref<2x!tpu.dma_semaphore, #tpu.memory_space<semaphore_mem>> -> memref<1x!tpu.dma_semaphore, #tpu.memory_space<semaphore_mem>>
    %dma_start3A_175 = tpu.memref_squeeze %dma_start3A_174 : memref<1x!tpu.dma_semaphore, #tpu.memory_space<semaphore_mem>> -> memref<!tpu.dma_semaphore, #tpu.memory_space<semaphore_mem>>
    %dma_start3A_176 = arith.constant 0 : i32
    %dma_start3A_177 = tpu.memref_slice %arg10[%add3A_170, %dma_start3A_176] : memref<10240x64xf32, #tpu.memory_space<vmem_shared>> -> memref<64x64xf32, #tpu.memory_space<vmem_shared>>
    tpu.enqueue_dma source(%arg9 : memref<64x64xf32, #tpu.memory_space<vmem>>) target(%dma_start3A_177 : memref<64x64xf32, #tpu.memory_space<vmem_shared>>) target_semaphore(%dma_start3A_175 : memref<!tpu.dma_semaphore, #tpu.memory_space<semaphore_mem>>)
    %add3A_178 = arith.constant 576 : i32
    %add3A_179 = arith.addi %mul3A_97, %add3A_178 : i32
    %dma_start3A_180 = arith.constant 0 : i32
    %dma_start3A_181 = arith.constant 0 : i32
    %dma_start3A_182 = tpu.memref_slice %arg10[%add3A_179, %dma_start3A_181] : memref<10240x64xf32, #tpu.memory_space<vmem_shared>> -> memref<64x64xf32, #tpu.memory_space<vmem_shared>>
    %dma_start3A_183 = tpu.memref_slice %arg12[%dma_start3A_180] : memref<2x!tpu.dma_semaphore, #tpu.memory_space<semaphore_mem>> -> memref<1x!tpu.dma_semaphore, #tpu.memory_space<semaphore_mem>>
    %dma_start3A_184 = tpu.memref_squeeze %dma_start3A_183 : memref<1x!tpu.dma_semaphore, #tpu.memory_space<semaphore_mem>> -> memref<!tpu.dma_semaphore, #tpu.memory_space<semaphore_mem>>
    %dma_start3A_185 = arith.constant 0 : i32
    %dma_start3A_186 = tpu.memref_slice %arg10[%add3A_179, %dma_start3A_185] : memref<10240x64xf32, #tpu.memory_space<vmem_shared>> -> memref<64x64xf32, #tpu.memory_space<vmem_shared>>
    tpu.enqueue_dma source(%arg9 : memref<64x64xf32, #tpu.memory_space<vmem>>) target(%dma_start3A_186 : memref<64x64xf32, #tpu.memory_space<vmem_shared>>) target_semaphore(%dma_start3A_184 : memref<!tpu.dma_semaphore, #tpu.memory_space<semaphore_mem>>)
    %add3A_187 = arith.constant 0 : i32
    %add3A_188 = arith.addi %mul3A_97, %add3A_187 : i32
    %dma_wait3A = arith.constant 0 : i32
    %dma_wait3A_189 = arith.constant 0 : i32
    %dma_wait3A_190 = tpu.memref_slice %arg10[%add3A_188, %dma_wait3A_189] : memref<10240x64xf32, #tpu.memory_space<vmem_shared>> -> memref<64x64xf32, #tpu.memory_space<vmem_shared>>
    %dma_wait3A_191 = tpu.memref_slice %arg12[%dma_wait3A] : memref<2x!tpu.dma_semaphore, #tpu.memory_space<semaphore_mem>> -> memref<1x!tpu.dma_semaphore, #tpu.memory_space<semaphore_mem>>
    %dma_wait3A_192 = tpu.memref_squeeze %dma_wait3A_191 : memref<1x!tpu.dma_semaphore, #tpu.memory_space<semaphore_mem>> -> memref<!tpu.dma_semaphore, #tpu.memory_space<semaphore_mem>>
    %dma_wait3A_193 = arith.constant 0 : i32
    %dma_wait3A_194 = tpu.memref_slice %arg10[%add3A_188, %dma_wait3A_193] : memref<10240x64xf32, #tpu.memory_space<vmem_shared>> -> memref<64x64xf32, #tpu.memory_space<vmem_shared>>
    tpu.wait_dma2 semaphore(%dma_wait3A_192 : memref<!tpu.dma_semaphore, #tpu.memory_space<semaphore_mem>>) src(%arg9 : memref<64x64xf32, #tpu.memory_space<vmem>>) dst(%dma_wait3A_194 : memref<64x64xf32, #tpu.memory_space<vmem_shared>>)
    %add3A_195 = arith.constant 64 : i32
    %add3A_196 = arith.addi %mul3A_97, %add3A_195 : i32
    %dma_wait3A_197 = arith.constant 0 : i32
    %dma_wait3A_198 = arith.constant 0 : i32
    %dma_wait3A_199 = tpu.memref_slice %arg10[%add3A_196, %dma_wait3A_198] : memref<10240x64xf32, #tpu.memory_space<vmem_shared>> -> memref<64x64xf32, #tpu.memory_space<vmem_shared>>
    %dma_wait3A_200 = tpu.memref_slice %arg12[%dma_wait3A_197] : memref<2x!tpu.dma_semaphore, #tpu.memory_space<semaphore_mem>> -> memref<1x!tpu.dma_semaphore, #tpu.memory_space<semaphore_mem>>
    %dma_wait3A_201 = tpu.memref_squeeze %dma_wait3A_200 : memref<1x!tpu.dma_semaphore, #tpu.memory_space<semaphore_mem>> -> memref<!tpu.dma_semaphore, #tpu.memory_space<semaphore_mem>>
    %dma_wait3A_202 = arith.constant 0 : i32
    %dma_wait3A_203 = tpu.memref_slice %arg10[%add3A_196, %dma_wait3A_202] : memref<10240x64xf32, #tpu.memory_space<vmem_shared>> -> memref<64x64xf32, #tpu.memory_space<vmem_shared>>
    tpu.wait_dma2 semaphore(%dma_wait3A_201 : memref<!tpu.dma_semaphore, #tpu.memory_space<semaphore_mem>>) src(%arg9 : memref<64x64xf32, #tpu.memory_space<vmem>>) dst(%dma_wait3A_203 : memref<64x64xf32, #tpu.memory_space<vmem_shared>>)
    %add3A_204 = arith.constant 128 : i32
    %add3A_205 = arith.addi %mul3A_97, %add3A_204 : i32
    %dma_wait3A_206 = arith.constant 0 : i32
    %dma_wait3A_207 = arith.constant 0 : i32
    %dma_wait3A_208 = tpu.memref_slice %arg10[%add3A_205, %dma_wait3A_207] : memref<10240x64xf32, #tpu.memory_space<vmem_shared>> -> memref<64x64xf32, #tpu.memory_space<vmem_shared>>
    %dma_wait3A_209 = tpu.memref_slice %arg12[%dma_wait3A_206] : memref<2x!tpu.dma_semaphore, #tpu.memory_space<semaphore_mem>> -> memref<1x!tpu.dma_semaphore, #tpu.memory_space<semaphore_mem>>
    %dma_wait3A_210 = tpu.memref_squeeze %dma_wait3A_209 : memref<1x!tpu.dma_semaphore, #tpu.memory_space<semaphore_mem>> -> memref<!tpu.dma_semaphore, #tpu.memory_space<semaphore_mem>>
    %dma_wait3A_211 = arith.constant 0 : i32
    %dma_wait3A_212 = tpu.memref_slice %arg10[%add3A_205, %dma_wait3A_211] : memref<10240x64xf32, #tpu.memory_space<vmem_shared>> -> memref<64x64xf32, #tpu.memory_space<vmem_shared>>
    tpu.wait_dma2 semaphore(%dma_wait3A_210 : memref<!tpu.dma_semaphore, #tpu.memory_space<semaphore_mem>>) src(%arg9 : memref<64x64xf32, #tpu.memory_space<vmem>>) dst(%dma_wait3A_212 : memref<64x64xf32, #tpu.memory_space<vmem_shared>>)
    %add3A_213 = arith.constant 192 : i32
    %add3A_214 = arith.addi %mul3A_97, %add3A_213 : i32
    %dma_wait3A_215 = arith.constant 0 : i32
    %dma_wait3A_216 = arith.constant 0 : i32
    %dma_wait3A_217 = tpu.memref_slice %arg10[%add3A_214, %dma_wait3A_216] : memref<10240x64xf32, #tpu.memory_space<vmem_shared>> -> memref<64x64xf32, #tpu.memory_space<vmem_shared>>
    %dma_wait3A_218 = tpu.memref_slice %arg12[%dma_wait3A_215] : memref<2x!tpu.dma_semaphore, #tpu.memory_space<semaphore_mem>> -> memref<1x!tpu.dma_semaphore, #tpu.memory_space<semaphore_mem>>
    %dma_wait3A_219 = tpu.memref_squeeze %dma_wait3A_218 : memref<1x!tpu.dma_semaphore, #tpu.memory_space<semaphore_mem>> -> memref<!tpu.dma_semaphore, #tpu.memory_space<semaphore_mem>>
    %dma_wait3A_220 = arith.constant 0 : i32
    %dma_wait3A_221 = tpu.memref_slice %arg10[%add3A_214, %dma_wait3A_220] : memref<10240x64xf32, #tpu.memory_space<vmem_shared>> -> memref<64x64xf32, #tpu.memory_space<vmem_shared>>
    tpu.wait_dma2 semaphore(%dma_wait3A_219 : memref<!tpu.dma_semaphore, #tpu.memory_space<semaphore_mem>>) src(%arg9 : memref<64x64xf32, #tpu.memory_space<vmem>>) dst(%dma_wait3A_221 : memref<64x64xf32, #tpu.memory_space<vmem_shared>>)
    %add3A_222 = arith.constant 256 : i32
    %add3A_223 = arith.addi %mul3A_97, %add3A_222 : i32
    %dma_wait3A_224 = arith.constant 0 : i32
    %dma_wait3A_225 = arith.constant 0 : i32
    %dma_wait3A_226 = tpu.memref_slice %arg10[%add3A_223, %dma_wait3A_225] : memref<10240x64xf32, #tpu.memory_space<vmem_shared>> -> memref<64x64xf32, #tpu.memory_space<vmem_shared>>
    %dma_wait3A_227 = tpu.memref_slice %arg12[%dma_wait3A_224] : memref<2x!tpu.dma_semaphore, #tpu.memory_space<semaphore_mem>> -> memref<1x!tpu.dma_semaphore, #tpu.memory_space<semaphore_mem>>
    %dma_wait3A_228 = tpu.memref_squeeze %dma_wait3A_227 : memref<1x!tpu.dma_semaphore, #tpu.memory_space<semaphore_mem>> -> memref<!tpu.dma_semaphore, #tpu.memory_space<semaphore_mem>>
    %dma_wait3A_229 = arith.constant 0 : i32
    %dma_wait3A_230 = tpu.memref_slice %arg10[%add3A_223, %dma_wait3A_229] : memref<10240x64xf32, #tpu.memory_space<vmem_shared>> -> memref<64x64xf32, #tpu.memory_space<vmem_shared>>
    tpu.wait_dma2 semaphore(%dma_wait3A_228 : memref<!tpu.dma_semaphore, #tpu.memory_space<semaphore_mem>>) src(%arg9 : memref<64x64xf32, #tpu.memory_space<vmem>>) dst(%dma_wait3A_230 : memref<64x64xf32, #tpu.memory_space<vmem_shared>>)
    %add3A_231 = arith.constant 320 : i32
    %add3A_232 = arith.addi %mul3A_97, %add3A_231 : i32
    %dma_wait3A_233 = arith.constant 0 : i32
    %dma_wait3A_234 = arith.constant 0 : i32
    %dma_wait3A_235 = tpu.memref_slice %arg10[%add3A_232, %dma_wait3A_234] : memref<10240x64xf32, #tpu.memory_space<vmem_shared>> -> memref<64x64xf32, #tpu.memory_space<vmem_shared>>
    %dma_wait3A_236 = tpu.memref_slice %arg12[%dma_wait3A_233] : memref<2x!tpu.dma_semaphore, #tpu.memory_space<semaphore_mem>> -> memref<1x!tpu.dma_semaphore, #tpu.memory_space<semaphore_mem>>
    %dma_wait3A_237 = tpu.memref_squeeze %dma_wait3A_236 : memref<1x!tpu.dma_semaphore, #tpu.memory_space<semaphore_mem>> -> memref<!tpu.dma_semaphore, #tpu.memory_space<semaphore_mem>>
    %dma_wait3A_238 = arith.constant 0 : i32
    %dma_wait3A_239 = tpu.memref_slice %arg10[%add3A_232, %dma_wait3A_238] : memref<10240x64xf32, #tpu.memory_space<vmem_shared>> -> memref<64x64xf32, #tpu.memory_space<vmem_shared>>
    tpu.wait_dma2 semaphore(%dma_wait3A_237 : memref<!tpu.dma_semaphore, #tpu.memory_space<semaphore_mem>>) src(%arg9 : memref<64x64xf32, #tpu.memory_space<vmem>>) dst(%dma_wait3A_239 : memref<64x64xf32, #tpu.memory_space<vmem_shared>>)
    %add3A_240 = arith.constant 384 : i32
    %add3A_241 = arith.addi %mul3A_97, %add3A_240 : i32
    %dma_wait3A_242 = arith.constant 0 : i32
    %dma_wait3A_243 = arith.constant 0 : i32
    %dma_wait3A_244 = tpu.memref_slice %arg10[%add3A_241, %dma_wait3A_243] : memref<10240x64xf32, #tpu.memory_space<vmem_shared>> -> memref<64x64xf32, #tpu.memory_space<vmem_shared>>
    %dma_wait3A_245 = tpu.memref_slice %arg12[%dma_wait3A_242] : memref<2x!tpu.dma_semaphore, #tpu.memory_space<semaphore_mem>> -> memref<1x!tpu.dma_semaphore, #tpu.memory_space<semaphore_mem>>
    %dma_wait3A_246 = tpu.memref_squeeze %dma_wait3A_245 : memref<1x!tpu.dma_semaphore, #tpu.memory_space<semaphore_mem>> -> memref<!tpu.dma_semaphore, #tpu.memory_space<semaphore_mem>>
    %dma_wait3A_247 = arith.constant 0 : i32
    %dma_wait3A_248 = tpu.memref_slice %arg10[%add3A_241, %dma_wait3A_247] : memref<10240x64xf32, #tpu.memory_space<vmem_shared>> -> memref<64x64xf32, #tpu.memory_space<vmem_shared>>
    tpu.wait_dma2 semaphore(%dma_wait3A_246 : memref<!tpu.dma_semaphore, #tpu.memory_space<semaphore_mem>>) src(%arg9 : memref<64x64xf32, #tpu.memory_space<vmem>>) dst(%dma_wait3A_248 : memref<64x64xf32, #tpu.memory_space<vmem_shared>>)
    %add3A_249 = arith.constant 448 : i32
    %add3A_250 = arith.addi %mul3A_97, %add3A_249 : i32
    %dma_wait3A_251 = arith.constant 0 : i32
    %dma_wait3A_252 = arith.constant 0 : i32
    %dma_wait3A_253 = tpu.memref_slice %arg10[%add3A_250, %dma_wait3A_252] : memref<10240x64xf32, #tpu.memory_space<vmem_shared>> -> memref<64x64xf32, #tpu.memory_space<vmem_shared>>
    %dma_wait3A_254 = tpu.memref_slice %arg12[%dma_wait3A_251] : memref<2x!tpu.dma_semaphore, #tpu.memory_space<semaphore_mem>> -> memref<1x!tpu.dma_semaphore, #tpu.memory_space<semaphore_mem>>
    %dma_wait3A_255 = tpu.memref_squeeze %dma_wait3A_254 : memref<1x!tpu.dma_semaphore, #tpu.memory_space<semaphore_mem>> -> memref<!tpu.dma_semaphore, #tpu.memory_space<semaphore_mem>>
    %dma_wait3A_256 = arith.constant 0 : i32
    %dma_wait3A_257 = tpu.memref_slice %arg10[%add3A_250, %dma_wait3A_256] : memref<10240x64xf32, #tpu.memory_space<vmem_shared>> -> memref<64x64xf32, #tpu.memory_space<vmem_shared>>
    tpu.wait_dma2 semaphore(%dma_wait3A_255 : memref<!tpu.dma_semaphore, #tpu.memory_space<semaphore_mem>>) src(%arg9 : memref<64x64xf32, #tpu.memory_space<vmem>>) dst(%dma_wait3A_257 : memref<64x64xf32, #tpu.memory_space<vmem_shared>>)
    %add3A_258 = arith.constant 512 : i32
    %add3A_259 = arith.addi %mul3A_97, %add3A_258 : i32
    %dma_wait3A_260 = arith.constant 0 : i32
    %dma_wait3A_261 = arith.constant 0 : i32
    %dma_wait3A_262 = tpu.memref_slice %arg10[%add3A_259, %dma_wait3A_261] : memref<10240x64xf32, #tpu.memory_space<vmem_shared>> -> memref<64x64xf32, #tpu.memory_space<vmem_shared>>
    %dma_wait3A_263 = tpu.memref_slice %arg12[%dma_wait3A_260] : memref<2x!tpu.dma_semaphore, #tpu.memory_space<semaphore_mem>> -> memref<1x!tpu.dma_semaphore, #tpu.memory_space<semaphore_mem>>
    %dma_wait3A_264 = tpu.memref_squeeze %dma_wait3A_263 : memref<1x!tpu.dma_semaphore, #tpu.memory_space<semaphore_mem>> -> memref<!tpu.dma_semaphore, #tpu.memory_space<semaphore_mem>>
    %dma_wait3A_265 = arith.constant 0 : i32
    %dma_wait3A_266 = tpu.memref_slice %arg10[%add3A_259, %dma_wait3A_265] : memref<10240x64xf32, #tpu.memory_space<vmem_shared>> -> memref<64x64xf32, #tpu.memory_space<vmem_shared>>
    tpu.wait_dma2 semaphore(%dma_wait3A_264 : memref<!tpu.dma_semaphore, #tpu.memory_space<semaphore_mem>>) src(%arg9 : memref<64x64xf32, #tpu.memory_space<vmem>>) dst(%dma_wait3A_266 : memref<64x64xf32, #tpu.memory_space<vmem_shared>>)
    %add3A_267 = arith.constant 576 : i32
    %add3A_268 = arith.addi %mul3A_97, %add3A_267 : i32
    %dma_wait3A_269 = arith.constant 0 : i32
    %dma_wait3A_270 = arith.constant 0 : i32
    %dma_wait3A_271 = tpu.memref_slice %arg10[%add3A_268, %dma_wait3A_270] : memref<10240x64xf32, #tpu.memory_space<vmem_shared>> -> memref<64x64xf32, #tpu.memory_space<vmem_shared>>
    %dma_wait3A_272 = tpu.memref_slice %arg12[%dma_wait3A_269] : memref<2x!tpu.dma_semaphore, #tpu.memory_space<semaphore_mem>> -> memref<1x!tpu.dma_semaphore, #tpu.memory_space<semaphore_mem>>
    %dma_wait3A_273 = tpu.memref_squeeze %dma_wait3A_272 : memref<1x!tpu.dma_semaphore, #tpu.memory_space<semaphore_mem>> -> memref<!tpu.dma_semaphore, #tpu.memory_space<semaphore_mem>>
    %dma_wait3A_274 = arith.constant 0 : i32
    %dma_wait3A_275 = tpu.memref_slice %arg10[%add3A_268, %dma_wait3A_274] : memref<10240x64xf32, #tpu.memory_space<vmem_shared>> -> memref<64x64xf32, #tpu.memory_space<vmem_shared>>
    tpu.wait_dma2 semaphore(%dma_wait3A_273 : memref<!tpu.dma_semaphore, #tpu.memory_space<semaphore_mem>>) src(%arg9 : memref<64x64xf32, #tpu.memory_space<vmem>>) dst(%dma_wait3A_275 : memref<64x64xf32, #tpu.memory_space<vmem_shared>>)
    %barrier3A = arith.constant 0 : index
    tpu.barrier barrier_id(%barrier3A)
    %dma_start3A_276 = arith.constant 1 : i32
    %dma_start3A_277 = arith.constant 1 : i32
    %dma_start3A_278 = arith.constant 0 : i32
    %dma_start3A_279 = arith.constant 0 : i32
    %dma_start3A_280 = arith.constant 0 : i32
    %dma_start3A_281 = tpu.memref_slice %arg6[%dma_start3A_277, %dma_start3A_279, %dma_start3A_280] : memref<3x25x160xi32, #tpu.memory_space<vmem>> -> memref<1x25x160xi32, #tpu.memory_space<vmem>>
    %dma_start3A_282 = tpu.memref_squeeze %dma_start3A_281 : memref<1x25x160xi32, #tpu.memory_space<vmem>> -> memref<25x160xi32, #tpu.memory_space<vmem>>
    %dma_start3A_283 = arith.constant 0 : i32
    %dma_start3A_284 = arith.constant 0 : i32
    %dma_start3A_285 = tpu.memref_slice %arg3[%arg1, %dma_start3A_276, %dma_start3A_283, %dma_start3A_284] : memref<16x5x25x160xi32, #tpu.memory_space<hbm>> -> memref<1x1x25x160xi32, #tpu.memory_space<hbm>>
    %dma_start3A_286 = tpu.memref_squeeze %dma_start3A_285 : memref<1x1x25x160xi32, #tpu.memory_space<hbm>> -> memref<25x160xi32, #tpu.memory_space<hbm>>
    %dma_start3A_287 = tpu.memref_slice %arg12[%dma_start3A_278] : memref<2x!tpu.dma_semaphore, #tpu.memory_space<semaphore_mem>> -> memref<1x!tpu.dma_semaphore, #tpu.memory_space<semaphore_mem>>
    %dma_start3A_288 = tpu.memref_squeeze %dma_start3A_287 : memref<1x!tpu.dma_semaphore, #tpu.memory_space<semaphore_mem>> -> memref<!tpu.dma_semaphore, #tpu.memory_space<semaphore_mem>>
    %dma_start3A_289 = arith.constant 0 : i32
    %dma_start3A_290 = arith.constant 0 : i32
    %dma_start3A_291 = tpu.memref_slice %arg6[%dma_start3A_277, %dma_start3A_289, %dma_start3A_290] : memref<3x25x160xi32, #tpu.memory_space<vmem>> -> memref<1x25x160xi32, #tpu.memory_space<vmem>>
    %dma_start3A_292 = tpu.memref_squeeze %dma_start3A_291 : memref<1x25x160xi32, #tpu.memory_space<vmem>> -> memref<25x160xi32, #tpu.memory_space<vmem>>
    %dma_start3A_293 = arith.constant 0 : i32
    %dma_start3A_294 = arith.constant 0 : i32
    %dma_start3A_295 = tpu.memref_slice %arg3[%arg1, %dma_start3A_276, %dma_start3A_293, %dma_start3A_294] : memref<16x5x25x160xi32, #tpu.memory_space<hbm>> -> memref<1x1x25x160xi32, #tpu.memory_space<hbm>>
    %dma_start3A_296 = tpu.memref_squeeze %dma_start3A_295 : memref<1x1x25x160xi32, #tpu.memory_space<hbm>> -> memref<25x160xi32, #tpu.memory_space<hbm>>
    tpu.enqueue_dma source(%dma_start3A_296 : memref<25x160xi32, #tpu.memory_space<hbm>>) target(%dma_start3A_292 : memref<25x160xi32, #tpu.memory_space<vmem>>) target_semaphore(%dma_start3A_288 : memref<!tpu.dma_semaphore, #tpu.memory_space<semaphore_mem>>)
    %dma_start3A_297 = arith.constant 1 : i32
    %dma_start3A_298 = arith.constant 1 : i32
    %dma_start3A_299 = arith.constant 1 : i32
    %dma_start3A_300 = arith.constant 0 : i32
    %dma_start3A_301 = arith.constant 0 : i32
    %dma_start3A_302 = tpu.memref_slice %arg7[%dma_start3A_298, %dma_start3A_300, %dma_start3A_301] : memref<3x25x160xi32, #tpu.memory_space<vmem>> -> memref<1x25x160xi32, #tpu.memory_space<vmem>>
    %dma_start3A_303 = tpu.memref_squeeze %dma_start3A_302 : memref<1x25x160xi32, #tpu.memory_space<vmem>> -> memref<25x160xi32, #tpu.memory_space<vmem>>
    %dma_start3A_304 = arith.constant 0 : i32
    %dma_start3A_305 = arith.constant 0 : i32
    %dma_start3A_306 = tpu.memref_slice %arg4[%arg1, %dma_start3A_297, %dma_start3A_304, %dma_start3A_305] : memref<16x5x25x160xi32, #tpu.memory_space<hbm>> -> memref<1x1x25x160xi32, #tpu.memory_space<hbm>>
    %dma_start3A_307 = tpu.memref_squeeze %dma_start3A_306 : memref<1x1x25x160xi32, #tpu.memory_space<hbm>> -> memref<25x160xi32, #tpu.memory_space<hbm>>
    %dma_start3A_308 = tpu.memref_slice %arg12[%dma_start3A_299] : memref<2x!tpu.dma_semaphore, #tpu.memory_space<semaphore_mem>> -> memref<1x!tpu.dma_semaphore, #tpu.memory_space<semaphore_mem>>
    %dma_start3A_309 = tpu.memref_squeeze %dma_start3A_308 : memref<1x!tpu.dma_semaphore, #tpu.memory_space<semaphore_mem>> -> memref<!tpu.dma_semaphore, #tpu.memory_space<semaphore_mem>>
    %dma_start3A_310 = arith.constant 0 : i32
    %dma_start3A_311 = arith.constant 0 : i32
    %dma_start3A_312 = tpu.memref_slice %arg7[%dma_start3A_298, %dma_start3A_310, %dma_start3A_311] : memref<3x25x160xi32, #tpu.memory_space<vmem>> -> memref<1x25x160xi32, #tpu.memory_space<vmem>>
    %dma_start3A_313 = tpu.memref_squeeze %dma_start3A_312 : memref<1x25x160xi32, #tpu.memory_space<vmem>> -> memref<25x160xi32, #tpu.memory_space<vmem>>
    %dma_start3A_314 = arith.constant 0 : i32
    %dma_start3A_315 = arith.constant 0 : i32
    %dma_start3A_316 = tpu.memref_slice %arg4[%arg1, %dma_start3A_297, %dma_start3A_314, %dma_start3A_315] : memref<16x5x25x160xi32, #tpu.memory_space<hbm>> -> memref<1x1x25x160xi32, #tpu.memory_space<hbm>>
    %dma_start3A_317 = tpu.memref_squeeze %dma_start3A_316 : memref<1x1x25x160xi32, #tpu.memory_space<hbm>> -> memref<25x160xi32, #tpu.memory_space<hbm>>
    tpu.enqueue_dma source(%dma_start3A_317 : memref<25x160xi32, #tpu.memory_space<hbm>>) target(%dma_start3A_313 : memref<25x160xi32, #tpu.memory_space<vmem>>) target_semaphore(%dma_start3A_309 : memref<!tpu.dma_semaphore, #tpu.memory_space<semaphore_mem>>)
    %scan3A_318 = arith.constant 0 : i32
    %scan3A_319 = arith.constant 0 : i32
    %scan3A_320 = arith.constant 20 : i32
    %scan3A_321 = arith.addi %scan3A_319, %scan3A_320 : i32
    %scan3A_322 = arith.constant 1 : i32
    scf.for %scan3A_973 = %scan3A_319 to %scan3A_321 step %scan3A_322  : i32 {
      %add3A_974 = arith.constant 0 : i32
      %add3A_975 = arith.addi %scan3A_973, %add3A_974 : i32
      %rem3A = arith.constant 6 : i32
      %rem3A_976 = arith.remsi %add3A_975, %rem3A : i32
      %add3A_977 = arith.constant 5 : i32
      %add3A_978 = arith.addi %scan3A_973, %add3A_977 : i32
      %add3A_979 = arith.constant 0 : i32
      %add3A_980 = arith.addi %add3A_978, %add3A_979 : i32
      %rem3A_981 = arith.constant 6 : i32
      %rem3A_982 = arith.remsi %add3A_980, %rem3A_981 : i32
      %dma_wait3A_983 = arith.constant 0 : i32
      %dma_wait3A_984 = arith.constant 0 : i32
      %dma_wait3A_985 = arith.constant 0 : i32
      %dma_wait3A_986 = tpu.memref_slice %arg8[%rem3A_976, %dma_wait3A_984, %dma_wait3A_985] : memref<6x160x64xf32, #tpu.memory_space<vmem>> -> memref<1x160x64xf32, #tpu.memory_space<vmem>>
      %dma_wait3A_987 = tpu.memref_squeeze %dma_wait3A_986 : memref<1x160x64xf32, #tpu.memory_space<vmem>> -> memref<160x64xf32, #tpu.memory_space<vmem>>
      %dma_wait3A_988 = arith.constant 0 : i32
      %dma_wait3A_989 = tpu.memref_slice %arg6[%dma_wait3A_983, %scan3A_973, %dma_wait3A_988] : memref<3x25x160xi32, #tpu.memory_space<vmem>> -> memref<1x1x160xi32, #tpu.memory_space<vmem>>
      %dma_wait3A_990 = tpu.memref_squeeze %dma_wait3A_989 : memref<1x1x160xi32, #tpu.memory_space<vmem>> -> memref<160xi32, #tpu.memory_space<vmem>>
      %dma_wait3A_991 = arith.constant 0 : i32
      %dma_wait3A_992 = tpu.memref_slice %arg2[%arg0, %dma_wait3A_991] : memref<20000x64xf32, #tpu.memory_space<hbm>> -> memref<19999x64xf32, #tpu.memory_space<hbm>>
      %dma_wait3A_993 = arith.constant 0 : i32
      %dma_wait3A_994 = arith.constant 0 : i32
      %dma_wait3A_995 = tpu.memref_slice %dma_wait3A_992[%dma_wait3A_993, %dma_wait3A_994] : memref<19999x64xf32, #tpu.memory_space<hbm>> -> memref<19999x64xf32, #tpu.memory_space<hbm>>
      %dma_wait3A_996 = tpu.memref_slice %arg11[%rem3A_976] : memref<6x!tpu.dma_semaphore, #tpu.memory_space<semaphore_mem>> -> memref<1x!tpu.dma_semaphore, #tpu.memory_space<semaphore_mem>>
      %dma_wait3A_997 = tpu.memref_squeeze %dma_wait3A_996 : memref<1x!tpu.dma_semaphore, #tpu.memory_space<semaphore_mem>> -> memref<!tpu.dma_semaphore, #tpu.memory_space<semaphore_mem>>
      tpu.wait_indirect_dma semaphore(%dma_wait3A_997 : memref<!tpu.dma_semaphore, #tpu.memory_space<semaphore_mem>>) src(%dma_wait3A_995 : memref<19999x64xf32, #tpu.memory_space<hbm>>) dst(%dma_wait3A_987 : memref<160x64xf32, #tpu.memory_space<vmem>>)
      %run_scoped3A_998 = arith.constant 0 : i32
      "tpu.region"() ({
        %run_scoped3A_1016 = tpu.sem_alloc : memref<!tpu.dma_semaphore, #tpu.memory_space<semaphore_mem>>
        %dma_start3A_1017 = arith.constant 0 : i32
        %dma_start3A_1018 = arith.constant 0 : i32
        %dma_start3A_1019 = tpu.memref_slice %arg8[%rem3A_976, %dma_start3A_1017, %dma_start3A_1018] : memref<6x160x64xf32, #tpu.memory_space<vmem>> -> memref<1x160x64xf32, #tpu.memory_space<vmem>>
        %dma_start3A_1020 = tpu.memref_squeeze %dma_start3A_1019 : memref<1x160x64xf32, #tpu.memory_space<vmem>> -> memref<160x64xf32, #tpu.memory_space<vmem>>
        %dma_start3A_1021 = arith.constant 0 : i32
        %dma_start3A_1022 = tpu.memref_slice %arg7[%run_scoped3A_998, %scan3A_973, %dma_start3A_1021] : memref<3x25x160xi32, #tpu.memory_space<vmem>> -> memref<1x1x160xi32, #tpu.memory_space<vmem>>
        %dma_start3A_1023 = tpu.memref_squeeze %dma_start3A_1022 : memref<1x1x160xi32, #tpu.memory_space<vmem>> -> memref<160xi32, #tpu.memory_space<vmem>>
        %dma_start3A_1024 = arith.constant 0 : i32
        %dma_start3A_1025 = arith.constant 0 : i32
        %dma_start3A_1026 = tpu.memref_slice %arg10[%dma_start3A_1024, %dma_start3A_1025] : memref<10240x64xf32, #tpu.memory_space<vmem_shared>> -> memref<10240x64xf32, #tpu.memory_space<vmem_shared>>
        tpu.enqueue_indirect_dma source(%dma_start3A_1020 : memref<160x64xf32, #tpu.memory_space<vmem>>) target(%dma_start3A_1026 : memref<10240x64xf32, #tpu.memory_space<vmem_shared>>) offsets(%dma_start3A_1023 : memref<160xi32, #tpu.memory_space<vmem>>) semaphore(%run_scoped3A_1016 : memref<!tpu.dma_semaphore, #tpu.memory_space<semaphore_mem>>) {add = true}
        %dma_wait3A_1027 = arith.constant 0 : i32
        %dma_wait3A_1028 = arith.constant 0 : i32
        %dma_wait3A_1029 = tpu.memref_slice %arg8[%rem3A_976, %dma_wait3A_1027, %dma_wait3A_1028] : memref<6x160x64xf32, #tpu.memory_space<vmem>> -> memref<1x160x64xf32, #tpu.memory_space<vmem>>
        %dma_wait3A_1030 = tpu.memref_squeeze %dma_wait3A_1029 : memref<1x160x64xf32, #tpu.memory_space<vmem>> -> memref<160x64xf32, #tpu.memory_space<vmem>>
        %dma_wait3A_1031 = arith.constant 0 : i32
        %dma_wait3A_1032 = tpu.memref_slice %arg7[%run_scoped3A_998, %scan3A_973, %dma_wait3A_1031] : memref<3x25x160xi32, #tpu.memory_space<vmem>> -> memref<1x1x160xi32, #tpu.memory_space<vmem>>
        %dma_wait3A_1033 = tpu.memref_squeeze %dma_wait3A_1032 : memref<1x1x160xi32, #tpu.memory_space<vmem>> -> memref<160xi32, #tpu.memory_space<vmem>>
        %dma_wait3A_1034 = arith.constant 0 : i32
        %dma_wait3A_1035 = arith.constant 0 : i32
        %dma_wait3A_1036 = tpu.memref_slice %arg10[%dma_wait3A_1034, %dma_wait3A_1035] : memref<10240x64xf32, #tpu.memory_space<vmem_shared>> -> memref<10240x64xf32, #tpu.memory_space<vmem_shared>>
        tpu.wait_indirect_dma semaphore(%run_scoped3A_1016 : memref<!tpu.dma_semaphore, #tpu.memory_space<semaphore_mem>>) src(%dma_wait3A_1030 : memref<160x64xf32, #tpu.memory_space<vmem>>) dst(%dma_wait3A_1036 : memref<10240x64xf32, #tpu.memory_space<vmem_shared>>)
        tpu.yield
      }) : () -> ()
      %add3A_999 = arith.constant 5 : i32
      %add3A_1000 = arith.addi %scan3A_973, %add3A_999 : i32
      %dma_start3A_1001 = arith.constant 0 : i32
      %dma_start3A_1002 = arith.constant 0 : i32
      %dma_start3A_1003 = arith.constant 0 : i32
      %dma_start3A_1004 = tpu.memref_slice %arg8[%rem3A_982, %dma_start3A_1002, %dma_start3A_1003] : memref<6x160x64xf32, #tpu.memory_space<vmem>> -> memref<1x160x64xf32, #tpu.memory_space<vmem>>
      %dma_start3A_1005 = tpu.memref_squeeze %dma_start3A_1004 : memref<1x160x64xf32, #tpu.memory_space<vmem>> -> memref<160x64xf32, #tpu.memory_space<vmem>>
      %dma_start3A_1006 = arith.constant 0 : i32
      %dma_start3A_1007 = tpu.memref_slice %arg6[%dma_start3A_1001, %add3A_1000, %dma_start3A_1006] : memref<3x25x160xi32, #tpu.memory_space<vmem>> -> memref<1x1x160xi32, #tpu.memory_space<vmem>>
      %dma_start3A_1008 = tpu.memref_squeeze %dma_start3A_1007 : memref<1x1x160xi32, #tpu.memory_space<vmem>> -> memref<160xi32, #tpu.memory_space<vmem>>
      %dma_start3A_1009 = arith.constant 0 : i32
      %dma_start3A_1010 = tpu.memref_slice %arg2[%arg0, %dma_start3A_1009] : memref<20000x64xf32, #tpu.memory_space<hbm>> -> memref<19999x64xf32, #tpu.memory_space<hbm>>
      %dma_start3A_1011 = arith.constant 0 : i32
      %dma_start3A_1012 = arith.constant 0 : i32
      %dma_start3A_1013 = tpu.memref_slice %dma_start3A_1010[%dma_start3A_1011, %dma_start3A_1012] : memref<19999x64xf32, #tpu.memory_space<hbm>> -> memref<19999x64xf32, #tpu.memory_space<hbm>>
      %dma_start3A_1014 = tpu.memref_slice %arg11[%rem3A_982] : memref<6x!tpu.dma_semaphore, #tpu.memory_space<semaphore_mem>> -> memref<1x!tpu.dma_semaphore, #tpu.memory_space<semaphore_mem>>
      %dma_start3A_1015 = tpu.memref_squeeze %dma_start3A_1014 : memref<1x!tpu.dma_semaphore, #tpu.memory_space<semaphore_mem>> -> memref<!tpu.dma_semaphore, #tpu.memory_space<semaphore_mem>>
      tpu.enqueue_indirect_dma source(%dma_start3A_1013 : memref<19999x64xf32, #tpu.memory_space<hbm>>) target(%dma_start3A_1005 : memref<160x64xf32, #tpu.memory_space<vmem>>) offsets(%dma_start3A_1008 : memref<160xi32, #tpu.memory_space<vmem>>) semaphore(%dma_start3A_1015 : memref<!tpu.dma_semaphore, #tpu.memory_space<semaphore_mem>>)
    }
    %scan3A_323 = arith.constant 20 : i32
    %dma_wait3A_324 = arith.constant 1 : i32
    %dma_wait3A_325 = arith.constant 1 : i32
    %dma_wait3A_326 = arith.constant 0 : i32
    %dma_wait3A_327 = arith.constant 0 : i32
    %dma_wait3A_328 = arith.constant 0 : i32
    %dma_wait3A_329 = tpu.memref_slice %arg6[%dma_wait3A_325, %dma_wait3A_327, %dma_wait3A_328] : memref<3x25x160xi32, #tpu.memory_space<vmem>> -> memref<1x25x160xi32, #tpu.memory_space<vmem>>
    %dma_wait3A_330 = tpu.memref_squeeze %dma_wait3A_329 : memref<1x25x160xi32, #tpu.memory_space<vmem>> -> memref<25x160xi32, #tpu.memory_space<vmem>>
    %dma_wait3A_331 = arith.constant 0 : i32
    %dma_wait3A_332 = arith.constant 0 : i32
    %dma_wait3A_333 = tpu.memref_slice %arg3[%arg1, %dma_wait3A_324, %dma_wait3A_331, %dma_wait3A_332] : memref<16x5x25x160xi32, #tpu.memory_space<hbm>> -> memref<1x1x25x160xi32, #tpu.memory_space<hbm>>
    %dma_wait3A_334 = tpu.memref_squeeze %dma_wait3A_333 : memref<1x1x25x160xi32, #tpu.memory_space<hbm>> -> memref<25x160xi32, #tpu.memory_space<hbm>>
    %dma_wait3A_335 = tpu.memref_slice %arg12[%dma_wait3A_326] : memref<2x!tpu.dma_semaphore, #tpu.memory_space<semaphore_mem>> -> memref<1x!tpu.dma_semaphore, #tpu.memory_space<semaphore_mem>>
    %dma_wait3A_336 = tpu.memref_squeeze %dma_wait3A_335 : memref<1x!tpu.dma_semaphore, #tpu.memory_space<semaphore_mem>> -> memref<!tpu.dma_semaphore, #tpu.memory_space<semaphore_mem>>
    %dma_wait3A_337 = arith.constant 0 : i32
    %dma_wait3A_338 = arith.constant 0 : i32
    %dma_wait3A_339 = tpu.memref_slice %arg6[%dma_wait3A_325, %dma_wait3A_337, %dma_wait3A_338] : memref<3x25x160xi32, #tpu.memory_space<vmem>> -> memref<1x25x160xi32, #tpu.memory_space<vmem>>
    %dma_wait3A_340 = tpu.memref_squeeze %dma_wait3A_339 : memref<1x25x160xi32, #tpu.memory_space<vmem>> -> memref<25x160xi32, #tpu.memory_space<vmem>>
    %dma_wait3A_341 = arith.constant 0 : i32
    %dma_wait3A_342 = arith.constant 0 : i32
    %dma_wait3A_343 = tpu.memref_slice %arg3[%arg1, %dma_wait3A_324, %dma_wait3A_341, %dma_wait3A_342] : memref<16x5x25x160xi32, #tpu.memory_space<hbm>> -> memref<1x1x25x160xi32, #tpu.memory_space<hbm>>
    %dma_wait3A_344 = tpu.memref_squeeze %dma_wait3A_343 : memref<1x1x25x160xi32, #tpu.memory_space<hbm>> -> memref<25x160xi32, #tpu.memory_space<hbm>>
    tpu.wait_dma2 semaphore(%dma_wait3A_336 : memref<!tpu.dma_semaphore, #tpu.memory_space<semaphore_mem>>) src(%dma_wait3A_344 : memref<25x160xi32, #tpu.memory_space<hbm>>) dst(%dma_wait3A_340 : memref<25x160xi32, #tpu.memory_space<vmem>>)
    %dma_wait3A_345 = arith.constant 1 : i32
    %dma_wait3A_346 = arith.constant 1 : i32
    %dma_wait3A_347 = arith.constant 1 : i32
    %dma_wait3A_348 = arith.constant 0 : i32
    %dma_wait3A_349 = arith.constant 0 : i32
    %dma_wait3A_350 = tpu.memref_slice %arg7[%dma_wait3A_346, %dma_wait3A_348, %dma_wait3A_349] : memref<3x25x160xi32, #tpu.memory_space<vmem>> -> memref<1x25x160xi32, #tpu.memory_space<vmem>>
    %dma_wait3A_351 = tpu.memref_squeeze %dma_wait3A_350 : memref<1x25x160xi32, #tpu.memory_space<vmem>> -> memref<25x160xi32, #tpu.memory_space<vmem>>
    %dma_wait3A_352 = arith.constant 0 : i32
    %dma_wait3A_353 = arith.constant 0 : i32
    %dma_wait3A_354 = tpu.memref_slice %arg4[%arg1, %dma_wait3A_345, %dma_wait3A_352, %dma_wait3A_353] : memref<16x5x25x160xi32, #tpu.memory_space<hbm>> -> memref<1x1x25x160xi32, #tpu.memory_space<hbm>>
    %dma_wait3A_355 = tpu.memref_squeeze %dma_wait3A_354 : memref<1x1x25x160xi32, #tpu.memory_space<hbm>> -> memref<25x160xi32, #tpu.memory_space<hbm>>
    %dma_wait3A_356 = tpu.memref_slice %arg12[%dma_wait3A_347] : memref<2x!tpu.dma_semaphore, #tpu.memory_space<semaphore_mem>> -> memref<1x!tpu.dma_semaphore, #tpu.memory_space<semaphore_mem>>
    %dma_wait3A_357 = tpu.memref_squeeze %dma_wait3A_356 : memref<1x!tpu.dma_semaphore, #tpu.memory_space<semaphore_mem>> -> memref<!tpu.dma_semaphore, #tpu.memory_space<semaphore_mem>>
    %dma_wait3A_358 = arith.constant 0 : i32
    %dma_wait3A_359 = arith.constant 0 : i32
    %dma_wait3A_360 = tpu.memref_slice %arg7[%dma_wait3A_346, %dma_wait3A_358, %dma_wait3A_359] : memref<3x25x160xi32, #tpu.memory_space<vmem>> -> memref<1x25x160xi32, #tpu.memory_space<vmem>>
    %dma_wait3A_361 = tpu.memref_squeeze %dma_wait3A_360 : memref<1x25x160xi32, #tpu.memory_space<vmem>> -> memref<25x160xi32, #tpu.memory_space<vmem>>
    %dma_wait3A_362 = arith.constant 0 : i32
    %dma_wait3A_363 = arith.constant 0 : i32
    %dma_wait3A_364 = tpu.memref_slice %arg4[%arg1, %dma_wait3A_345, %dma_wait3A_362, %dma_wait3A_363] : memref<16x5x25x160xi32, #tpu.memory_space<hbm>> -> memref<1x1x25x160xi32, #tpu.memory_space<hbm>>
    %dma_wait3A_365 = tpu.memref_squeeze %dma_wait3A_364 : memref<1x1x25x160xi32, #tpu.memory_space<hbm>> -> memref<25x160xi32, #tpu.memory_space<hbm>>
    tpu.wait_dma2 semaphore(%dma_wait3A_357 : memref<!tpu.dma_semaphore, #tpu.memory_space<semaphore_mem>>) src(%dma_wait3A_365 : memref<25x160xi32, #tpu.memory_space<hbm>>) dst(%dma_wait3A_361 : memref<25x160xi32, #tpu.memory_space<vmem>>)
    %scan3A_366 = arith.constant 0 : i32
    %scan3A_367 = arith.constant 20 : i32
    %scan3A_368 = arith.constant 5 : i32
    %scan3A_369 = arith.addi %scan3A_367, %scan3A_368 : i32
    %scan3A_370 = arith.constant 1 : i32
    scf.for %scan3A_973 = %scan3A_367 to %scan3A_369 step %scan3A_370  : i32 {
      %add3A_974 = arith.constant 0 : i32
      %add3A_975 = arith.addi %scan3A_973, %add3A_974 : i32
      %rem3A = arith.constant 6 : i32
      %rem3A_976 = arith.remsi %add3A_975, %rem3A : i32
      %add3A_977 = arith.constant 5 : i32
      %add3A_978 = arith.addi %scan3A_973, %add3A_977 : i32
      %add3A_979 = arith.constant 0 : i32
      %add3A_980 = arith.addi %add3A_978, %add3A_979 : i32
      %rem3A_981 = arith.constant 6 : i32
      %rem3A_982 = arith.remsi %add3A_980, %rem3A_981 : i32
      %dma_wait3A_983 = arith.constant 0 : i32
      %dma_wait3A_984 = arith.constant 0 : i32
      %dma_wait3A_985 = arith.constant 0 : i32
      %dma_wait3A_986 = tpu.memref_slice %arg8[%rem3A_976, %dma_wait3A_984, %dma_wait3A_985] : memref<6x160x64xf32, #tpu.memory_space<vmem>> -> memref<1x160x64xf32, #tpu.memory_space<vmem>>
      %dma_wait3A_987 = tpu.memref_squeeze %dma_wait3A_986 : memref<1x160x64xf32, #tpu.memory_space<vmem>> -> memref<160x64xf32, #tpu.memory_space<vmem>>
      %dma_wait3A_988 = arith.constant 0 : i32
      %dma_wait3A_989 = tpu.memref_slice %arg6[%dma_wait3A_983, %scan3A_973, %dma_wait3A_988] : memref<3x25x160xi32, #tpu.memory_space<vmem>> -> memref<1x1x160xi32, #tpu.memory_space<vmem>>
      %dma_wait3A_990 = tpu.memref_squeeze %dma_wait3A_989 : memref<1x1x160xi32, #tpu.memory_space<vmem>> -> memref<160xi32, #tpu.memory_space<vmem>>
      %dma_wait3A_991 = arith.constant 0 : i32
      %dma_wait3A_992 = tpu.memref_slice %arg2[%arg0, %dma_wait3A_991] : memref<20000x64xf32, #tpu.memory_space<hbm>> -> memref<19999x64xf32, #tpu.memory_space<hbm>>
      %dma_wait3A_993 = arith.constant 0 : i32
      %dma_wait3A_994 = arith.constant 0 : i32
      %dma_wait3A_995 = tpu.memref_slice %dma_wait3A_992[%dma_wait3A_993, %dma_wait3A_994] : memref<19999x64xf32, #tpu.memory_space<hbm>> -> memref<19999x64xf32, #tpu.memory_space<hbm>>
      %dma_wait3A_996 = tpu.memref_slice %arg11[%rem3A_976] : memref<6x!tpu.dma_semaphore, #tpu.memory_space<semaphore_mem>> -> memref<1x!tpu.dma_semaphore, #tpu.memory_space<semaphore_mem>>
      %dma_wait3A_997 = tpu.memref_squeeze %dma_wait3A_996 : memref<1x!tpu.dma_semaphore, #tpu.memory_space<semaphore_mem>> -> memref<!tpu.dma_semaphore, #tpu.memory_space<semaphore_mem>>
      tpu.wait_indirect_dma semaphore(%dma_wait3A_997 : memref<!tpu.dma_semaphore, #tpu.memory_space<semaphore_mem>>) src(%dma_wait3A_995 : memref<19999x64xf32, #tpu.memory_space<hbm>>) dst(%dma_wait3A_987 : memref<160x64xf32, #tpu.memory_space<vmem>>)
      %run_scoped3A_998 = arith.constant 0 : i32
      "tpu.region"() ({
        %run_scoped3A_1017 = tpu.sem_alloc : memref<!tpu.dma_semaphore, #tpu.memory_space<semaphore_mem>>
        %dma_start3A_1018 = arith.constant 0 : i32
        %dma_start3A_1019 = arith.constant 0 : i32
        %dma_start3A_1020 = tpu.memref_slice %arg8[%rem3A_976, %dma_start3A_1018, %dma_start3A_1019] : memref<6x160x64xf32, #tpu.memory_space<vmem>> -> memref<1x160x64xf32, #tpu.memory_space<vmem>>
        %dma_start3A_1021 = tpu.memref_squeeze %dma_start3A_1020 : memref<1x160x64xf32, #tpu.memory_space<vmem>> -> memref<160x64xf32, #tpu.memory_space<vmem>>
        %dma_start3A_1022 = arith.constant 0 : i32
        %dma_start3A_1023 = tpu.memref_slice %arg7[%run_scoped3A_998, %scan3A_973, %dma_start3A_1022] : memref<3x25x160xi32, #tpu.memory_space<vmem>> -> memref<1x1x160xi32, #tpu.memory_space<vmem>>
        %dma_start3A_1024 = tpu.memref_squeeze %dma_start3A_1023 : memref<1x1x160xi32, #tpu.memory_space<vmem>> -> memref<160xi32, #tpu.memory_space<vmem>>
        %dma_start3A_1025 = arith.constant 0 : i32
        %dma_start3A_1026 = arith.constant 0 : i32
        %dma_start3A_1027 = tpu.memref_slice %arg10[%dma_start3A_1025, %dma_start3A_1026] : memref<10240x64xf32, #tpu.memory_space<vmem_shared>> -> memref<10240x64xf32, #tpu.memory_space<vmem_shared>>
        tpu.enqueue_indirect_dma source(%dma_start3A_1021 : memref<160x64xf32, #tpu.memory_space<vmem>>) target(%dma_start3A_1027 : memref<10240x64xf32, #tpu.memory_space<vmem_shared>>) offsets(%dma_start3A_1024 : memref<160xi32, #tpu.memory_space<vmem>>) semaphore(%run_scoped3A_1017 : memref<!tpu.dma_semaphore, #tpu.memory_space<semaphore_mem>>) {add = true}
        %dma_wait3A_1028 = arith.constant 0 : i32
        %dma_wait3A_1029 = arith.constant 0 : i32
        %dma_wait3A_1030 = tpu.memref_slice %arg8[%rem3A_976, %dma_wait3A_1028, %dma_wait3A_1029] : memref<6x160x64xf32, #tpu.memory_space<vmem>> -> memref<1x160x64xf32, #tpu.memory_space<vmem>>
        %dma_wait3A_1031 = tpu.memref_squeeze %dma_wait3A_1030 : memref<1x160x64xf32, #tpu.memory_space<vmem>> -> memref<160x64xf32, #tpu.memory_space<vmem>>
        %dma_wait3A_1032 = arith.constant 0 : i32
        %dma_wait3A_1033 = tpu.memref_slice %arg7[%run_scoped3A_998, %scan3A_973, %dma_wait3A_1032] : memref<3x25x160xi32, #tpu.memory_space<vmem>> -> memref<1x1x160xi32, #tpu.memory_space<vmem>>
        %dma_wait3A_1034 = tpu.memref_squeeze %dma_wait3A_1033 : memref<1x1x160xi32, #tpu.memory_space<vmem>> -> memref<160xi32, #tpu.memory_space<vmem>>
        %dma_wait3A_1035 = arith.constant 0 : i32
        %dma_wait3A_1036 = arith.constant 0 : i32
        %dma_wait3A_1037 = tpu.memref_slice %arg10[%dma_wait3A_1035, %dma_wait3A_1036] : memref<10240x64xf32, #tpu.memory_space<vmem_shared>> -> memref<10240x64xf32, #tpu.memory_space<vmem_shared>>
        tpu.wait_indirect_dma semaphore(%run_scoped3A_1017 : memref<!tpu.dma_semaphore, #tpu.memory_space<semaphore_mem>>) src(%dma_wait3A_1031 : memref<160x64xf32, #tpu.memory_space<vmem>>) dst(%dma_wait3A_1037 : memref<10240x64xf32, #tpu.memory_space<vmem_shared>>)
        tpu.yield
      }) : () -> ()
      %add3A_999 = arith.constant 5 : i32
      %add3A_1000 = arith.addi %scan3A_973, %add3A_999 : i32
      %sub3A = arith.constant 25 : i32
      %sub3A_1001 = arith.subi %add3A_1000, %sub3A : i32
      %dma_start3A_1002 = arith.constant 1 : i32
      %dma_start3A_1003 = arith.constant 0 : i32
      %dma_start3A_1004 = arith.constant 0 : i32
      %dma_start3A_1005 = tpu.memref_slice %arg8[%rem3A_982, %dma_start3A_1003, %dma_start3A_1004] : memref<6x160x64xf32, #tpu.memory_space<vmem>> -> memref<1x160x64xf32, #tpu.memory_space<vmem>>
      %dma_start3A_1006 = tpu.memref_squeeze %dma_start3A_1005 : memref<1x160x64xf32, #tpu.memory_space<vmem>> -> memref<160x64xf32, #tpu.memory_space<vmem>>
      %dma_start3A_1007 = arith.constant 0 : i32
      %dma_start3A_1008 = tpu.memref_slice %arg6[%dma_start3A_1002, %sub3A_1001, %dma_start3A_1007] : memref<3x25x160xi32, #tpu.memory_space<vmem>> -> memref<1x1x160xi32, #tpu.memory_space<vmem>>
      %dma_start3A_1009 = tpu.memref_squeeze %dma_start3A_1008 : memref<1x1x160xi32, #tpu.memory_space<vmem>> -> memref<160xi32, #tpu.memory_space<vmem>>
      %dma_start3A_1010 = arith.constant 0 : i32
      %dma_start3A_1011 = tpu.memref_slice %arg2[%arg0, %dma_start3A_1010] : memref<20000x64xf32, #tpu.memory_space<hbm>> -> memref<19999x64xf32, #tpu.memory_space<hbm>>
      %dma_start3A_1012 = arith.constant 0 : i32
      %dma_start3A_1013 = arith.constant 0 : i32
      %dma_start3A_1014 = tpu.memref_slice %dma_start3A_1011[%dma_start3A_1012, %dma_start3A_1013] : memref<19999x64xf32, #tpu.memory_space<hbm>> -> memref<19999x64xf32, #tpu.memory_space<hbm>>
      %dma_start3A_1015 = tpu.memref_slice %arg11[%rem3A_982] : memref<6x!tpu.dma_semaphore, #tpu.memory_space<semaphore_mem>> -> memref<1x!tpu.dma_semaphore, #tpu.memory_space<semaphore_mem>>
      %dma_start3A_1016 = tpu.memref_squeeze %dma_start3A_1015 : memref<1x!tpu.dma_semaphore, #tpu.memory_space<semaphore_mem>> -> memref<!tpu.dma_semaphore, #tpu.memory_space<semaphore_mem>>
      tpu.enqueue_indirect_dma source(%dma_start3A_1014 : memref<19999x64xf32, #tpu.memory_space<hbm>>) target(%dma_start3A_1006 : memref<160x64xf32, #tpu.memory_space<vmem>>) offsets(%dma_start3A_1009 : memref<160xi32, #tpu.memory_space<vmem>>) semaphore(%dma_start3A_1016 : memref<!tpu.dma_semaphore, #tpu.memory_space<semaphore_mem>>)
    }
    %scan3A_371 = arith.constant 5 : i32
    %dma_start3A_372 = arith.constant 2 : i32
    %dma_start3A_373 = arith.constant 2 : i32
    %dma_start3A_374 = arith.constant 0 : i32
    %dma_start3A_375 = arith.constant 0 : i32
    %dma_start3A_376 = arith.constant 0 : i32
    %dma_start3A_377 = tpu.memref_slice %arg6[%dma_start3A_373, %dma_start3A_375, %dma_start3A_376] : memref<3x25x160xi32, #tpu.memory_space<vmem>> -> memref<1x25x160xi32, #tpu.memory_space<vmem>>
    %dma_start3A_378 = tpu.memref_squeeze %dma_start3A_377 : memref<1x25x160xi32, #tpu.memory_space<vmem>> -> memref<25x160xi32, #tpu.memory_space<vmem>>
    %dma_start3A_379 = arith.constant 0 : i32
    %dma_start3A_380 = arith.constant 0 : i32
    %dma_start3A_381 = tpu.memref_slice %arg3[%arg1, %dma_start3A_372, %dma_start3A_379, %dma_start3A_380] : memref<16x5x25x160xi32, #tpu.memory_space<hbm>> -> memref<1x1x25x160xi32, #tpu.memory_space<hbm>>
    %dma_start3A_382 = tpu.memref_squeeze %dma_start3A_381 : memref<1x1x25x160xi32, #tpu.memory_space<hbm>> -> memref<25x160xi32, #tpu.memory_space<hbm>>
    %dma_start3A_383 = tpu.memref_slice %arg12[%dma_start3A_374] : memref<2x!tpu.dma_semaphore, #tpu.memory_space<semaphore_mem>> -> memref<1x!tpu.dma_semaphore, #tpu.memory_space<semaphore_mem>>
    %dma_start3A_384 = tpu.memref_squeeze %dma_start3A_383 : memref<1x!tpu.dma_semaphore, #tpu.memory_space<semaphore_mem>> -> memref<!tpu.dma_semaphore, #tpu.memory_space<semaphore_mem>>
    %dma_start3A_385 = arith.constant 0 : i32
    %dma_start3A_386 = arith.constant 0 : i32
    %dma_start3A_387 = tpu.memref_slice %arg6[%dma_start3A_373, %dma_start3A_385, %dma_start3A_386] : memref<3x25x160xi32, #tpu.memory_space<vmem>> -> memref<1x25x160xi32, #tpu.memory_space<vmem>>
    %dma_start3A_388 = tpu.memref_squeeze %dma_start3A_387 : memref<1x25x160xi32, #tpu.memory_space<vmem>> -> memref<25x160xi32, #tpu.memory_space<vmem>>
    %dma_start3A_389 = arith.constant 0 : i32
    %dma_start3A_390 = arith.constant 0 : i32
    %dma_start3A_391 = tpu.memref_slice %arg3[%arg1, %dma_start3A_372, %dma_start3A_389, %dma_start3A_390] : memref<16x5x25x160xi32, #tpu.memory_space<hbm>> -> memref<1x1x25x160xi32, #tpu.memory_space<hbm>>
    %dma_start3A_392 = tpu.memref_squeeze %dma_start3A_391 : memref<1x1x25x160xi32, #tpu.memory_space<hbm>> -> memref<25x160xi32, #tpu.memory_space<hbm>>
    tpu.enqueue_dma source(%dma_start3A_392 : memref<25x160xi32, #tpu.memory_space<hbm>>) target(%dma_start3A_388 : memref<25x160xi32, #tpu.memory_space<vmem>>) target_semaphore(%dma_start3A_384 : memref<!tpu.dma_semaphore, #tpu.memory_space<semaphore_mem>>)
    %dma_start3A_393 = arith.constant 2 : i32
    %dma_start3A_394 = arith.constant 2 : i32
    %dma_start3A_395 = arith.constant 1 : i32
    %dma_start3A_396 = arith.constant 0 : i32
    %dma_start3A_397 = arith.constant 0 : i32
    %dma_start3A_398 = tpu.memref_slice %arg7[%dma_start3A_394, %dma_start3A_396, %dma_start3A_397] : memref<3x25x160xi32, #tpu.memory_space<vmem>> -> memref<1x25x160xi32, #tpu.memory_space<vmem>>
    %dma_start3A_399 = tpu.memref_squeeze %dma_start3A_398 : memref<1x25x160xi32, #tpu.memory_space<vmem>> -> memref<25x160xi32, #tpu.memory_space<vmem>>
    %dma_start3A_400 = arith.constant 0 : i32
    %dma_start3A_401 = arith.constant 0 : i32
    %dma_start3A_402 = tpu.memref_slice %arg4[%arg1, %dma_start3A_393, %dma_start3A_400, %dma_start3A_401] : memref<16x5x25x160xi32, #tpu.memory_space<hbm>> -> memref<1x1x25x160xi32, #tpu.memory_space<hbm>>
    %dma_start3A_403 = tpu.memref_squeeze %dma_start3A_402 : memref<1x1x25x160xi32, #tpu.memory_space<hbm>> -> memref<25x160xi32, #tpu.memory_space<hbm>>
    %dma_start3A_404 = tpu.memref_slice %arg12[%dma_start3A_395] : memref<2x!tpu.dma_semaphore, #tpu.memory_space<semaphore_mem>> -> memref<1x!tpu.dma_semaphore, #tpu.memory_space<semaphore_mem>>
    %dma_start3A_405 = tpu.memref_squeeze %dma_start3A_404 : memref<1x!tpu.dma_semaphore, #tpu.memory_space<semaphore_mem>> -> memref<!tpu.dma_semaphore, #tpu.memory_space<semaphore_mem>>
    %dma_start3A_406 = arith.constant 0 : i32
    %dma_start3A_407 = arith.constant 0 : i32
    %dma_start3A_408 = tpu.memref_slice %arg7[%dma_start3A_394, %dma_start3A_406, %dma_start3A_407] : memref<3x25x160xi32, #tpu.memory_space<vmem>> -> memref<1x25x160xi32, #tpu.memory_space<vmem>>
    %dma_start3A_409 = tpu.memref_squeeze %dma_start3A_408 : memref<1x25x160xi32, #tpu.memory_space<vmem>> -> memref<25x160xi32, #tpu.memory_space<vmem>>
    %dma_start3A_410 = arith.constant 0 : i32
    %dma_start3A_411 = arith.constant 0 : i32
    %dma_start3A_412 = tpu.memref_slice %arg4[%arg1, %dma_start3A_393, %dma_start3A_410, %dma_start3A_411] : memref<16x5x25x160xi32, #tpu.memory_space<hbm>> -> memref<1x1x25x160xi32, #tpu.memory_space<hbm>>
    %dma_start3A_413 = tpu.memref_squeeze %dma_start3A_412 : memref<1x1x25x160xi32, #tpu.memory_space<hbm>> -> memref<25x160xi32, #tpu.memory_space<hbm>>
    tpu.enqueue_dma source(%dma_start3A_413 : memref<25x160xi32, #tpu.memory_space<hbm>>) target(%dma_start3A_409 : memref<25x160xi32, #tpu.memory_space<vmem>>) target_semaphore(%dma_start3A_405 : memref<!tpu.dma_semaphore, #tpu.memory_space<semaphore_mem>>)
    %scan3A_414 = arith.constant 0 : i32
    %scan3A_415 = arith.constant 0 : i32
    %scan3A_416 = arith.constant 20 : i32
    %scan3A_417 = arith.addi %scan3A_415, %scan3A_416 : i32
    %scan3A_418 = arith.constant 1 : i32
    scf.for %scan3A_973 = %scan3A_415 to %scan3A_417 step %scan3A_418  : i32 {
      %add3A_974 = arith.constant 1 : i32
      %add3A_975 = arith.addi %scan3A_973, %add3A_974 : i32
      %rem3A = arith.constant 6 : i32
      %rem3A_976 = arith.remsi %add3A_975, %rem3A : i32
      %add3A_977 = arith.constant 5 : i32
      %add3A_978 = arith.addi %scan3A_973, %add3A_977 : i32
      %add3A_979 = arith.constant 1 : i32
      %add3A_980 = arith.addi %add3A_978, %add3A_979 : i32
      %rem3A_981 = arith.constant 6 : i32
      %rem3A_982 = arith.remsi %add3A_980, %rem3A_981 : i32
      %dma_wait3A_983 = arith.constant 1 : i32
      %dma_wait3A_984 = arith.constant 0 : i32
      %dma_wait3A_985 = arith.constant 0 : i32
      %dma_wait3A_986 = tpu.memref_slice %arg8[%rem3A_976, %dma_wait3A_984, %dma_wait3A_985] : memref<6x160x64xf32, #tpu.memory_space<vmem>> -> memref<1x160x64xf32, #tpu.memory_space<vmem>>
      %dma_wait3A_987 = tpu.memref_squeeze %dma_wait3A_986 : memref<1x160x64xf32, #tpu.memory_space<vmem>> -> memref<160x64xf32, #tpu.memory_space<vmem>>
      %dma_wait3A_988 = arith.constant 0 : i32
      %dma_wait3A_989 = tpu.memref_slice %arg6[%dma_wait3A_983, %scan3A_973, %dma_wait3A_988] : memref<3x25x160xi32, #tpu.memory_space<vmem>> -> memref<1x1x160xi32, #tpu.memory_space<vmem>>
      %dma_wait3A_990 = tpu.memref_squeeze %dma_wait3A_989 : memref<1x1x160xi32, #tpu.memory_space<vmem>> -> memref<160xi32, #tpu.memory_space<vmem>>
      %dma_wait3A_991 = arith.constant 0 : i32
      %dma_wait3A_992 = tpu.memref_slice %arg2[%arg0, %dma_wait3A_991] : memref<20000x64xf32, #tpu.memory_space<hbm>> -> memref<19999x64xf32, #tpu.memory_space<hbm>>
      %dma_wait3A_993 = arith.constant 0 : i32
      %dma_wait3A_994 = arith.constant 0 : i32
      %dma_wait3A_995 = tpu.memref_slice %dma_wait3A_992[%dma_wait3A_993, %dma_wait3A_994] : memref<19999x64xf32, #tpu.memory_space<hbm>> -> memref<19999x64xf32, #tpu.memory_space<hbm>>
      %dma_wait3A_996 = tpu.memref_slice %arg11[%rem3A_976] : memref<6x!tpu.dma_semaphore, #tpu.memory_space<semaphore_mem>> -> memref<1x!tpu.dma_semaphore, #tpu.memory_space<semaphore_mem>>
      %dma_wait3A_997 = tpu.memref_squeeze %dma_wait3A_996 : memref<1x!tpu.dma_semaphore, #tpu.memory_space<semaphore_mem>> -> memref<!tpu.dma_semaphore, #tpu.memory_space<semaphore_mem>>
      tpu.wait_indirect_dma semaphore(%dma_wait3A_997 : memref<!tpu.dma_semaphore, #tpu.memory_space<semaphore_mem>>) src(%dma_wait3A_995 : memref<19999x64xf32, #tpu.memory_space<hbm>>) dst(%dma_wait3A_987 : memref<160x64xf32, #tpu.memory_space<vmem>>)
      %run_scoped3A_998 = arith.constant 1 : i32
      "tpu.region"() ({
        %run_scoped3A_1016 = tpu.sem_alloc : memref<!tpu.dma_semaphore, #tpu.memory_space<semaphore_mem>>
        %dma_start3A_1017 = arith.constant 0 : i32
        %dma_start3A_1018 = arith.constant 0 : i32
        %dma_start3A_1019 = tpu.memref_slice %arg8[%rem3A_976, %dma_start3A_1017, %dma_start3A_1018] : memref<6x160x64xf32, #tpu.memory_space<vmem>> -> memref<1x160x64xf32, #tpu.memory_space<vmem>>
        %dma_start3A_1020 = tpu.memref_squeeze %dma_start3A_1019 : memref<1x160x64xf32, #tpu.memory_space<vmem>> -> memref<160x64xf32, #tpu.memory_space<vmem>>
        %dma_start3A_1021 = arith.constant 0 : i32
        %dma_start3A_1022 = tpu.memref_slice %arg7[%run_scoped3A_998, %scan3A_973, %dma_start3A_1021] : memref<3x25x160xi32, #tpu.memory_space<vmem>> -> memref<1x1x160xi32, #tpu.memory_space<vmem>>
        %dma_start3A_1023 = tpu.memref_squeeze %dma_start3A_1022 : memref<1x1x160xi32, #tpu.memory_space<vmem>> -> memref<160xi32, #tpu.memory_space<vmem>>
        %dma_start3A_1024 = arith.constant 0 : i32
        %dma_start3A_1025 = arith.constant 0 : i32
        %dma_start3A_1026 = tpu.memref_slice %arg10[%dma_start3A_1024, %dma_start3A_1025] : memref<10240x64xf32, #tpu.memory_space<vmem_shared>> -> memref<10240x64xf32, #tpu.memory_space<vmem_shared>>
        tpu.enqueue_indirect_dma source(%dma_start3A_1020 : memref<160x64xf32, #tpu.memory_space<vmem>>) target(%dma_start3A_1026 : memref<10240x64xf32, #tpu.memory_space<vmem_shared>>) offsets(%dma_start3A_1023 : memref<160xi32, #tpu.memory_space<vmem>>) semaphore(%run_scoped3A_1016 : memref<!tpu.dma_semaphore, #tpu.memory_space<semaphore_mem>>) {add = true}
        %dma_wait3A_1027 = arith.constant 0 : i32
        %dma_wait3A_1028 = arith.constant 0 : i32
        %dma_wait3A_1029 = tpu.memref_slice %arg8[%rem3A_976, %dma_wait3A_1027, %dma_wait3A_1028] : memref<6x160x64xf32, #tpu.memory_space<vmem>> -> memref<1x160x64xf32, #tpu.memory_space<vmem>>
        %dma_wait3A_1030 = tpu.memref_squeeze %dma_wait3A_1029 : memref<1x160x64xf32, #tpu.memory_space<vmem>> -> memref<160x64xf32, #tpu.memory_space<vmem>>
        %dma_wait3A_1031 = arith.constant 0 : i32
        %dma_wait3A_1032 = tpu.memref_slice %arg7[%run_scoped3A_998, %scan3A_973, %dma_wait3A_1031] : memref<3x25x160xi32, #tpu.memory_space<vmem>> -> memref<1x1x160xi32, #tpu.memory_space<vmem>>
        %dma_wait3A_1033 = tpu.memref_squeeze %dma_wait3A_1032 : memref<1x1x160xi32, #tpu.memory_space<vmem>> -> memref<160xi32, #tpu.memory_space<vmem>>
        %dma_wait3A_1034 = arith.constant 0 : i32
        %dma_wait3A_1035 = arith.constant 0 : i32
        %dma_wait3A_1036 = tpu.memref_slice %arg10[%dma_wait3A_1034, %dma_wait3A_1035] : memref<10240x64xf32, #tpu.memory_space<vmem_shared>> -> memref<10240x64xf32, #tpu.memory_space<vmem_shared>>
        tpu.wait_indirect_dma semaphore(%run_scoped3A_1016 : memref<!tpu.dma_semaphore, #tpu.memory_space<semaphore_mem>>) src(%dma_wait3A_1030 : memref<160x64xf32, #tpu.memory_space<vmem>>) dst(%dma_wait3A_1036 : memref<10240x64xf32, #tpu.memory_space<vmem_shared>>)
        tpu.yield
      }) : () -> ()
      %add3A_999 = arith.constant 5 : i32
      %add3A_1000 = arith.addi %scan3A_973, %add3A_999 : i32
      %dma_start3A_1001 = arith.constant 1 : i32
      %dma_start3A_1002 = arith.constant 0 : i32
      %dma_start3A_1003 = arith.constant 0 : i32
      %dma_start3A_1004 = tpu.memref_slice %arg8[%rem3A_982, %dma_start3A_1002, %dma_start3A_1003] : memref<6x160x64xf32, #tpu.memory_space<vmem>> -> memref<1x160x64xf32, #tpu.memory_space<vmem>>
      %dma_start3A_1005 = tpu.memref_squeeze %dma_start3A_1004 : memref<1x160x64xf32, #tpu.memory_space<vmem>> -> memref<160x64xf32, #tpu.memory_space<vmem>>
      %dma_start3A_1006 = arith.constant 0 : i32
      %dma_start3A_1007 = tpu.memref_slice %arg6[%dma_start3A_1001, %add3A_1000, %dma_start3A_1006] : memref<3x25x160xi32, #tpu.memory_space<vmem>> -> memref<1x1x160xi32, #tpu.memory_space<vmem>>
      %dma_start3A_1008 = tpu.memref_squeeze %dma_start3A_1007 : memref<1x1x160xi32, #tpu.memory_space<vmem>> -> memref<160xi32, #tpu.memory_space<vmem>>
      %dma_start3A_1009 = arith.constant 0 : i32
      %dma_start3A_1010 = tpu.memref_slice %arg2[%arg0, %dma_start3A_1009] : memref<20000x64xf32, #tpu.memory_space<hbm>> -> memref<19999x64xf32, #tpu.memory_space<hbm>>
      %dma_start3A_1011 = arith.constant 0 : i32
      %dma_start3A_1012 = arith.constant 0 : i32
      %dma_start3A_1013 = tpu.memref_slice %dma_start3A_1010[%dma_start3A_1011, %dma_start3A_1012] : memref<19999x64xf32, #tpu.memory_space<hbm>> -> memref<19999x64xf32, #tpu.memory_space<hbm>>
      %dma_start3A_1014 = tpu.memref_slice %arg11[%rem3A_982] : memref<6x!tpu.dma_semaphore, #tpu.memory_space<semaphore_mem>> -> memref<1x!tpu.dma_semaphore, #tpu.memory_space<semaphore_mem>>
      %dma_start3A_1015 = tpu.memref_squeeze %dma_start3A_1014 : memref<1x!tpu.dma_semaphore, #tpu.memory_space<semaphore_mem>> -> memref<!tpu.dma_semaphore, #tpu.memory_space<semaphore_mem>>
      tpu.enqueue_indirect_dma source(%dma_start3A_1013 : memref<19999x64xf32, #tpu.memory_space<hbm>>) target(%dma_start3A_1005 : memref<160x64xf32, #tpu.memory_space<vmem>>) offsets(%dma_start3A_1008 : memref<160xi32, #tpu.memory_space<vmem>>) semaphore(%dma_start3A_1015 : memref<!tpu.dma_semaphore, #tpu.memory_space<semaphore_mem>>)
    }
    %scan3A_419 = arith.constant 20 : i32
    %dma_wait3A_420 = arith.constant 2 : i32
    %dma_wait3A_421 = arith.constant 2 : i32
    %dma_wait3A_422 = arith.constant 0 : i32
    %dma_wait3A_423 = arith.constant 0 : i32
    %dma_wait3A_424 = arith.constant 0 : i32
    %dma_wait3A_425 = tpu.memref_slice %arg6[%dma_wait3A_421, %dma_wait3A_423, %dma_wait3A_424] : memref<3x25x160xi32, #tpu.memory_space<vmem>> -> memref<1x25x160xi32, #tpu.memory_space<vmem>>
    %dma_wait3A_426 = tpu.memref_squeeze %dma_wait3A_425 : memref<1x25x160xi32, #tpu.memory_space<vmem>> -> memref<25x160xi32, #tpu.memory_space<vmem>>
    %dma_wait3A_427 = arith.constant 0 : i32
    %dma_wait3A_428 = arith.constant 0 : i32
    %dma_wait3A_429 = tpu.memref_slice %arg3[%arg1, %dma_wait3A_420, %dma_wait3A_427, %dma_wait3A_428] : memref<16x5x25x160xi32, #tpu.memory_space<hbm>> -> memref<1x1x25x160xi32, #tpu.memory_space<hbm>>
    %dma_wait3A_430 = tpu.memref_squeeze %dma_wait3A_429 : memref<1x1x25x160xi32, #tpu.memory_space<hbm>> -> memref<25x160xi32, #tpu.memory_space<hbm>>
    %dma_wait3A_431 = tpu.memref_slice %arg12[%dma_wait3A_422] : memref<2x!tpu.dma_semaphore, #tpu.memory_space<semaphore_mem>> -> memref<1x!tpu.dma_semaphore, #tpu.memory_space<semaphore_mem>>
    %dma_wait3A_432 = tpu.memref_squeeze %dma_wait3A_431 : memref<1x!tpu.dma_semaphore, #tpu.memory_space<semaphore_mem>> -> memref<!tpu.dma_semaphore, #tpu.memory_space<semaphore_mem>>
    %dma_wait3A_433 = arith.constant 0 : i32
    %dma_wait3A_434 = arith.constant 0 : i32
    %dma_wait3A_435 = tpu.memref_slice %arg6[%dma_wait3A_421, %dma_wait3A_433, %dma_wait3A_434] : memref<3x25x160xi32, #tpu.memory_space<vmem>> -> memref<1x25x160xi32, #tpu.memory_space<vmem>>
    %dma_wait3A_436 = tpu.memref_squeeze %dma_wait3A_435 : memref<1x25x160xi32, #tpu.memory_space<vmem>> -> memref<25x160xi32, #tpu.memory_space<vmem>>
    %dma_wait3A_437 = arith.constant 0 : i32
    %dma_wait3A_438 = arith.constant 0 : i32
    %dma_wait3A_439 = tpu.memref_slice %arg3[%arg1, %dma_wait3A_420, %dma_wait3A_437, %dma_wait3A_438] : memref<16x5x25x160xi32, #tpu.memory_space<hbm>> -> memref<1x1x25x160xi32, #tpu.memory_space<hbm>>
    %dma_wait3A_440 = tpu.memref_squeeze %dma_wait3A_439 : memref<1x1x25x160xi32, #tpu.memory_space<hbm>> -> memref<25x160xi32, #tpu.memory_space<hbm>>
    tpu.wait_dma2 semaphore(%dma_wait3A_432 : memref<!tpu.dma_semaphore, #tpu.memory_space<semaphore_mem>>) src(%dma_wait3A_440 : memref<25x160xi32, #tpu.memory_space<hbm>>) dst(%dma_wait3A_436 : memref<25x160xi32, #tpu.memory_space<vmem>>)
    %dma_wait3A_441 = arith.constant 2 : i32
    %dma_wait3A_442 = arith.constant 2 : i32
    %dma_wait3A_443 = arith.constant 1 : i32
    %dma_wait3A_444 = arith.constant 0 : i32
    %dma_wait3A_445 = arith.constant 0 : i32
    %dma_wait3A_446 = tpu.memref_slice %arg7[%dma_wait3A_442, %dma_wait3A_444, %dma_wait3A_445] : memref<3x25x160xi32, #tpu.memory_space<vmem>> -> memref<1x25x160xi32, #tpu.memory_space<vmem>>
    %dma_wait3A_447 = tpu.memref_squeeze %dma_wait3A_446 : memref<1x25x160xi32, #tpu.memory_space<vmem>> -> memref<25x160xi32, #tpu.memory_space<vmem>>
    %dma_wait3A_448 = arith.constant 0 : i32
    %dma_wait3A_449 = arith.constant 0 : i32
    %dma_wait3A_450 = tpu.memref_slice %arg4[%arg1, %dma_wait3A_441, %dma_wait3A_448, %dma_wait3A_449] : memref<16x5x25x160xi32, #tpu.memory_space<hbm>> -> memref<1x1x25x160xi32, #tpu.memory_space<hbm>>
    %dma_wait3A_451 = tpu.memref_squeeze %dma_wait3A_450 : memref<1x1x25x160xi32, #tpu.memory_space<hbm>> -> memref<25x160xi32, #tpu.memory_space<hbm>>
    %dma_wait3A_452 = tpu.memref_slice %arg12[%dma_wait3A_443] : memref<2x!tpu.dma_semaphore, #tpu.memory_space<semaphore_mem>> -> memref<1x!tpu.dma_semaphore, #tpu.memory_space<semaphore_mem>>
    %dma_wait3A_453 = tpu.memref_squeeze %dma_wait3A_452 : memref<1x!tpu.dma_semaphore, #tpu.memory_space<semaphore_mem>> -> memref<!tpu.dma_semaphore, #tpu.memory_space<semaphore_mem>>
    %dma_wait3A_454 = arith.constant 0 : i32
    %dma_wait3A_455 = arith.constant 0 : i32
    %dma_wait3A_456 = tpu.memref_slice %arg7[%dma_wait3A_442, %dma_wait3A_454, %dma_wait3A_455] : memref<3x25x160xi32, #tpu.memory_space<vmem>> -> memref<1x25x160xi32, #tpu.memory_space<vmem>>
    %dma_wait3A_457 = tpu.memref_squeeze %dma_wait3A_456 : memref<1x25x160xi32, #tpu.memory_space<vmem>> -> memref<25x160xi32, #tpu.memory_space<vmem>>
    %dma_wait3A_458 = arith.constant 0 : i32
    %dma_wait3A_459 = arith.constant 0 : i32
    %dma_wait3A_460 = tpu.memref_slice %arg4[%arg1, %dma_wait3A_441, %dma_wait3A_458, %dma_wait3A_459] : memref<16x5x25x160xi32, #tpu.memory_space<hbm>> -> memref<1x1x25x160xi32, #tpu.memory_space<hbm>>
    %dma_wait3A_461 = tpu.memref_squeeze %dma_wait3A_460 : memref<1x1x25x160xi32, #tpu.memory_space<hbm>> -> memref<25x160xi32, #tpu.memory_space<hbm>>
    tpu.wait_dma2 semaphore(%dma_wait3A_453 : memref<!tpu.dma_semaphore, #tpu.memory_space<semaphore_mem>>) src(%dma_wait3A_461 : memref<25x160xi32, #tpu.memory_space<hbm>>) dst(%dma_wait3A_457 : memref<25x160xi32, #tpu.memory_space<vmem>>)
    %scan3A_462 = arith.constant 0 : i32
    %scan3A_463 = arith.constant 20 : i32
    %scan3A_464 = arith.constant 5 : i32
    %scan3A_465 = arith.addi %scan3A_463, %scan3A_464 : i32
    %scan3A_466 = arith.constant 1 : i32
    scf.for %scan3A_973 = %scan3A_463 to %scan3A_465 step %scan3A_466  : i32 {
      %add3A_974 = arith.constant 1 : i32
      %add3A_975 = arith.addi %scan3A_973, %add3A_974 : i32
      %rem3A = arith.constant 6 : i32
      %rem3A_976 = arith.remsi %add3A_975, %rem3A : i32
      %add3A_977 = arith.constant 5 : i32
      %add3A_978 = arith.addi %scan3A_973, %add3A_977 : i32
      %add3A_979 = arith.constant 1 : i32
      %add3A_980 = arith.addi %add3A_978, %add3A_979 : i32
      %rem3A_981 = arith.constant 6 : i32
      %rem3A_982 = arith.remsi %add3A_980, %rem3A_981 : i32
      %dma_wait3A_983 = arith.constant 1 : i32
      %dma_wait3A_984 = arith.constant 0 : i32
      %dma_wait3A_985 = arith.constant 0 : i32
      %dma_wait3A_986 = tpu.memref_slice %arg8[%rem3A_976, %dma_wait3A_984, %dma_wait3A_985] : memref<6x160x64xf32, #tpu.memory_space<vmem>> -> memref<1x160x64xf32, #tpu.memory_space<vmem>>
      %dma_wait3A_987 = tpu.memref_squeeze %dma_wait3A_986 : memref<1x160x64xf32, #tpu.memory_space<vmem>> -> memref<160x64xf32, #tpu.memory_space<vmem>>
      %dma_wait3A_988 = arith.constant 0 : i32
      %dma_wait3A_989 = tpu.memref_slice %arg6[%dma_wait3A_983, %scan3A_973, %dma_wait3A_988] : memref<3x25x160xi32, #tpu.memory_space<vmem>> -> memref<1x1x160xi32, #tpu.memory_space<vmem>>
      %dma_wait3A_990 = tpu.memref_squeeze %dma_wait3A_989 : memref<1x1x160xi32, #tpu.memory_space<vmem>> -> memref<160xi32, #tpu.memory_space<vmem>>
      %dma_wait3A_991 = arith.constant 0 : i32
      %dma_wait3A_992 = tpu.memref_slice %arg2[%arg0, %dma_wait3A_991] : memref<20000x64xf32, #tpu.memory_space<hbm>> -> memref<19999x64xf32, #tpu.memory_space<hbm>>
      %dma_wait3A_993 = arith.constant 0 : i32
      %dma_wait3A_994 = arith.constant 0 : i32
      %dma_wait3A_995 = tpu.memref_slice %dma_wait3A_992[%dma_wait3A_993, %dma_wait3A_994] : memref<19999x64xf32, #tpu.memory_space<hbm>> -> memref<19999x64xf32, #tpu.memory_space<hbm>>
      %dma_wait3A_996 = tpu.memref_slice %arg11[%rem3A_976] : memref<6x!tpu.dma_semaphore, #tpu.memory_space<semaphore_mem>> -> memref<1x!tpu.dma_semaphore, #tpu.memory_space<semaphore_mem>>
      %dma_wait3A_997 = tpu.memref_squeeze %dma_wait3A_996 : memref<1x!tpu.dma_semaphore, #tpu.memory_space<semaphore_mem>> -> memref<!tpu.dma_semaphore, #tpu.memory_space<semaphore_mem>>
      tpu.wait_indirect_dma semaphore(%dma_wait3A_997 : memref<!tpu.dma_semaphore, #tpu.memory_space<semaphore_mem>>) src(%dma_wait3A_995 : memref<19999x64xf32, #tpu.memory_space<hbm>>) dst(%dma_wait3A_987 : memref<160x64xf32, #tpu.memory_space<vmem>>)
      %run_scoped3A_998 = arith.constant 1 : i32
      "tpu.region"() ({
        %run_scoped3A_1017 = tpu.sem_alloc : memref<!tpu.dma_semaphore, #tpu.memory_space<semaphore_mem>>
        %dma_start3A_1018 = arith.constant 0 : i32
        %dma_start3A_1019 = arith.constant 0 : i32
        %dma_start3A_1020 = tpu.memref_slice %arg8[%rem3A_976, %dma_start3A_1018, %dma_start3A_1019] : memref<6x160x64xf32, #tpu.memory_space<vmem>> -> memref<1x160x64xf32, #tpu.memory_space<vmem>>
        %dma_start3A_1021 = tpu.memref_squeeze %dma_start3A_1020 : memref<1x160x64xf32, #tpu.memory_space<vmem>> -> memref<160x64xf32, #tpu.memory_space<vmem>>
        %dma_start3A_1022 = arith.constant 0 : i32
        %dma_start3A_1023 = tpu.memref_slice %arg7[%run_scoped3A_998, %scan3A_973, %dma_start3A_1022] : memref<3x25x160xi32, #tpu.memory_space<vmem>> -> memref<1x1x160xi32, #tpu.memory_space<vmem>>
        %dma_start3A_1024 = tpu.memref_squeeze %dma_start3A_1023 : memref<1x1x160xi32, #tpu.memory_space<vmem>> -> memref<160xi32, #tpu.memory_space<vmem>>
        %dma_start3A_1025 = arith.constant 0 : i32
        %dma_start3A_1026 = arith.constant 0 : i32
        %dma_start3A_1027 = tpu.memref_slice %arg10[%dma_start3A_1025, %dma_start3A_1026] : memref<10240x64xf32, #tpu.memory_space<vmem_shared>> -> memref<10240x64xf32, #tpu.memory_space<vmem_shared>>
        tpu.enqueue_indirect_dma source(%dma_start3A_1021 : memref<160x64xf32, #tpu.memory_space<vmem>>) target(%dma_start3A_1027 : memref<10240x64xf32, #tpu.memory_space<vmem_shared>>) offsets(%dma_start3A_1024 : memref<160xi32, #tpu.memory_space<vmem>>) semaphore(%run_scoped3A_1017 : memref<!tpu.dma_semaphore, #tpu.memory_space<semaphore_mem>>) {add = true}
        %dma_wait3A_1028 = arith.constant 0 : i32
        %dma_wait3A_1029 = arith.constant 0 : i32
        %dma_wait3A_1030 = tpu.memref_slice %arg8[%rem3A_976, %dma_wait3A_1028, %dma_wait3A_1029] : memref<6x160x64xf32, #tpu.memory_space<vmem>> -> memref<1x160x64xf32, #tpu.memory_space<vmem>>
        %dma_wait3A_1031 = tpu.memref_squeeze %dma_wait3A_1030 : memref<1x160x64xf32, #tpu.memory_space<vmem>> -> memref<160x64xf32, #tpu.memory_space<vmem>>
        %dma_wait3A_1032 = arith.constant 0 : i32
        %dma_wait3A_1033 = tpu.memref_slice %arg7[%run_scoped3A_998, %scan3A_973, %dma_wait3A_1032] : memref<3x25x160xi32, #tpu.memory_space<vmem>> -> memref<1x1x160xi32, #tpu.memory_space<vmem>>
        %dma_wait3A_1034 = tpu.memref_squeeze %dma_wait3A_1033 : memref<1x1x160xi32, #tpu.memory_space<vmem>> -> memref<160xi32, #tpu.memory_space<vmem>>
        %dma_wait3A_1035 = arith.constant 0 : i32
        %dma_wait3A_1036 = arith.constant 0 : i32
        %dma_wait3A_1037 = tpu.memref_slice %arg10[%dma_wait3A_1035, %dma_wait3A_1036] : memref<10240x64xf32, #tpu.memory_space<vmem_shared>> -> memref<10240x64xf32, #tpu.memory_space<vmem_shared>>
        tpu.wait_indirect_dma semaphore(%run_scoped3A_1017 : memref<!tpu.dma_semaphore, #tpu.memory_space<semaphore_mem>>) src(%dma_wait3A_1031 : memref<160x64xf32, #tpu.memory_space<vmem>>) dst(%dma_wait3A_1037 : memref<10240x64xf32, #tpu.memory_space<vmem_shared>>)
        tpu.yield
      }) : () -> ()
      %add3A_999 = arith.constant 5 : i32
      %add3A_1000 = arith.addi %scan3A_973, %add3A_999 : i32
      %sub3A = arith.constant 25 : i32
      %sub3A_1001 = arith.subi %add3A_1000, %sub3A : i32
      %dma_start3A_1002 = arith.constant 2 : i32
      %dma_start3A_1003 = arith.constant 0 : i32
      %dma_start3A_1004 = arith.constant 0 : i32
      %dma_start3A_1005 = tpu.memref_slice %arg8[%rem3A_982, %dma_start3A_1003, %dma_start3A_1004] : memref<6x160x64xf32, #tpu.memory_space<vmem>> -> memref<1x160x64xf32, #tpu.memory_space<vmem>>
      %dma_start3A_1006 = tpu.memref_squeeze %dma_start3A_1005 : memref<1x160x64xf32, #tpu.memory_space<vmem>> -> memref<160x64xf32, #tpu.memory_space<vmem>>
      %dma_start3A_1007 = arith.constant 0 : i32
      %dma_start3A_1008 = tpu.memref_slice %arg6[%dma_start3A_1002, %sub3A_1001, %dma_start3A_1007] : memref<3x25x160xi32, #tpu.memory_space<vmem>> -> memref<1x1x160xi32, #tpu.memory_space<vmem>>
      %dma_start3A_1009 = tpu.memref_squeeze %dma_start3A_1008 : memref<1x1x160xi32, #tpu.memory_space<vmem>> -> memref<160xi32, #tpu.memory_space<vmem>>
      %dma_start3A_1010 = arith.constant 0 : i32
      %dma_start3A_1011 = tpu.memref_slice %arg2[%arg0, %dma_start3A_1010] : memref<20000x64xf32, #tpu.memory_space<hbm>> -> memref<19999x64xf32, #tpu.memory_space<hbm>>
      %dma_start3A_1012 = arith.constant 0 : i32
      %dma_start3A_1013 = arith.constant 0 : i32
      %dma_start3A_1014 = tpu.memref_slice %dma_start3A_1011[%dma_start3A_1012, %dma_start3A_1013] : memref<19999x64xf32, #tpu.memory_space<hbm>> -> memref<19999x64xf32, #tpu.memory_space<hbm>>
      %dma_start3A_1015 = tpu.memref_slice %arg11[%rem3A_982] : memref<6x!tpu.dma_semaphore, #tpu.memory_space<semaphore_mem>> -> memref<1x!tpu.dma_semaphore, #tpu.memory_space<semaphore_mem>>
      %dma_start3A_1016 = tpu.memref_squeeze %dma_start3A_1015 : memref<1x!tpu.dma_semaphore, #tpu.memory_space<semaphore_mem>> -> memref<!tpu.dma_semaphore, #tpu.memory_space<semaphore_mem>>
      tpu.enqueue_indirect_dma source(%dma_start3A_1014 : memref<19999x64xf32, #tpu.memory_space<hbm>>) target(%dma_start3A_1006 : memref<160x64xf32, #tpu.memory_space<vmem>>) offsets(%dma_start3A_1009 : memref<160xi32, #tpu.memory_space<vmem>>) semaphore(%dma_start3A_1016 : memref<!tpu.dma_semaphore, #tpu.memory_space<semaphore_mem>>)
    }
    %scan3A_467 = arith.constant 5 : i32
    %dma_start3A_468 = arith.constant 3 : i32
    %dma_start3A_469 = arith.constant 0 : i32
    %dma_start3A_470 = arith.constant 0 : i32
    %dma_start3A_471 = arith.constant 0 : i32
    %dma_start3A_472 = arith.constant 0 : i32
    %dma_start3A_473 = tpu.memref_slice %arg6[%dma_start3A_469, %dma_start3A_471, %dma_start3A_472] : memref<3x25x160xi32, #tpu.memory_space<vmem>> -> memref<1x25x160xi32, #tpu.memory_space<vmem>>
    %dma_start3A_474 = tpu.memref_squeeze %dma_start3A_473 : memref<1x25x160xi32, #tpu.memory_space<vmem>> -> memref<25x160xi32, #tpu.memory_space<vmem>>
    %dma_start3A_475 = arith.constant 0 : i32
    %dma_start3A_476 = arith.constant 0 : i32
    %dma_start3A_477 = tpu.memref_slice %arg3[%arg1, %dma_start3A_468, %dma_start3A_475, %dma_start3A_476] : memref<16x5x25x160xi32, #tpu.memory_space<hbm>> -> memref<1x1x25x160xi32, #tpu.memory_space<hbm>>
    %dma_start3A_478 = tpu.memref_squeeze %dma_start3A_477 : memref<1x1x25x160xi32, #tpu.memory_space<hbm>> -> memref<25x160xi32, #tpu.memory_space<hbm>>
    %dma_start3A_479 = tpu.memref_slice %arg12[%dma_start3A_470] : memref<2x!tpu.dma_semaphore, #tpu.memory_space<semaphore_mem>> -> memref<1x!tpu.dma_semaphore, #tpu.memory_space<semaphore_mem>>
    %dma_start3A_480 = tpu.memref_squeeze %dma_start3A_479 : memref<1x!tpu.dma_semaphore, #tpu.memory_space<semaphore_mem>> -> memref<!tpu.dma_semaphore, #tpu.memory_space<semaphore_mem>>
    %dma_start3A_481 = arith.constant 0 : i32
    %dma_start3A_482 = arith.constant 0 : i32
    %dma_start3A_483 = tpu.memref_slice %arg6[%dma_start3A_469, %dma_start3A_481, %dma_start3A_482] : memref<3x25x160xi32, #tpu.memory_space<vmem>> -> memref<1x25x160xi32, #tpu.memory_space<vmem>>
    %dma_start3A_484 = tpu.memref_squeeze %dma_start3A_483 : memref<1x25x160xi32, #tpu.memory_space<vmem>> -> memref<25x160xi32, #tpu.memory_space<vmem>>
    %dma_start3A_485 = arith.constant 0 : i32
    %dma_start3A_486 = arith.constant 0 : i32
    %dma_start3A_487 = tpu.memref_slice %arg3[%arg1, %dma_start3A_468, %dma_start3A_485, %dma_start3A_486] : memref<16x5x25x160xi32, #tpu.memory_space<hbm>> -> memref<1x1x25x160xi32, #tpu.memory_space<hbm>>
    %dma_start3A_488 = tpu.memref_squeeze %dma_start3A_487 : memref<1x1x25x160xi32, #tpu.memory_space<hbm>> -> memref<25x160xi32, #tpu.memory_space<hbm>>
    tpu.enqueue_dma source(%dma_start3A_488 : memref<25x160xi32, #tpu.memory_space<hbm>>) target(%dma_start3A_484 : memref<25x160xi32, #tpu.memory_space<vmem>>) target_semaphore(%dma_start3A_480 : memref<!tpu.dma_semaphore, #tpu.memory_space<semaphore_mem>>)
    %dma_start3A_489 = arith.constant 3 : i32
    %dma_start3A_490 = arith.constant 0 : i32
    %dma_start3A_491 = arith.constant 1 : i32
    %dma_start3A_492 = arith.constant 0 : i32
    %dma_start3A_493 = arith.constant 0 : i32
    %dma_start3A_494 = tpu.memref_slice %arg7[%dma_start3A_490, %dma_start3A_492, %dma_start3A_493] : memref<3x25x160xi32, #tpu.memory_space<vmem>> -> memref<1x25x160xi32, #tpu.memory_space<vmem>>
    %dma_start3A_495 = tpu.memref_squeeze %dma_start3A_494 : memref<1x25x160xi32, #tpu.memory_space<vmem>> -> memref<25x160xi32, #tpu.memory_space<vmem>>
    %dma_start3A_496 = arith.constant 0 : i32
    %dma_start3A_497 = arith.constant 0 : i32
    %dma_start3A_498 = tpu.memref_slice %arg4[%arg1, %dma_start3A_489, %dma_start3A_496, %dma_start3A_497] : memref<16x5x25x160xi32, #tpu.memory_space<hbm>> -> memref<1x1x25x160xi32, #tpu.memory_space<hbm>>
    %dma_start3A_499 = tpu.memref_squeeze %dma_start3A_498 : memref<1x1x25x160xi32, #tpu.memory_space<hbm>> -> memref<25x160xi32, #tpu.memory_space<hbm>>
    %dma_start3A_500 = tpu.memref_slice %arg12[%dma_start3A_491] : memref<2x!tpu.dma_semaphore, #tpu.memory_space<semaphore_mem>> -> memref<1x!tpu.dma_semaphore, #tpu.memory_space<semaphore_mem>>
    %dma_start3A_501 = tpu.memref_squeeze %dma_start3A_500 : memref<1x!tpu.dma_semaphore, #tpu.memory_space<semaphore_mem>> -> memref<!tpu.dma_semaphore, #tpu.memory_space<semaphore_mem>>
    %dma_start3A_502 = arith.constant 0 : i32
    %dma_start3A_503 = arith.constant 0 : i32
    %dma_start3A_504 = tpu.memref_slice %arg7[%dma_start3A_490, %dma_start3A_502, %dma_start3A_503] : memref<3x25x160xi32, #tpu.memory_space<vmem>> -> memref<1x25x160xi32, #tpu.memory_space<vmem>>
    %dma_start3A_505 = tpu.memref_squeeze %dma_start3A_504 : memref<1x25x160xi32, #tpu.memory_space<vmem>> -> memref<25x160xi32, #tpu.memory_space<vmem>>
    %dma_start3A_506 = arith.constant 0 : i32
    %dma_start3A_507 = arith.constant 0 : i32
    %dma_start3A_508 = tpu.memref_slice %arg4[%arg1, %dma_start3A_489, %dma_start3A_506, %dma_start3A_507] : memref<16x5x25x160xi32, #tpu.memory_space<hbm>> -> memref<1x1x25x160xi32, #tpu.memory_space<hbm>>
    %dma_start3A_509 = tpu.memref_squeeze %dma_start3A_508 : memref<1x1x25x160xi32, #tpu.memory_space<hbm>> -> memref<25x160xi32, #tpu.memory_space<hbm>>
    tpu.enqueue_dma source(%dma_start3A_509 : memref<25x160xi32, #tpu.memory_space<hbm>>) target(%dma_start3A_505 : memref<25x160xi32, #tpu.memory_space<vmem>>) target_semaphore(%dma_start3A_501 : memref<!tpu.dma_semaphore, #tpu.memory_space<semaphore_mem>>)
    %scan3A_510 = arith.constant 0 : i32
    %scan3A_511 = arith.constant 0 : i32
    %scan3A_512 = arith.constant 20 : i32
    %scan3A_513 = arith.addi %scan3A_511, %scan3A_512 : i32
    %scan3A_514 = arith.constant 1 : i32
    scf.for %scan3A_973 = %scan3A_511 to %scan3A_513 step %scan3A_514  : i32 {
      %add3A_974 = arith.constant 2 : i32
      %add3A_975 = arith.addi %scan3A_973, %add3A_974 : i32
      %rem3A = arith.constant 6 : i32
      %rem3A_976 = arith.remsi %add3A_975, %rem3A : i32
      %add3A_977 = arith.constant 5 : i32
      %add3A_978 = arith.addi %scan3A_973, %add3A_977 : i32
      %add3A_979 = arith.constant 2 : i32
      %add3A_980 = arith.addi %add3A_978, %add3A_979 : i32
      %rem3A_981 = arith.constant 6 : i32
      %rem3A_982 = arith.remsi %add3A_980, %rem3A_981 : i32
      %dma_wait3A_983 = arith.constant 2 : i32
      %dma_wait3A_984 = arith.constant 0 : i32
      %dma_wait3A_985 = arith.constant 0 : i32
      %dma_wait3A_986 = tpu.memref_slice %arg8[%rem3A_976, %dma_wait3A_984, %dma_wait3A_985] : memref<6x160x64xf32, #tpu.memory_space<vmem>> -> memref<1x160x64xf32, #tpu.memory_space<vmem>>
      %dma_wait3A_987 = tpu.memref_squeeze %dma_wait3A_986 : memref<1x160x64xf32, #tpu.memory_space<vmem>> -> memref<160x64xf32, #tpu.memory_space<vmem>>
      %dma_wait3A_988 = arith.constant 0 : i32
      %dma_wait3A_989 = tpu.memref_slice %arg6[%dma_wait3A_983, %scan3A_973, %dma_wait3A_988] : memref<3x25x160xi32, #tpu.memory_space<vmem>> -> memref<1x1x160xi32, #tpu.memory_space<vmem>>
      %dma_wait3A_990 = tpu.memref_squeeze %dma_wait3A_989 : memref<1x1x160xi32, #tpu.memory_space<vmem>> -> memref<160xi32, #tpu.memory_space<vmem>>
      %dma_wait3A_991 = arith.constant 0 : i32
      %dma_wait3A_992 = tpu.memref_slice %arg2[%arg0, %dma_wait3A_991] : memref<20000x64xf32, #tpu.memory_space<hbm>> -> memref<19999x64xf32, #tpu.memory_space<hbm>>
      %dma_wait3A_993 = arith.constant 0 : i32
      %dma_wait3A_994 = arith.constant 0 : i32
      %dma_wait3A_995 = tpu.memref_slice %dma_wait3A_992[%dma_wait3A_993, %dma_wait3A_994] : memref<19999x64xf32, #tpu.memory_space<hbm>> -> memref<19999x64xf32, #tpu.memory_space<hbm>>
      %dma_wait3A_996 = tpu.memref_slice %arg11[%rem3A_976] : memref<6x!tpu.dma_semaphore, #tpu.memory_space<semaphore_mem>> -> memref<1x!tpu.dma_semaphore, #tpu.memory_space<semaphore_mem>>
      %dma_wait3A_997 = tpu.memref_squeeze %dma_wait3A_996 : memref<1x!tpu.dma_semaphore, #tpu.memory_space<semaphore_mem>> -> memref<!tpu.dma_semaphore, #tpu.memory_space<semaphore_mem>>
      tpu.wait_indirect_dma semaphore(%dma_wait3A_997 : memref<!tpu.dma_semaphore, #tpu.memory_space<semaphore_mem>>) src(%dma_wait3A_995 : memref<19999x64xf32, #tpu.memory_space<hbm>>) dst(%dma_wait3A_987 : memref<160x64xf32, #tpu.memory_space<vmem>>)
      %run_scoped3A_998 = arith.constant 2 : i32
      "tpu.region"() ({
        %run_scoped3A_1016 = tpu.sem_alloc : memref<!tpu.dma_semaphore, #tpu.memory_space<semaphore_mem>>
        %dma_start3A_1017 = arith.constant 0 : i32
        %dma_start3A_1018 = arith.constant 0 : i32
        %dma_start3A_1019 = tpu.memref_slice %arg8[%rem3A_976, %dma_start3A_1017, %dma_start3A_1018] : memref<6x160x64xf32, #tpu.memory_space<vmem>> -> memref<1x160x64xf32, #tpu.memory_space<vmem>>
        %dma_start3A_1020 = tpu.memref_squeeze %dma_start3A_1019 : memref<1x160x64xf32, #tpu.memory_space<vmem>> -> memref<160x64xf32, #tpu.memory_space<vmem>>
        %dma_start3A_1021 = arith.constant 0 : i32
        %dma_start3A_1022 = tpu.memref_slice %arg7[%run_scoped3A_998, %scan3A_973, %dma_start3A_1021] : memref<3x25x160xi32, #tpu.memory_space<vmem>> -> memref<1x1x160xi32, #tpu.memory_space<vmem>>
        %dma_start3A_1023 = tpu.memref_squeeze %dma_start3A_1022 : memref<1x1x160xi32, #tpu.memory_space<vmem>> -> memref<160xi32, #tpu.memory_space<vmem>>
        %dma_start3A_1024 = arith.constant 0 : i32
        %dma_start3A_1025 = arith.constant 0 : i32
        %dma_start3A_1026 = tpu.memref_slice %arg10[%dma_start3A_1024, %dma_start3A_1025] : memref<10240x64xf32, #tpu.memory_space<vmem_shared>> -> memref<10240x64xf32, #tpu.memory_space<vmem_shared>>
        tpu.enqueue_indirect_dma source(%dma_start3A_1020 : memref<160x64xf32, #tpu.memory_space<vmem>>) target(%dma_start3A_1026 : memref<10240x64xf32, #tpu.memory_space<vmem_shared>>) offsets(%dma_start3A_1023 : memref<160xi32, #tpu.memory_space<vmem>>) semaphore(%run_scoped3A_1016 : memref<!tpu.dma_semaphore, #tpu.memory_space<semaphore_mem>>) {add = true}
        %dma_wait3A_1027 = arith.constant 0 : i32
        %dma_wait3A_1028 = arith.constant 0 : i32
        %dma_wait3A_1029 = tpu.memref_slice %arg8[%rem3A_976, %dma_wait3A_1027, %dma_wait3A_1028] : memref<6x160x64xf32, #tpu.memory_space<vmem>> -> memref<1x160x64xf32, #tpu.memory_space<vmem>>
        %dma_wait3A_1030 = tpu.memref_squeeze %dma_wait3A_1029 : memref<1x160x64xf32, #tpu.memory_space<vmem>> -> memref<160x64xf32, #tpu.memory_space<vmem>>
        %dma_wait3A_1031 = arith.constant 0 : i32
        %dma_wait3A_1032 = tpu.memref_slice %arg7[%run_scoped3A_998, %scan3A_973, %dma_wait3A_1031] : memref<3x25x160xi32, #tpu.memory_space<vmem>> -> memref<1x1x160xi32, #tpu.memory_space<vmem>>
        %dma_wait3A_1033 = tpu.memref_squeeze %dma_wait3A_1032 : memref<1x1x160xi32, #tpu.memory_space<vmem>> -> memref<160xi32, #tpu.memory_space<vmem>>
        %dma_wait3A_1034 = arith.constant 0 : i32
        %dma_wait3A_1035 = arith.constant 0 : i32
        %dma_wait3A_1036 = tpu.memref_slice %arg10[%dma_wait3A_1034, %dma_wait3A_1035] : memref<10240x64xf32, #tpu.memory_space<vmem_shared>> -> memref<10240x64xf32, #tpu.memory_space<vmem_shared>>
        tpu.wait_indirect_dma semaphore(%run_scoped3A_1016 : memref<!tpu.dma_semaphore, #tpu.memory_space<semaphore_mem>>) src(%dma_wait3A_1030 : memref<160x64xf32, #tpu.memory_space<vmem>>) dst(%dma_wait3A_1036 : memref<10240x64xf32, #tpu.memory_space<vmem_shared>>)
        tpu.yield
      }) : () -> ()
      %add3A_999 = arith.constant 5 : i32
      %add3A_1000 = arith.addi %scan3A_973, %add3A_999 : i32
      %dma_start3A_1001 = arith.constant 2 : i32
      %dma_start3A_1002 = arith.constant 0 : i32
      %dma_start3A_1003 = arith.constant 0 : i32
      %dma_start3A_1004 = tpu.memref_slice %arg8[%rem3A_982, %dma_start3A_1002, %dma_start3A_1003] : memref<6x160x64xf32, #tpu.memory_space<vmem>> -> memref<1x160x64xf32, #tpu.memory_space<vmem>>
      %dma_start3A_1005 = tpu.memref_squeeze %dma_start3A_1004 : memref<1x160x64xf32, #tpu.memory_space<vmem>> -> memref<160x64xf32, #tpu.memory_space<vmem>>
      %dma_start3A_1006 = arith.constant 0 : i32
      %dma_start3A_1007 = tpu.memref_slice %arg6[%dma_start3A_1001, %add3A_1000, %dma_start3A_1006] : memref<3x25x160xi32, #tpu.memory_space<vmem>> -> memref<1x1x160xi32, #tpu.memory_space<vmem>>
      %dma_start3A_1008 = tpu.memref_squeeze %dma_start3A_1007 : memref<1x1x160xi32, #tpu.memory_space<vmem>> -> memref<160xi32, #tpu.memory_space<vmem>>
      %dma_start3A_1009 = arith.constant 0 : i32
      %dma_start3A_1010 = tpu.memref_slice %arg2[%arg0, %dma_start3A_1009] : memref<20000x64xf32, #tpu.memory_space<hbm>> -> memref<19999x64xf32, #tpu.memory_space<hbm>>
      %dma_start3A_1011 = arith.constant 0 : i32
      %dma_start3A_1012 = arith.constant 0 : i32
      %dma_start3A_1013 = tpu.memref_slice %dma_start3A_1010[%dma_start3A_1011, %dma_start3A_1012] : memref<19999x64xf32, #tpu.memory_space<hbm>> -> memref<19999x64xf32, #tpu.memory_space<hbm>>
      %dma_start3A_1014 = tpu.memref_slice %arg11[%rem3A_982] : memref<6x!tpu.dma_semaphore, #tpu.memory_space<semaphore_mem>> -> memref<1x!tpu.dma_semaphore, #tpu.memory_space<semaphore_mem>>
      %dma_start3A_1015 = tpu.memref_squeeze %dma_start3A_1014 : memref<1x!tpu.dma_semaphore, #tpu.memory_space<semaphore_mem>> -> memref<!tpu.dma_semaphore, #tpu.memory_space<semaphore_mem>>
      tpu.enqueue_indirect_dma source(%dma_start3A_1013 : memref<19999x64xf32, #tpu.memory_space<hbm>>) target(%dma_start3A_1005 : memref<160x64xf32, #tpu.memory_space<vmem>>) offsets(%dma_start3A_1008 : memref<160xi32, #tpu.memory_space<vmem>>) semaphore(%dma_start3A_1015 : memref<!tpu.dma_semaphore, #tpu.memory_space<semaphore_mem>>)
    }
    %scan3A_515 = arith.constant 20 : i32
    %dma_wait3A_516 = arith.constant 3 : i32
    %dma_wait3A_517 = arith.constant 0 : i32
    %dma_wait3A_518 = arith.constant 0 : i32
    %dma_wait3A_519 = arith.constant 0 : i32
    %dma_wait3A_520 = arith.constant 0 : i32
    %dma_wait3A_521 = tpu.memref_slice %arg6[%dma_wait3A_517, %dma_wait3A_519, %dma_wait3A_520] : memref<3x25x160xi32, #tpu.memory_space<vmem>> -> memref<1x25x160xi32, #tpu.memory_space<vmem>>
    %dma_wait3A_522 = tpu.memref_squeeze %dma_wait3A_521 : memref<1x25x160xi32, #tpu.memory_space<vmem>> -> memref<25x160xi32, #tpu.memory_space<vmem>>
    %dma_wait3A_523 = arith.constant 0 : i32
    %dma_wait3A_524 = arith.constant 0 : i32
    %dma_wait3A_525 = tpu.memref_slice %arg3[%arg1, %dma_wait3A_516, %dma_wait3A_523, %dma_wait3A_524] : memref<16x5x25x160xi32, #tpu.memory_space<hbm>> -> memref<1x1x25x160xi32, #tpu.memory_space<hbm>>
    %dma_wait3A_526 = tpu.memref_squeeze %dma_wait3A_525 : memref<1x1x25x160xi32, #tpu.memory_space<hbm>> -> memref<25x160xi32, #tpu.memory_space<hbm>>
    %dma_wait3A_527 = tpu.memref_slice %arg12[%dma_wait3A_518] : memref<2x!tpu.dma_semaphore, #tpu.memory_space<semaphore_mem>> -> memref<1x!tpu.dma_semaphore, #tpu.memory_space<semaphore_mem>>
    %dma_wait3A_528 = tpu.memref_squeeze %dma_wait3A_527 : memref<1x!tpu.dma_semaphore, #tpu.memory_space<semaphore_mem>> -> memref<!tpu.dma_semaphore, #tpu.memory_space<semaphore_mem>>
    %dma_wait3A_529 = arith.constant 0 : i32
    %dma_wait3A_530 = arith.constant 0 : i32
    %dma_wait3A_531 = tpu.memref_slice %arg6[%dma_wait3A_517, %dma_wait3A_529, %dma_wait3A_530] : memref<3x25x160xi32, #tpu.memory_space<vmem>> -> memref<1x25x160xi32, #tpu.memory_space<vmem>>
    %dma_wait3A_532 = tpu.memref_squeeze %dma_wait3A_531 : memref<1x25x160xi32, #tpu.memory_space<vmem>> -> memref<25x160xi32, #tpu.memory_space<vmem>>
    %dma_wait3A_533 = arith.constant 0 : i32
    %dma_wait3A_534 = arith.constant 0 : i32
    %dma_wait3A_535 = tpu.memref_slice %arg3[%arg1, %dma_wait3A_516, %dma_wait3A_533, %dma_wait3A_534] : memref<16x5x25x160xi32, #tpu.memory_space<hbm>> -> memref<1x1x25x160xi32, #tpu.memory_space<hbm>>
    %dma_wait3A_536 = tpu.memref_squeeze %dma_wait3A_535 : memref<1x1x25x160xi32, #tpu.memory_space<hbm>> -> memref<25x160xi32, #tpu.memory_space<hbm>>
    tpu.wait_dma2 semaphore(%dma_wait3A_528 : memref<!tpu.dma_semaphore, #tpu.memory_space<semaphore_mem>>) src(%dma_wait3A_536 : memref<25x160xi32, #tpu.memory_space<hbm>>) dst(%dma_wait3A_532 : memref<25x160xi32, #tpu.memory_space<vmem>>)
    %dma_wait3A_537 = arith.constant 3 : i32
    %dma_wait3A_538 = arith.constant 0 : i32
    %dma_wait3A_539 = arith.constant 1 : i32
    %dma_wait3A_540 = arith.constant 0 : i32
    %dma_wait3A_541 = arith.constant 0 : i32
    %dma_wait3A_542 = tpu.memref_slice %arg7[%dma_wait3A_538, %dma_wait3A_540, %dma_wait3A_541] : memref<3x25x160xi32, #tpu.memory_space<vmem>> -> memref<1x25x160xi32, #tpu.memory_space<vmem>>
    %dma_wait3A_543 = tpu.memref_squeeze %dma_wait3A_542 : memref<1x25x160xi32, #tpu.memory_space<vmem>> -> memref<25x160xi32, #tpu.memory_space<vmem>>
    %dma_wait3A_544 = arith.constant 0 : i32
    %dma_wait3A_545 = arith.constant 0 : i32
    %dma_wait3A_546 = tpu.memref_slice %arg4[%arg1, %dma_wait3A_537, %dma_wait3A_544, %dma_wait3A_545] : memref<16x5x25x160xi32, #tpu.memory_space<hbm>> -> memref<1x1x25x160xi32, #tpu.memory_space<hbm>>
    %dma_wait3A_547 = tpu.memref_squeeze %dma_wait3A_546 : memref<1x1x25x160xi32, #tpu.memory_space<hbm>> -> memref<25x160xi32, #tpu.memory_space<hbm>>
    %dma_wait3A_548 = tpu.memref_slice %arg12[%dma_wait3A_539] : memref<2x!tpu.dma_semaphore, #tpu.memory_space<semaphore_mem>> -> memref<1x!tpu.dma_semaphore, #tpu.memory_space<semaphore_mem>>
    %dma_wait3A_549 = tpu.memref_squeeze %dma_wait3A_548 : memref<1x!tpu.dma_semaphore, #tpu.memory_space<semaphore_mem>> -> memref<!tpu.dma_semaphore, #tpu.memory_space<semaphore_mem>>
    %dma_wait3A_550 = arith.constant 0 : i32
    %dma_wait3A_551 = arith.constant 0 : i32
    %dma_wait3A_552 = tpu.memref_slice %arg7[%dma_wait3A_538, %dma_wait3A_550, %dma_wait3A_551] : memref<3x25x160xi32, #tpu.memory_space<vmem>> -> memref<1x25x160xi32, #tpu.memory_space<vmem>>
    %dma_wait3A_553 = tpu.memref_squeeze %dma_wait3A_552 : memref<1x25x160xi32, #tpu.memory_space<vmem>> -> memref<25x160xi32, #tpu.memory_space<vmem>>
    %dma_wait3A_554 = arith.constant 0 : i32
    %dma_wait3A_555 = arith.constant 0 : i32
    %dma_wait3A_556 = tpu.memref_slice %arg4[%arg1, %dma_wait3A_537, %dma_wait3A_554, %dma_wait3A_555] : memref<16x5x25x160xi32, #tpu.memory_space<hbm>> -> memref<1x1x25x160xi32, #tpu.memory_space<hbm>>
    %dma_wait3A_557 = tpu.memref_squeeze %dma_wait3A_556 : memref<1x1x25x160xi32, #tpu.memory_space<hbm>> -> memref<25x160xi32, #tpu.memory_space<hbm>>
    tpu.wait_dma2 semaphore(%dma_wait3A_549 : memref<!tpu.dma_semaphore, #tpu.memory_space<semaphore_mem>>) src(%dma_wait3A_557 : memref<25x160xi32, #tpu.memory_space<hbm>>) dst(%dma_wait3A_553 : memref<25x160xi32, #tpu.memory_space<vmem>>)
    %scan3A_558 = arith.constant 0 : i32
    %scan3A_559 = arith.constant 20 : i32
    %scan3A_560 = arith.constant 5 : i32
    %scan3A_561 = arith.addi %scan3A_559, %scan3A_560 : i32
    %scan3A_562 = arith.constant 1 : i32
    scf.for %scan3A_973 = %scan3A_559 to %scan3A_561 step %scan3A_562  : i32 {
      %add3A_974 = arith.constant 2 : i32
      %add3A_975 = arith.addi %scan3A_973, %add3A_974 : i32
      %rem3A = arith.constant 6 : i32
      %rem3A_976 = arith.remsi %add3A_975, %rem3A : i32
      %add3A_977 = arith.constant 5 : i32
      %add3A_978 = arith.addi %scan3A_973, %add3A_977 : i32
      %add3A_979 = arith.constant 2 : i32
      %add3A_980 = arith.addi %add3A_978, %add3A_979 : i32
      %rem3A_981 = arith.constant 6 : i32
      %rem3A_982 = arith.remsi %add3A_980, %rem3A_981 : i32
      %dma_wait3A_983 = arith.constant 2 : i32
      %dma_wait3A_984 = arith.constant 0 : i32
      %dma_wait3A_985 = arith.constant 0 : i32
      %dma_wait3A_986 = tpu.memref_slice %arg8[%rem3A_976, %dma_wait3A_984, %dma_wait3A_985] : memref<6x160x64xf32, #tpu.memory_space<vmem>> -> memref<1x160x64xf32, #tpu.memory_space<vmem>>
      %dma_wait3A_987 = tpu.memref_squeeze %dma_wait3A_986 : memref<1x160x64xf32, #tpu.memory_space<vmem>> -> memref<160x64xf32, #tpu.memory_space<vmem>>
      %dma_wait3A_988 = arith.constant 0 : i32
      %dma_wait3A_989 = tpu.memref_slice %arg6[%dma_wait3A_983, %scan3A_973, %dma_wait3A_988] : memref<3x25x160xi32, #tpu.memory_space<vmem>> -> memref<1x1x160xi32, #tpu.memory_space<vmem>>
      %dma_wait3A_990 = tpu.memref_squeeze %dma_wait3A_989 : memref<1x1x160xi32, #tpu.memory_space<vmem>> -> memref<160xi32, #tpu.memory_space<vmem>>
      %dma_wait3A_991 = arith.constant 0 : i32
      %dma_wait3A_992 = tpu.memref_slice %arg2[%arg0, %dma_wait3A_991] : memref<20000x64xf32, #tpu.memory_space<hbm>> -> memref<19999x64xf32, #tpu.memory_space<hbm>>
      %dma_wait3A_993 = arith.constant 0 : i32
      %dma_wait3A_994 = arith.constant 0 : i32
      %dma_wait3A_995 = tpu.memref_slice %dma_wait3A_992[%dma_wait3A_993, %dma_wait3A_994] : memref<19999x64xf32, #tpu.memory_space<hbm>> -> memref<19999x64xf32, #tpu.memory_space<hbm>>
      %dma_wait3A_996 = tpu.memref_slice %arg11[%rem3A_976] : memref<6x!tpu.dma_semaphore, #tpu.memory_space<semaphore_mem>> -> memref<1x!tpu.dma_semaphore, #tpu.memory_space<semaphore_mem>>
      %dma_wait3A_997 = tpu.memref_squeeze %dma_wait3A_996 : memref<1x!tpu.dma_semaphore, #tpu.memory_space<semaphore_mem>> -> memref<!tpu.dma_semaphore, #tpu.memory_space<semaphore_mem>>
      tpu.wait_indirect_dma semaphore(%dma_wait3A_997 : memref<!tpu.dma_semaphore, #tpu.memory_space<semaphore_mem>>) src(%dma_wait3A_995 : memref<19999x64xf32, #tpu.memory_space<hbm>>) dst(%dma_wait3A_987 : memref<160x64xf32, #tpu.memory_space<vmem>>)
      %run_scoped3A_998 = arith.constant 2 : i32
      "tpu.region"() ({
        %run_scoped3A_1017 = tpu.sem_alloc : memref<!tpu.dma_semaphore, #tpu.memory_space<semaphore_mem>>
        %dma_start3A_1018 = arith.constant 0 : i32
        %dma_start3A_1019 = arith.constant 0 : i32
        %dma_start3A_1020 = tpu.memref_slice %arg8[%rem3A_976, %dma_start3A_1018, %dma_start3A_1019] : memref<6x160x64xf32, #tpu.memory_space<vmem>> -> memref<1x160x64xf32, #tpu.memory_space<vmem>>
        %dma_start3A_1021 = tpu.memref_squeeze %dma_start3A_1020 : memref<1x160x64xf32, #tpu.memory_space<vmem>> -> memref<160x64xf32, #tpu.memory_space<vmem>>
        %dma_start3A_1022 = arith.constant 0 : i32
        %dma_start3A_1023 = tpu.memref_slice %arg7[%run_scoped3A_998, %scan3A_973, %dma_start3A_1022] : memref<3x25x160xi32, #tpu.memory_space<vmem>> -> memref<1x1x160xi32, #tpu.memory_space<vmem>>
        %dma_start3A_1024 = tpu.memref_squeeze %dma_start3A_1023 : memref<1x1x160xi32, #tpu.memory_space<vmem>> -> memref<160xi32, #tpu.memory_space<vmem>>
        %dma_start3A_1025 = arith.constant 0 : i32
        %dma_start3A_1026 = arith.constant 0 : i32
        %dma_start3A_1027 = tpu.memref_slice %arg10[%dma_start3A_1025, %dma_start3A_1026] : memref<10240x64xf32, #tpu.memory_space<vmem_shared>> -> memref<10240x64xf32, #tpu.memory_space<vmem_shared>>
        tpu.enqueue_indirect_dma source(%dma_start3A_1021 : memref<160x64xf32, #tpu.memory_space<vmem>>) target(%dma_start3A_1027 : memref<10240x64xf32, #tpu.memory_space<vmem_shared>>) offsets(%dma_start3A_1024 : memref<160xi32, #tpu.memory_space<vmem>>) semaphore(%run_scoped3A_1017 : memref<!tpu.dma_semaphore, #tpu.memory_space<semaphore_mem>>) {add = true}
        %dma_wait3A_1028 = arith.constant 0 : i32
        %dma_wait3A_1029 = arith.constant 0 : i32
        %dma_wait3A_1030 = tpu.memref_slice %arg8[%rem3A_976, %dma_wait3A_1028, %dma_wait3A_1029] : memref<6x160x64xf32, #tpu.memory_space<vmem>> -> memref<1x160x64xf32, #tpu.memory_space<vmem>>
        %dma_wait3A_1031 = tpu.memref_squeeze %dma_wait3A_1030 : memref<1x160x64xf32, #tpu.memory_space<vmem>> -> memref<160x64xf32, #tpu.memory_space<vmem>>
        %dma_wait3A_1032 = arith.constant 0 : i32
        %dma_wait3A_1033 = tpu.memref_slice %arg7[%run_scoped3A_998, %scan3A_973, %dma_wait3A_1032] : memref<3x25x160xi32, #tpu.memory_space<vmem>> -> memref<1x1x160xi32, #tpu.memory_space<vmem>>
        %dma_wait3A_1034 = tpu.memref_squeeze %dma_wait3A_1033 : memref<1x1x160xi32, #tpu.memory_space<vmem>> -> memref<160xi32, #tpu.memory_space<vmem>>
        %dma_wait3A_1035 = arith.constant 0 : i32
        %dma_wait3A_1036 = arith.constant 0 : i32
        %dma_wait3A_1037 = tpu.memref_slice %arg10[%dma_wait3A_1035, %dma_wait3A_1036] : memref<10240x64xf32, #tpu.memory_space<vmem_shared>> -> memref<10240x64xf32, #tpu.memory_space<vmem_shared>>
        tpu.wait_indirect_dma semaphore(%run_scoped3A_1017 : memref<!tpu.dma_semaphore, #tpu.memory_space<semaphore_mem>>) src(%dma_wait3A_1031 : memref<160x64xf32, #tpu.memory_space<vmem>>) dst(%dma_wait3A_1037 : memref<10240x64xf32, #tpu.memory_space<vmem_shared>>)
        tpu.yield
      }) : () -> ()
      %add3A_999 = arith.constant 5 : i32
      %add3A_1000 = arith.addi %scan3A_973, %add3A_999 : i32
      %sub3A = arith.constant 25 : i32
      %sub3A_1001 = arith.subi %add3A_1000, %sub3A : i32
      %dma_start3A_1002 = arith.constant 0 : i32
      %dma_start3A_1003 = arith.constant 0 : i32
      %dma_start3A_1004 = arith.constant 0 : i32
      %dma_start3A_1005 = tpu.memref_slice %arg8[%rem3A_982, %dma_start3A_1003, %dma_start3A_1004] : memref<6x160x64xf32, #tpu.memory_space<vmem>> -> memref<1x160x64xf32, #tpu.memory_space<vmem>>
      %dma_start3A_1006 = tpu.memref_squeeze %dma_start3A_1005 : memref<1x160x64xf32, #tpu.memory_space<vmem>> -> memref<160x64xf32, #tpu.memory_space<vmem>>
      %dma_start3A_1007 = arith.constant 0 : i32
      %dma_start3A_1008 = tpu.memref_slice %arg6[%dma_start3A_1002, %sub3A_1001, %dma_start3A_1007] : memref<3x25x160xi32, #tpu.memory_space<vmem>> -> memref<1x1x160xi32, #tpu.memory_space<vmem>>
      %dma_start3A_1009 = tpu.memref_squeeze %dma_start3A_1008 : memref<1x1x160xi32, #tpu.memory_space<vmem>> -> memref<160xi32, #tpu.memory_space<vmem>>
      %dma_start3A_1010 = arith.constant 0 : i32
      %dma_start3A_1011 = tpu.memref_slice %arg2[%arg0, %dma_start3A_1010] : memref<20000x64xf32, #tpu.memory_space<hbm>> -> memref<19999x64xf32, #tpu.memory_space<hbm>>
      %dma_start3A_1012 = arith.constant 0 : i32
      %dma_start3A_1013 = arith.constant 0 : i32
      %dma_start3A_1014 = tpu.memref_slice %dma_start3A_1011[%dma_start3A_1012, %dma_start3A_1013] : memref<19999x64xf32, #tpu.memory_space<hbm>> -> memref<19999x64xf32, #tpu.memory_space<hbm>>
      %dma_start3A_1015 = tpu.memref_slice %arg11[%rem3A_982] : memref<6x!tpu.dma_semaphore, #tpu.memory_space<semaphore_mem>> -> memref<1x!tpu.dma_semaphore, #tpu.memory_space<semaphore_mem>>
      %dma_start3A_1016 = tpu.memref_squeeze %dma_start3A_1015 : memref<1x!tpu.dma_semaphore, #tpu.memory_space<semaphore_mem>> -> memref<!tpu.dma_semaphore, #tpu.memory_space<semaphore_mem>>
      tpu.enqueue_indirect_dma source(%dma_start3A_1014 : memref<19999x64xf32, #tpu.memory_space<hbm>>) target(%dma_start3A_1006 : memref<160x64xf32, #tpu.memory_space<vmem>>) offsets(%dma_start3A_1009 : memref<160xi32, #tpu.memory_space<vmem>>) semaphore(%dma_start3A_1016 : memref<!tpu.dma_semaphore, #tpu.memory_space<semaphore_mem>>)
    }
    %scan3A_563 = arith.constant 5 : i32
    %dma_start3A_564 = arith.constant 4 : i32
    %dma_start3A_565 = arith.constant 1 : i32
    %dma_start3A_566 = arith.constant 0 : i32
    %dma_start3A_567 = arith.constant 0 : i32
    %dma_start3A_568 = arith.constant 0 : i32
    %dma_start3A_569 = tpu.memref_slice %arg6[%dma_start3A_565, %dma_start3A_567, %dma_start3A_568] : memref<3x25x160xi32, #tpu.memory_space<vmem>> -> memref<1x25x160xi32, #tpu.memory_space<vmem>>
    %dma_start3A_570 = tpu.memref_squeeze %dma_start3A_569 : memref<1x25x160xi32, #tpu.memory_space<vmem>> -> memref<25x160xi32, #tpu.memory_space<vmem>>
    %dma_start3A_571 = arith.constant 0 : i32
    %dma_start3A_572 = arith.constant 0 : i32
    %dma_start3A_573 = tpu.memref_slice %arg3[%arg1, %dma_start3A_564, %dma_start3A_571, %dma_start3A_572] : memref<16x5x25x160xi32, #tpu.memory_space<hbm>> -> memref<1x1x25x160xi32, #tpu.memory_space<hbm>>
    %dma_start3A_574 = tpu.memref_squeeze %dma_start3A_573 : memref<1x1x25x160xi32, #tpu.memory_space<hbm>> -> memref<25x160xi32, #tpu.memory_space<hbm>>
    %dma_start3A_575 = tpu.memref_slice %arg12[%dma_start3A_566] : memref<2x!tpu.dma_semaphore, #tpu.memory_space<semaphore_mem>> -> memref<1x!tpu.dma_semaphore, #tpu.memory_space<semaphore_mem>>
    %dma_start3A_576 = tpu.memref_squeeze %dma_start3A_575 : memref<1x!tpu.dma_semaphore, #tpu.memory_space<semaphore_mem>> -> memref<!tpu.dma_semaphore, #tpu.memory_space<semaphore_mem>>
    %dma_start3A_577 = arith.constant 0 : i32
    %dma_start3A_578 = arith.constant 0 : i32
    %dma_start3A_579 = tpu.memref_slice %arg6[%dma_start3A_565, %dma_start3A_577, %dma_start3A_578] : memref<3x25x160xi32, #tpu.memory_space<vmem>> -> memref<1x25x160xi32, #tpu.memory_space<vmem>>
    %dma_start3A_580 = tpu.memref_squeeze %dma_start3A_579 : memref<1x25x160xi32, #tpu.memory_space<vmem>> -> memref<25x160xi32, #tpu.memory_space<vmem>>
    %dma_start3A_581 = arith.constant 0 : i32
    %dma_start3A_582 = arith.constant 0 : i32
    %dma_start3A_583 = tpu.memref_slice %arg3[%arg1, %dma_start3A_564, %dma_start3A_581, %dma_start3A_582] : memref<16x5x25x160xi32, #tpu.memory_space<hbm>> -> memref<1x1x25x160xi32, #tpu.memory_space<hbm>>
    %dma_start3A_584 = tpu.memref_squeeze %dma_start3A_583 : memref<1x1x25x160xi32, #tpu.memory_space<hbm>> -> memref<25x160xi32, #tpu.memory_space<hbm>>
    tpu.enqueue_dma source(%dma_start3A_584 : memref<25x160xi32, #tpu.memory_space<hbm>>) target(%dma_start3A_580 : memref<25x160xi32, #tpu.memory_space<vmem>>) target_semaphore(%dma_start3A_576 : memref<!tpu.dma_semaphore, #tpu.memory_space<semaphore_mem>>)
    %dma_start3A_585 = arith.constant 4 : i32
    %dma_start3A_586 = arith.constant 1 : i32
    %dma_start3A_587 = arith.constant 1 : i32
    %dma_start3A_588 = arith.constant 0 : i32
    %dma_start3A_589 = arith.constant 0 : i32
    %dma_start3A_590 = tpu.memref_slice %arg7[%dma_start3A_586, %dma_start3A_588, %dma_start3A_589] : memref<3x25x160xi32, #tpu.memory_space<vmem>> -> memref<1x25x160xi32, #tpu.memory_space<vmem>>
    %dma_start3A_591 = tpu.memref_squeeze %dma_start3A_590 : memref<1x25x160xi32, #tpu.memory_space<vmem>> -> memref<25x160xi32, #tpu.memory_space<vmem>>
    %dma_start3A_592 = arith.constant 0 : i32
    %dma_start3A_593 = arith.constant 0 : i32
    %dma_start3A_594 = tpu.memref_slice %arg4[%arg1, %dma_start3A_585, %dma_start3A_592, %dma_start3A_593] : memref<16x5x25x160xi32, #tpu.memory_space<hbm>> -> memref<1x1x25x160xi32, #tpu.memory_space<hbm>>
    %dma_start3A_595 = tpu.memref_squeeze %dma_start3A_594 : memref<1x1x25x160xi32, #tpu.memory_space<hbm>> -> memref<25x160xi32, #tpu.memory_space<hbm>>
    %dma_start3A_596 = tpu.memref_slice %arg12[%dma_start3A_587] : memref<2x!tpu.dma_semaphore, #tpu.memory_space<semaphore_mem>> -> memref<1x!tpu.dma_semaphore, #tpu.memory_space<semaphore_mem>>
    %dma_start3A_597 = tpu.memref_squeeze %dma_start3A_596 : memref<1x!tpu.dma_semaphore, #tpu.memory_space<semaphore_mem>> -> memref<!tpu.dma_semaphore, #tpu.memory_space<semaphore_mem>>
    %dma_start3A_598 = arith.constant 0 : i32
    %dma_start3A_599 = arith.constant 0 : i32
    %dma_start3A_600 = tpu.memref_slice %arg7[%dma_start3A_586, %dma_start3A_598, %dma_start3A_599] : memref<3x25x160xi32, #tpu.memory_space<vmem>> -> memref<1x25x160xi32, #tpu.memory_space<vmem>>
    %dma_start3A_601 = tpu.memref_squeeze %dma_start3A_600 : memref<1x25x160xi32, #tpu.memory_space<vmem>> -> memref<25x160xi32, #tpu.memory_space<vmem>>
    %dma_start3A_602 = arith.constant 0 : i32
    %dma_start3A_603 = arith.constant 0 : i32
    %dma_start3A_604 = tpu.memref_slice %arg4[%arg1, %dma_start3A_585, %dma_start3A_602, %dma_start3A_603] : memref<16x5x25x160xi32, #tpu.memory_space<hbm>> -> memref<1x1x25x160xi32, #tpu.memory_space<hbm>>
    %dma_start3A_605 = tpu.memref_squeeze %dma_start3A_604 : memref<1x1x25x160xi32, #tpu.memory_space<hbm>> -> memref<25x160xi32, #tpu.memory_space<hbm>>
    tpu.enqueue_dma source(%dma_start3A_605 : memref<25x160xi32, #tpu.memory_space<hbm>>) target(%dma_start3A_601 : memref<25x160xi32, #tpu.memory_space<vmem>>) target_semaphore(%dma_start3A_597 : memref<!tpu.dma_semaphore, #tpu.memory_space<semaphore_mem>>)
    %scan3A_606 = arith.constant 0 : i32
    %scan3A_607 = arith.constant 0 : i32
    %scan3A_608 = arith.constant 20 : i32
    %scan3A_609 = arith.addi %scan3A_607, %scan3A_608 : i32
    %scan3A_610 = arith.constant 1 : i32
    scf.for %scan3A_973 = %scan3A_607 to %scan3A_609 step %scan3A_610  : i32 {
      %add3A_974 = arith.constant 3 : i32
      %add3A_975 = arith.addi %scan3A_973, %add3A_974 : i32
      %rem3A = arith.constant 6 : i32
      %rem3A_976 = arith.remsi %add3A_975, %rem3A : i32
      %add3A_977 = arith.constant 5 : i32
      %add3A_978 = arith.addi %scan3A_973, %add3A_977 : i32
      %add3A_979 = arith.constant 3 : i32
      %add3A_980 = arith.addi %add3A_978, %add3A_979 : i32
      %rem3A_981 = arith.constant 6 : i32
      %rem3A_982 = arith.remsi %add3A_980, %rem3A_981 : i32
      %dma_wait3A_983 = arith.constant 0 : i32
      %dma_wait3A_984 = arith.constant 0 : i32
      %dma_wait3A_985 = arith.constant 0 : i32
      %dma_wait3A_986 = tpu.memref_slice %arg8[%rem3A_976, %dma_wait3A_984, %dma_wait3A_985] : memref<6x160x64xf32, #tpu.memory_space<vmem>> -> memref<1x160x64xf32, #tpu.memory_space<vmem>>
      %dma_wait3A_987 = tpu.memref_squeeze %dma_wait3A_986 : memref<1x160x64xf32, #tpu.memory_space<vmem>> -> memref<160x64xf32, #tpu.memory_space<vmem>>
      %dma_wait3A_988 = arith.constant 0 : i32
      %dma_wait3A_989 = tpu.memref_slice %arg6[%dma_wait3A_983, %scan3A_973, %dma_wait3A_988] : memref<3x25x160xi32, #tpu.memory_space<vmem>> -> memref<1x1x160xi32, #tpu.memory_space<vmem>>
      %dma_wait3A_990 = tpu.memref_squeeze %dma_wait3A_989 : memref<1x1x160xi32, #tpu.memory_space<vmem>> -> memref<160xi32, #tpu.memory_space<vmem>>
      %dma_wait3A_991 = arith.constant 0 : i32
      %dma_wait3A_992 = tpu.memref_slice %arg2[%arg0, %dma_wait3A_991] : memref<20000x64xf32, #tpu.memory_space<hbm>> -> memref<19999x64xf32, #tpu.memory_space<hbm>>
      %dma_wait3A_993 = arith.constant 0 : i32
      %dma_wait3A_994 = arith.constant 0 : i32
      %dma_wait3A_995 = tpu.memref_slice %dma_wait3A_992[%dma_wait3A_993, %dma_wait3A_994] : memref<19999x64xf32, #tpu.memory_space<hbm>> -> memref<19999x64xf32, #tpu.memory_space<hbm>>
      %dma_wait3A_996 = tpu.memref_slice %arg11[%rem3A_976] : memref<6x!tpu.dma_semaphore, #tpu.memory_space<semaphore_mem>> -> memref<1x!tpu.dma_semaphore, #tpu.memory_space<semaphore_mem>>
      %dma_wait3A_997 = tpu.memref_squeeze %dma_wait3A_996 : memref<1x!tpu.dma_semaphore, #tpu.memory_space<semaphore_mem>> -> memref<!tpu.dma_semaphore, #tpu.memory_space<semaphore_mem>>
      tpu.wait_indirect_dma semaphore(%dma_wait3A_997 : memref<!tpu.dma_semaphore, #tpu.memory_space<semaphore_mem>>) src(%dma_wait3A_995 : memref<19999x64xf32, #tpu.memory_space<hbm>>) dst(%dma_wait3A_987 : memref<160x64xf32, #tpu.memory_space<vmem>>)
      %run_scoped3A_998 = arith.constant 0 : i32
      "tpu.region"() ({
        %run_scoped3A_1016 = tpu.sem_alloc : memref<!tpu.dma_semaphore, #tpu.memory_space<semaphore_mem>>
        %dma_start3A_1017 = arith.constant 0 : i32
        %dma_start3A_1018 = arith.constant 0 : i32
        %dma_start3A_1019 = tpu.memref_slice %arg8[%rem3A_976, %dma_start3A_1017, %dma_start3A_1018] : memref<6x160x64xf32, #tpu.memory_space<vmem>> -> memref<1x160x64xf32, #tpu.memory_space<vmem>>
        %dma_start3A_1020 = tpu.memref_squeeze %dma_start3A_1019 : memref<1x160x64xf32, #tpu.memory_space<vmem>> -> memref<160x64xf32, #tpu.memory_space<vmem>>
        %dma_start3A_1021 = arith.constant 0 : i32
        %dma_start3A_1022 = tpu.memref_slice %arg7[%run_scoped3A_998, %scan3A_973, %dma_start3A_1021] : memref<3x25x160xi32, #tpu.memory_space<vmem>> -> memref<1x1x160xi32, #tpu.memory_space<vmem>>
        %dma_start3A_1023 = tpu.memref_squeeze %dma_start3A_1022 : memref<1x1x160xi32, #tpu.memory_space<vmem>> -> memref<160xi32, #tpu.memory_space<vmem>>
        %dma_start3A_1024 = arith.constant 0 : i32
        %dma_start3A_1025 = arith.constant 0 : i32
        %dma_start3A_1026 = tpu.memref_slice %arg10[%dma_start3A_1024, %dma_start3A_1025] : memref<10240x64xf32, #tpu.memory_space<vmem_shared>> -> memref<10240x64xf32, #tpu.memory_space<vmem_shared>>
        tpu.enqueue_indirect_dma source(%dma_start3A_1020 : memref<160x64xf32, #tpu.memory_space<vmem>>) target(%dma_start3A_1026 : memref<10240x64xf32, #tpu.memory_space<vmem_shared>>) offsets(%dma_start3A_1023 : memref<160xi32, #tpu.memory_space<vmem>>) semaphore(%run_scoped3A_1016 : memref<!tpu.dma_semaphore, #tpu.memory_space<semaphore_mem>>) {add = true}
        %dma_wait3A_1027 = arith.constant 0 : i32
        %dma_wait3A_1028 = arith.constant 0 : i32
        %dma_wait3A_1029 = tpu.memref_slice %arg8[%rem3A_976, %dma_wait3A_1027, %dma_wait3A_1028] : memref<6x160x64xf32, #tpu.memory_space<vmem>> -> memref<1x160x64xf32, #tpu.memory_space<vmem>>
        %dma_wait3A_1030 = tpu.memref_squeeze %dma_wait3A_1029 : memref<1x160x64xf32, #tpu.memory_space<vmem>> -> memref<160x64xf32, #tpu.memory_space<vmem>>
        %dma_wait3A_1031 = arith.constant 0 : i32
        %dma_wait3A_1032 = tpu.memref_slice %arg7[%run_scoped3A_998, %scan3A_973, %dma_wait3A_1031] : memref<3x25x160xi32, #tpu.memory_space<vmem>> -> memref<1x1x160xi32, #tpu.memory_space<vmem>>
        %dma_wait3A_1033 = tpu.memref_squeeze %dma_wait3A_1032 : memref<1x1x160xi32, #tpu.memory_space<vmem>> -> memref<160xi32, #tpu.memory_space<vmem>>
        %dma_wait3A_1034 = arith.constant 0 : i32
        %dma_wait3A_1035 = arith.constant 0 : i32
        %dma_wait3A_1036 = tpu.memref_slice %arg10[%dma_wait3A_1034, %dma_wait3A_1035] : memref<10240x64xf32, #tpu.memory_space<vmem_shared>> -> memref<10240x64xf32, #tpu.memory_space<vmem_shared>>
        tpu.wait_indirect_dma semaphore(%run_scoped3A_1016 : memref<!tpu.dma_semaphore, #tpu.memory_space<semaphore_mem>>) src(%dma_wait3A_1030 : memref<160x64xf32, #tpu.memory_space<vmem>>) dst(%dma_wait3A_1036 : memref<10240x64xf32, #tpu.memory_space<vmem_shared>>)
        tpu.yield
      }) : () -> ()
      %add3A_999 = arith.constant 5 : i32
      %add3A_1000 = arith.addi %scan3A_973, %add3A_999 : i32
      %dma_start3A_1001 = arith.constant 0 : i32
      %dma_start3A_1002 = arith.constant 0 : i32
      %dma_start3A_1003 = arith.constant 0 : i32
      %dma_start3A_1004 = tpu.memref_slice %arg8[%rem3A_982, %dma_start3A_1002, %dma_start3A_1003] : memref<6x160x64xf32, #tpu.memory_space<vmem>> -> memref<1x160x64xf32, #tpu.memory_space<vmem>>
      %dma_start3A_1005 = tpu.memref_squeeze %dma_start3A_1004 : memref<1x160x64xf32, #tpu.memory_space<vmem>> -> memref<160x64xf32, #tpu.memory_space<vmem>>
      %dma_start3A_1006 = arith.constant 0 : i32
      %dma_start3A_1007 = tpu.memref_slice %arg6[%dma_start3A_1001, %add3A_1000, %dma_start3A_1006] : memref<3x25x160xi32, #tpu.memory_space<vmem>> -> memref<1x1x160xi32, #tpu.memory_space<vmem>>
      %dma_start3A_1008 = tpu.memref_squeeze %dma_start3A_1007 : memref<1x1x160xi32, #tpu.memory_space<vmem>> -> memref<160xi32, #tpu.memory_space<vmem>>
      %dma_start3A_1009 = arith.constant 0 : i32
      %dma_start3A_1010 = tpu.memref_slice %arg2[%arg0, %dma_start3A_1009] : memref<20000x64xf32, #tpu.memory_space<hbm>> -> memref<19999x64xf32, #tpu.memory_space<hbm>>
      %dma_start3A_1011 = arith.constant 0 : i32
      %dma_start3A_1012 = arith.constant 0 : i32
      %dma_start3A_1013 = tpu.memref_slice %dma_start3A_1010[%dma_start3A_1011, %dma_start3A_1012] : memref<19999x64xf32, #tpu.memory_space<hbm>> -> memref<19999x64xf32, #tpu.memory_space<hbm>>
      %dma_start3A_1014 = tpu.memref_slice %arg11[%rem3A_982] : memref<6x!tpu.dma_semaphore, #tpu.memory_space<semaphore_mem>> -> memref<1x!tpu.dma_semaphore, #tpu.memory_space<semaphore_mem>>
      %dma_start3A_1015 = tpu.memref_squeeze %dma_start3A_1014 : memref<1x!tpu.dma_semaphore, #tpu.memory_space<semaphore_mem>> -> memref<!tpu.dma_semaphore, #tpu.memory_space<semaphore_mem>>
      tpu.enqueue_indirect_dma source(%dma_start3A_1013 : memref<19999x64xf32, #tpu.memory_space<hbm>>) target(%dma_start3A_1005 : memref<160x64xf32, #tpu.memory_space<vmem>>) offsets(%dma_start3A_1008 : memref<160xi32, #tpu.memory_space<vmem>>) semaphore(%dma_start3A_1015 : memref<!tpu.dma_semaphore, #tpu.memory_space<semaphore_mem>>)
    }
    %scan3A_611 = arith.constant 20 : i32
    %dma_wait3A_612 = arith.constant 4 : i32
    %dma_wait3A_613 = arith.constant 1 : i32
    %dma_wait3A_614 = arith.constant 0 : i32
    %dma_wait3A_615 = arith.constant 0 : i32
    %dma_wait3A_616 = arith.constant 0 : i32
    %dma_wait3A_617 = tpu.memref_slice %arg6[%dma_wait3A_613, %dma_wait3A_615, %dma_wait3A_616] : memref<3x25x160xi32, #tpu.memory_space<vmem>> -> memref<1x25x160xi32, #tpu.memory_space<vmem>>
    %dma_wait3A_618 = tpu.memref_squeeze %dma_wait3A_617 : memref<1x25x160xi32, #tpu.memory_space<vmem>> -> memref<25x160xi32, #tpu.memory_space<vmem>>
    %dma_wait3A_619 = arith.constant 0 : i32
    %dma_wait3A_620 = arith.constant 0 : i32
    %dma_wait3A_621 = tpu.memref_slice %arg3[%arg1, %dma_wait3A_612, %dma_wait3A_619, %dma_wait3A_620] : memref<16x5x25x160xi32, #tpu.memory_space<hbm>> -> memref<1x1x25x160xi32, #tpu.memory_space<hbm>>
    %dma_wait3A_622 = tpu.memref_squeeze %dma_wait3A_621 : memref<1x1x25x160xi32, #tpu.memory_space<hbm>> -> memref<25x160xi32, #tpu.memory_space<hbm>>
    %dma_wait3A_623 = tpu.memref_slice %arg12[%dma_wait3A_614] : memref<2x!tpu.dma_semaphore, #tpu.memory_space<semaphore_mem>> -> memref<1x!tpu.dma_semaphore, #tpu.memory_space<semaphore_mem>>
    %dma_wait3A_624 = tpu.memref_squeeze %dma_wait3A_623 : memref<1x!tpu.dma_semaphore, #tpu.memory_space<semaphore_mem>> -> memref<!tpu.dma_semaphore, #tpu.memory_space<semaphore_mem>>
    %dma_wait3A_625 = arith.constant 0 : i32
    %dma_wait3A_626 = arith.constant 0 : i32
    %dma_wait3A_627 = tpu.memref_slice %arg6[%dma_wait3A_613, %dma_wait3A_625, %dma_wait3A_626] : memref<3x25x160xi32, #tpu.memory_space<vmem>> -> memref<1x25x160xi32, #tpu.memory_space<vmem>>
    %dma_wait3A_628 = tpu.memref_squeeze %dma_wait3A_627 : memref<1x25x160xi32, #tpu.memory_space<vmem>> -> memref<25x160xi32, #tpu.memory_space<vmem>>
    %dma_wait3A_629 = arith.constant 0 : i32
    %dma_wait3A_630 = arith.constant 0 : i32
    %dma_wait3A_631 = tpu.memref_slice %arg3[%arg1, %dma_wait3A_612, %dma_wait3A_629, %dma_wait3A_630] : memref<16x5x25x160xi32, #tpu.memory_space<hbm>> -> memref<1x1x25x160xi32, #tpu.memory_space<hbm>>
    %dma_wait3A_632 = tpu.memref_squeeze %dma_wait3A_631 : memref<1x1x25x160xi32, #tpu.memory_space<hbm>> -> memref<25x160xi32, #tpu.memory_space<hbm>>
    tpu.wait_dma2 semaphore(%dma_wait3A_624 : memref<!tpu.dma_semaphore, #tpu.memory_space<semaphore_mem>>) src(%dma_wait3A_632 : memref<25x160xi32, #tpu.memory_space<hbm>>) dst(%dma_wait3A_628 : memref<25x160xi32, #tpu.memory_space<vmem>>)
    %dma_wait3A_633 = arith.constant 4 : i32
    %dma_wait3A_634 = arith.constant 1 : i32
    %dma_wait3A_635 = arith.constant 1 : i32
    %dma_wait3A_636 = arith.constant 0 : i32
    %dma_wait3A_637 = arith.constant 0 : i32
    %dma_wait3A_638 = tpu.memref_slice %arg7[%dma_wait3A_634, %dma_wait3A_636, %dma_wait3A_637] : memref<3x25x160xi32, #tpu.memory_space<vmem>> -> memref<1x25x160xi32, #tpu.memory_space<vmem>>
    %dma_wait3A_639 = tpu.memref_squeeze %dma_wait3A_638 : memref<1x25x160xi32, #tpu.memory_space<vmem>> -> memref<25x160xi32, #tpu.memory_space<vmem>>
    %dma_wait3A_640 = arith.constant 0 : i32
    %dma_wait3A_641 = arith.constant 0 : i32
    %dma_wait3A_642 = tpu.memref_slice %arg4[%arg1, %dma_wait3A_633, %dma_wait3A_640, %dma_wait3A_641] : memref<16x5x25x160xi32, #tpu.memory_space<hbm>> -> memref<1x1x25x160xi32, #tpu.memory_space<hbm>>
    %dma_wait3A_643 = tpu.memref_squeeze %dma_wait3A_642 : memref<1x1x25x160xi32, #tpu.memory_space<hbm>> -> memref<25x160xi32, #tpu.memory_space<hbm>>
    %dma_wait3A_644 = tpu.memref_slice %arg12[%dma_wait3A_635] : memref<2x!tpu.dma_semaphore, #tpu.memory_space<semaphore_mem>> -> memref<1x!tpu.dma_semaphore, #tpu.memory_space<semaphore_mem>>
    %dma_wait3A_645 = tpu.memref_squeeze %dma_wait3A_644 : memref<1x!tpu.dma_semaphore, #tpu.memory_space<semaphore_mem>> -> memref<!tpu.dma_semaphore, #tpu.memory_space<semaphore_mem>>
    %dma_wait3A_646 = arith.constant 0 : i32
    %dma_wait3A_647 = arith.constant 0 : i32
    %dma_wait3A_648 = tpu.memref_slice %arg7[%dma_wait3A_634, %dma_wait3A_646, %dma_wait3A_647] : memref<3x25x160xi32, #tpu.memory_space<vmem>> -> memref<1x25x160xi32, #tpu.memory_space<vmem>>
    %dma_wait3A_649 = tpu.memref_squeeze %dma_wait3A_648 : memref<1x25x160xi32, #tpu.memory_space<vmem>> -> memref<25x160xi32, #tpu.memory_space<vmem>>
    %dma_wait3A_650 = arith.constant 0 : i32
    %dma_wait3A_651 = arith.constant 0 : i32
    %dma_wait3A_652 = tpu.memref_slice %arg4[%arg1, %dma_wait3A_633, %dma_wait3A_650, %dma_wait3A_651] : memref<16x5x25x160xi32, #tpu.memory_space<hbm>> -> memref<1x1x25x160xi32, #tpu.memory_space<hbm>>
    %dma_wait3A_653 = tpu.memref_squeeze %dma_wait3A_652 : memref<1x1x25x160xi32, #tpu.memory_space<hbm>> -> memref<25x160xi32, #tpu.memory_space<hbm>>
    tpu.wait_dma2 semaphore(%dma_wait3A_645 : memref<!tpu.dma_semaphore, #tpu.memory_space<semaphore_mem>>) src(%dma_wait3A_653 : memref<25x160xi32, #tpu.memory_space<hbm>>) dst(%dma_wait3A_649 : memref<25x160xi32, #tpu.memory_space<vmem>>)
    %scan3A_654 = arith.constant 0 : i32
    %scan3A_655 = arith.constant 20 : i32
    %scan3A_656 = arith.constant 5 : i32
    %scan3A_657 = arith.addi %scan3A_655, %scan3A_656 : i32
    %scan3A_658 = arith.constant 1 : i32
    scf.for %scan3A_973 = %scan3A_655 to %scan3A_657 step %scan3A_658  : i32 {
      %add3A_974 = arith.constant 3 : i32
      %add3A_975 = arith.addi %scan3A_973, %add3A_974 : i32
      %rem3A = arith.constant 6 : i32
      %rem3A_976 = arith.remsi %add3A_975, %rem3A : i32
      %add3A_977 = arith.constant 5 : i32
      %add3A_978 = arith.addi %scan3A_973, %add3A_977 : i32
      %add3A_979 = arith.constant 3 : i32
      %add3A_980 = arith.addi %add3A_978, %add3A_979 : i32
      %rem3A_981 = arith.constant 6 : i32
      %rem3A_982 = arith.remsi %add3A_980, %rem3A_981 : i32
      %dma_wait3A_983 = arith.constant 0 : i32
      %dma_wait3A_984 = arith.constant 0 : i32
      %dma_wait3A_985 = arith.constant 0 : i32
      %dma_wait3A_986 = tpu.memref_slice %arg8[%rem3A_976, %dma_wait3A_984, %dma_wait3A_985] : memref<6x160x64xf32, #tpu.memory_space<vmem>> -> memref<1x160x64xf32, #tpu.memory_space<vmem>>
      %dma_wait3A_987 = tpu.memref_squeeze %dma_wait3A_986 : memref<1x160x64xf32, #tpu.memory_space<vmem>> -> memref<160x64xf32, #tpu.memory_space<vmem>>
      %dma_wait3A_988 = arith.constant 0 : i32
      %dma_wait3A_989 = tpu.memref_slice %arg6[%dma_wait3A_983, %scan3A_973, %dma_wait3A_988] : memref<3x25x160xi32, #tpu.memory_space<vmem>> -> memref<1x1x160xi32, #tpu.memory_space<vmem>>
      %dma_wait3A_990 = tpu.memref_squeeze %dma_wait3A_989 : memref<1x1x160xi32, #tpu.memory_space<vmem>> -> memref<160xi32, #tpu.memory_space<vmem>>
      %dma_wait3A_991 = arith.constant 0 : i32
      %dma_wait3A_992 = tpu.memref_slice %arg2[%arg0, %dma_wait3A_991] : memref<20000x64xf32, #tpu.memory_space<hbm>> -> memref<19999x64xf32, #tpu.memory_space<hbm>>
      %dma_wait3A_993 = arith.constant 0 : i32
      %dma_wait3A_994 = arith.constant 0 : i32
      %dma_wait3A_995 = tpu.memref_slice %dma_wait3A_992[%dma_wait3A_993, %dma_wait3A_994] : memref<19999x64xf32, #tpu.memory_space<hbm>> -> memref<19999x64xf32, #tpu.memory_space<hbm>>
      %dma_wait3A_996 = tpu.memref_slice %arg11[%rem3A_976] : memref<6x!tpu.dma_semaphore, #tpu.memory_space<semaphore_mem>> -> memref<1x!tpu.dma_semaphore, #tpu.memory_space<semaphore_mem>>
      %dma_wait3A_997 = tpu.memref_squeeze %dma_wait3A_996 : memref<1x!tpu.dma_semaphore, #tpu.memory_space<semaphore_mem>> -> memref<!tpu.dma_semaphore, #tpu.memory_space<semaphore_mem>>
      tpu.wait_indirect_dma semaphore(%dma_wait3A_997 : memref<!tpu.dma_semaphore, #tpu.memory_space<semaphore_mem>>) src(%dma_wait3A_995 : memref<19999x64xf32, #tpu.memory_space<hbm>>) dst(%dma_wait3A_987 : memref<160x64xf32, #tpu.memory_space<vmem>>)
      %run_scoped3A_998 = arith.constant 0 : i32
      "tpu.region"() ({
        %run_scoped3A_1017 = tpu.sem_alloc : memref<!tpu.dma_semaphore, #tpu.memory_space<semaphore_mem>>
        %dma_start3A_1018 = arith.constant 0 : i32
        %dma_start3A_1019 = arith.constant 0 : i32
        %dma_start3A_1020 = tpu.memref_slice %arg8[%rem3A_976, %dma_start3A_1018, %dma_start3A_1019] : memref<6x160x64xf32, #tpu.memory_space<vmem>> -> memref<1x160x64xf32, #tpu.memory_space<vmem>>
        %dma_start3A_1021 = tpu.memref_squeeze %dma_start3A_1020 : memref<1x160x64xf32, #tpu.memory_space<vmem>> -> memref<160x64xf32, #tpu.memory_space<vmem>>
        %dma_start3A_1022 = arith.constant 0 : i32
        %dma_start3A_1023 = tpu.memref_slice %arg7[%run_scoped3A_998, %scan3A_973, %dma_start3A_1022] : memref<3x25x160xi32, #tpu.memory_space<vmem>> -> memref<1x1x160xi32, #tpu.memory_space<vmem>>
        %dma_start3A_1024 = tpu.memref_squeeze %dma_start3A_1023 : memref<1x1x160xi32, #tpu.memory_space<vmem>> -> memref<160xi32, #tpu.memory_space<vmem>>
        %dma_start3A_1025 = arith.constant 0 : i32
        %dma_start3A_1026 = arith.constant 0 : i32
        %dma_start3A_1027 = tpu.memref_slice %arg10[%dma_start3A_1025, %dma_start3A_1026] : memref<10240x64xf32, #tpu.memory_space<vmem_shared>> -> memref<10240x64xf32, #tpu.memory_space<vmem_shared>>
        tpu.enqueue_indirect_dma source(%dma_start3A_1021 : memref<160x64xf32, #tpu.memory_space<vmem>>) target(%dma_start3A_1027 : memref<10240x64xf32, #tpu.memory_space<vmem_shared>>) offsets(%dma_start3A_1024 : memref<160xi32, #tpu.memory_space<vmem>>) semaphore(%run_scoped3A_1017 : memref<!tpu.dma_semaphore, #tpu.memory_space<semaphore_mem>>) {add = true}
        %dma_wait3A_1028 = arith.constant 0 : i32
        %dma_wait3A_1029 = arith.constant 0 : i32
        %dma_wait3A_1030 = tpu.memref_slice %arg8[%rem3A_976, %dma_wait3A_1028, %dma_wait3A_1029] : memref<6x160x64xf32, #tpu.memory_space<vmem>> -> memref<1x160x64xf32, #tpu.memory_space<vmem>>
        %dma_wait3A_1031 = tpu.memref_squeeze %dma_wait3A_1030 : memref<1x160x64xf32, #tpu.memory_space<vmem>> -> memref<160x64xf32, #tpu.memory_space<vmem>>
        %dma_wait3A_1032 = arith.constant 0 : i32
        %dma_wait3A_1033 = tpu.memref_slice %arg7[%run_scoped3A_998, %scan3A_973, %dma_wait3A_1032] : memref<3x25x160xi32, #tpu.memory_space<vmem>> -> memref<1x1x160xi32, #tpu.memory_space<vmem>>
        %dma_wait3A_1034 = tpu.memref_squeeze %dma_wait3A_1033 : memref<1x1x160xi32, #tpu.memory_space<vmem>> -> memref<160xi32, #tpu.memory_space<vmem>>
        %dma_wait3A_1035 = arith.constant 0 : i32
        %dma_wait3A_1036 = arith.constant 0 : i32
        %dma_wait3A_1037 = tpu.memref_slice %arg10[%dma_wait3A_1035, %dma_wait3A_1036] : memref<10240x64xf32, #tpu.memory_space<vmem_shared>> -> memref<10240x64xf32, #tpu.memory_space<vmem_shared>>
        tpu.wait_indirect_dma semaphore(%run_scoped3A_1017 : memref<!tpu.dma_semaphore, #tpu.memory_space<semaphore_mem>>) src(%dma_wait3A_1031 : memref<160x64xf32, #tpu.memory_space<vmem>>) dst(%dma_wait3A_1037 : memref<10240x64xf32, #tpu.memory_space<vmem_shared>>)
        tpu.yield
      }) : () -> ()
      %add3A_999 = arith.constant 5 : i32
      %add3A_1000 = arith.addi %scan3A_973, %add3A_999 : i32
      %sub3A = arith.constant 25 : i32
      %sub3A_1001 = arith.subi %add3A_1000, %sub3A : i32
      %dma_start3A_1002 = arith.constant 1 : i32
      %dma_start3A_1003 = arith.constant 0 : i32
      %dma_start3A_1004 = arith.constant 0 : i32
      %dma_start3A_1005 = tpu.memref_slice %arg8[%rem3A_982, %dma_start3A_1003, %dma_start3A_1004] : memref<6x160x64xf32, #tpu.memory_space<vmem>> -> memref<1x160x64xf32, #tpu.memory_space<vmem>>
      %dma_start3A_1006 = tpu.memref_squeeze %dma_start3A_1005 : memref<1x160x64xf32, #tpu.memory_space<vmem>> -> memref<160x64xf32, #tpu.memory_space<vmem>>
      %dma_start3A_1007 = arith.constant 0 : i32
      %dma_start3A_1008 = tpu.memref_slice %arg6[%dma_start3A_1002, %sub3A_1001, %dma_start3A_1007] : memref<3x25x160xi32, #tpu.memory_space<vmem>> -> memref<1x1x160xi32, #tpu.memory_space<vmem>>
      %dma_start3A_1009 = tpu.memref_squeeze %dma_start3A_1008 : memref<1x1x160xi32, #tpu.memory_space<vmem>> -> memref<160xi32, #tpu.memory_space<vmem>>
      %dma_start3A_1010 = arith.constant 0 : i32
      %dma_start3A_1011 = tpu.memref_slice %arg2[%arg0, %dma_start3A_1010] : memref<20000x64xf32, #tpu.memory_space<hbm>> -> memref<19999x64xf32, #tpu.memory_space<hbm>>
      %dma_start3A_1012 = arith.constant 0 : i32
      %dma_start3A_1013 = arith.constant 0 : i32
      %dma_start3A_1014 = tpu.memref_slice %dma_start3A_1011[%dma_start3A_1012, %dma_start3A_1013] : memref<19999x64xf32, #tpu.memory_space<hbm>> -> memref<19999x64xf32, #tpu.memory_space<hbm>>
      %dma_start3A_1015 = tpu.memref_slice %arg11[%rem3A_982] : memref<6x!tpu.dma_semaphore, #tpu.memory_space<semaphore_mem>> -> memref<1x!tpu.dma_semaphore, #tpu.memory_space<semaphore_mem>>
      %dma_start3A_1016 = tpu.memref_squeeze %dma_start3A_1015 : memref<1x!tpu.dma_semaphore, #tpu.memory_space<semaphore_mem>> -> memref<!tpu.dma_semaphore, #tpu.memory_space<semaphore_mem>>
      tpu.enqueue_indirect_dma source(%dma_start3A_1014 : memref<19999x64xf32, #tpu.memory_space<hbm>>) target(%dma_start3A_1006 : memref<160x64xf32, #tpu.memory_space<vmem>>) offsets(%dma_start3A_1009 : memref<160xi32, #tpu.memory_space<vmem>>) semaphore(%dma_start3A_1016 : memref<!tpu.dma_semaphore, #tpu.memory_space<semaphore_mem>>)
    }
    %scan3A_659 = arith.constant 5 : i32
    %scan3A_660 = arith.constant 0 : i32
    %scan3A_661 = arith.constant 0 : i32
    %scan3A_662 = arith.constant 20 : i32
    %scan3A_663 = arith.addi %scan3A_661, %scan3A_662 : i32
    %scan3A_664 = arith.constant 1 : i32
    scf.for %scan3A_973 = %scan3A_661 to %scan3A_663 step %scan3A_664  : i32 {
      %add3A_974 = arith.constant 4 : i32
      %add3A_975 = arith.addi %scan3A_973, %add3A_974 : i32
      %rem3A = arith.constant 6 : i32
      %rem3A_976 = arith.remsi %add3A_975, %rem3A : i32
      %add3A_977 = arith.constant 5 : i32
      %add3A_978 = arith.addi %scan3A_973, %add3A_977 : i32
      %add3A_979 = arith.constant 4 : i32
      %add3A_980 = arith.addi %add3A_978, %add3A_979 : i32
      %rem3A_981 = arith.constant 6 : i32
      %rem3A_982 = arith.remsi %add3A_980, %rem3A_981 : i32
      %dma_wait3A_983 = arith.constant 1 : i32
      %dma_wait3A_984 = arith.constant 0 : i32
      %dma_wait3A_985 = arith.constant 0 : i32
      %dma_wait3A_986 = tpu.memref_slice %arg8[%rem3A_976, %dma_wait3A_984, %dma_wait3A_985] : memref<6x160x64xf32, #tpu.memory_space<vmem>> -> memref<1x160x64xf32, #tpu.memory_space<vmem>>
      %dma_wait3A_987 = tpu.memref_squeeze %dma_wait3A_986 : memref<1x160x64xf32, #tpu.memory_space<vmem>> -> memref<160x64xf32, #tpu.memory_space<vmem>>
      %dma_wait3A_988 = arith.constant 0 : i32
      %dma_wait3A_989 = tpu.memref_slice %arg6[%dma_wait3A_983, %scan3A_973, %dma_wait3A_988] : memref<3x25x160xi32, #tpu.memory_space<vmem>> -> memref<1x1x160xi32, #tpu.memory_space<vmem>>
      %dma_wait3A_990 = tpu.memref_squeeze %dma_wait3A_989 : memref<1x1x160xi32, #tpu.memory_space<vmem>> -> memref<160xi32, #tpu.memory_space<vmem>>
      %dma_wait3A_991 = arith.constant 0 : i32
      %dma_wait3A_992 = tpu.memref_slice %arg2[%arg0, %dma_wait3A_991] : memref<20000x64xf32, #tpu.memory_space<hbm>> -> memref<19999x64xf32, #tpu.memory_space<hbm>>
      %dma_wait3A_993 = arith.constant 0 : i32
      %dma_wait3A_994 = arith.constant 0 : i32
      %dma_wait3A_995 = tpu.memref_slice %dma_wait3A_992[%dma_wait3A_993, %dma_wait3A_994] : memref<19999x64xf32, #tpu.memory_space<hbm>> -> memref<19999x64xf32, #tpu.memory_space<hbm>>
      %dma_wait3A_996 = tpu.memref_slice %arg11[%rem3A_976] : memref<6x!tpu.dma_semaphore, #tpu.memory_space<semaphore_mem>> -> memref<1x!tpu.dma_semaphore, #tpu.memory_space<semaphore_mem>>
      %dma_wait3A_997 = tpu.memref_squeeze %dma_wait3A_996 : memref<1x!tpu.dma_semaphore, #tpu.memory_space<semaphore_mem>> -> memref<!tpu.dma_semaphore, #tpu.memory_space<semaphore_mem>>
      tpu.wait_indirect_dma semaphore(%dma_wait3A_997 : memref<!tpu.dma_semaphore, #tpu.memory_space<semaphore_mem>>) src(%dma_wait3A_995 : memref<19999x64xf32, #tpu.memory_space<hbm>>) dst(%dma_wait3A_987 : memref<160x64xf32, #tpu.memory_space<vmem>>)
      %run_scoped3A_998 = arith.constant 1 : i32
      "tpu.region"() ({
        %run_scoped3A_1016 = tpu.sem_alloc : memref<!tpu.dma_semaphore, #tpu.memory_space<semaphore_mem>>
        %dma_start3A_1017 = arith.constant 0 : i32
        %dma_start3A_1018 = arith.constant 0 : i32
        %dma_start3A_1019 = tpu.memref_slice %arg8[%rem3A_976, %dma_start3A_1017, %dma_start3A_1018] : memref<6x160x64xf32, #tpu.memory_space<vmem>> -> memref<1x160x64xf32, #tpu.memory_space<vmem>>
        %dma_start3A_1020 = tpu.memref_squeeze %dma_start3A_1019 : memref<1x160x64xf32, #tpu.memory_space<vmem>> -> memref<160x64xf32, #tpu.memory_space<vmem>>
        %dma_start3A_1021 = arith.constant 0 : i32
        %dma_start3A_1022 = tpu.memref_slice %arg7[%run_scoped3A_998, %scan3A_973, %dma_start3A_1021] : memref<3x25x160xi32, #tpu.memory_space<vmem>> -> memref<1x1x160xi32, #tpu.memory_space<vmem>>
        %dma_start3A_1023 = tpu.memref_squeeze %dma_start3A_1022 : memref<1x1x160xi32, #tpu.memory_space<vmem>> -> memref<160xi32, #tpu.memory_space<vmem>>
        %dma_start3A_1024 = arith.constant 0 : i32
        %dma_start3A_1025 = arith.constant 0 : i32
        %dma_start3A_1026 = tpu.memref_slice %arg10[%dma_start3A_1024, %dma_start3A_1025] : memref<10240x64xf32, #tpu.memory_space<vmem_shared>> -> memref<10240x64xf32, #tpu.memory_space<vmem_shared>>
        tpu.enqueue_indirect_dma source(%dma_start3A_1020 : memref<160x64xf32, #tpu.memory_space<vmem>>) target(%dma_start3A_1026 : memref<10240x64xf32, #tpu.memory_space<vmem_shared>>) offsets(%dma_start3A_1023 : memref<160xi32, #tpu.memory_space<vmem>>) semaphore(%run_scoped3A_1016 : memref<!tpu.dma_semaphore, #tpu.memory_space<semaphore_mem>>) {add = true}
        %dma_wait3A_1027 = arith.constant 0 : i32
        %dma_wait3A_1028 = arith.constant 0 : i32
        %dma_wait3A_1029 = tpu.memref_slice %arg8[%rem3A_976, %dma_wait3A_1027, %dma_wait3A_1028] : memref<6x160x64xf32, #tpu.memory_space<vmem>> -> memref<1x160x64xf32, #tpu.memory_space<vmem>>
        %dma_wait3A_1030 = tpu.memref_squeeze %dma_wait3A_1029 : memref<1x160x64xf32, #tpu.memory_space<vmem>> -> memref<160x64xf32, #tpu.memory_space<vmem>>
        %dma_wait3A_1031 = arith.constant 0 : i32
        %dma_wait3A_1032 = tpu.memref_slice %arg7[%run_scoped3A_998, %scan3A_973, %dma_wait3A_1031] : memref<3x25x160xi32, #tpu.memory_space<vmem>> -> memref<1x1x160xi32, #tpu.memory_space<vmem>>
        %dma_wait3A_1033 = tpu.memref_squeeze %dma_wait3A_1032 : memref<1x1x160xi32, #tpu.memory_space<vmem>> -> memref<160xi32, #tpu.memory_space<vmem>>
        %dma_wait3A_1034 = arith.constant 0 : i32
        %dma_wait3A_1035 = arith.constant 0 : i32
        %dma_wait3A_1036 = tpu.memref_slice %arg10[%dma_wait3A_1034, %dma_wait3A_1035] : memref<10240x64xf32, #tpu.memory_space<vmem_shared>> -> memref<10240x64xf32, #tpu.memory_space<vmem_shared>>
        tpu.wait_indirect_dma semaphore(%run_scoped3A_1016 : memref<!tpu.dma_semaphore, #tpu.memory_space<semaphore_mem>>) src(%dma_wait3A_1030 : memref<160x64xf32, #tpu.memory_space<vmem>>) dst(%dma_wait3A_1036 : memref<10240x64xf32, #tpu.memory_space<vmem_shared>>)
        tpu.yield
      }) : () -> ()
      %add3A_999 = arith.constant 5 : i32
      %add3A_1000 = arith.addi %scan3A_973, %add3A_999 : i32
      %dma_start3A_1001 = arith.constant 1 : i32
      %dma_start3A_1002 = arith.constant 0 : i32
      %dma_start3A_1003 = arith.constant 0 : i32
      %dma_start3A_1004 = tpu.memref_slice %arg8[%rem3A_982, %dma_start3A_1002, %dma_start3A_1003] : memref<6x160x64xf32, #tpu.memory_space<vmem>> -> memref<1x160x64xf32, #tpu.memory_space<vmem>>
      %dma_start3A_1005 = tpu.memref_squeeze %dma_start3A_1004 : memref<1x160x64xf32, #tpu.memory_space<vmem>> -> memref<160x64xf32, #tpu.memory_space<vmem>>
      %dma_start3A_1006 = arith.constant 0 : i32
      %dma_start3A_1007 = tpu.memref_slice %arg6[%dma_start3A_1001, %add3A_1000, %dma_start3A_1006] : memref<3x25x160xi32, #tpu.memory_space<vmem>> -> memref<1x1x160xi32, #tpu.memory_space<vmem>>
      %dma_start3A_1008 = tpu.memref_squeeze %dma_start3A_1007 : memref<1x1x160xi32, #tpu.memory_space<vmem>> -> memref<160xi32, #tpu.memory_space<vmem>>
      %dma_start3A_1009 = arith.constant 0 : i32
      %dma_start3A_1010 = tpu.memref_slice %arg2[%arg0, %dma_start3A_1009] : memref<20000x64xf32, #tpu.memory_space<hbm>> -> memref<19999x64xf32, #tpu.memory_space<hbm>>
      %dma_start3A_1011 = arith.constant 0 : i32
      %dma_start3A_1012 = arith.constant 0 : i32
      %dma_start3A_1013 = tpu.memref_slice %dma_start3A_1010[%dma_start3A_1011, %dma_start3A_1012] : memref<19999x64xf32, #tpu.memory_space<hbm>> -> memref<19999x64xf32, #tpu.memory_space<hbm>>
      %dma_start3A_1014 = tpu.memref_slice %arg11[%rem3A_982] : memref<6x!tpu.dma_semaphore, #tpu.memory_space<semaphore_mem>> -> memref<1x!tpu.dma_semaphore, #tpu.memory_space<semaphore_mem>>
      %dma_start3A_1015 = tpu.memref_squeeze %dma_start3A_1014 : memref<1x!tpu.dma_semaphore, #tpu.memory_space<semaphore_mem>> -> memref<!tpu.dma_semaphore, #tpu.memory_space<semaphore_mem>>
      tpu.enqueue_indirect_dma source(%dma_start3A_1013 : memref<19999x64xf32, #tpu.memory_space<hbm>>) target(%dma_start3A_1005 : memref<160x64xf32, #tpu.memory_space<vmem>>) offsets(%dma_start3A_1008 : memref<160xi32, #tpu.memory_space<vmem>>) semaphore(%dma_start3A_1015 : memref<!tpu.dma_semaphore, #tpu.memory_space<semaphore_mem>>)
    }
    %scan3A_665 = arith.constant 20 : i32
    %scan3A_666 = arith.constant 0 : i32
    %scan3A_667 = arith.constant 20 : i32
    %scan3A_668 = arith.constant 5 : i32
    %scan3A_669 = arith.addi %scan3A_667, %scan3A_668 : i32
    %scan3A_670 = arith.constant 1 : i32
    scf.for %scan3A_973 = %scan3A_667 to %scan3A_669 step %scan3A_670  : i32 {
      %add3A_974 = arith.constant 4 : i32
      %add3A_975 = arith.addi %scan3A_973, %add3A_974 : i32
      %rem3A = arith.constant 6 : i32
      %rem3A_976 = arith.remsi %add3A_975, %rem3A : i32
      %add3A_977 = arith.constant 5 : i32
      %add3A_978 = arith.addi %scan3A_973, %add3A_977 : i32
      %add3A_979 = arith.constant 4 : i32
      %add3A_980 = arith.addi %add3A_978, %add3A_979 : i32
      %rem3A_981 = arith.constant 6 : i32
      %rem3A_982 = arith.remsi %add3A_980, %rem3A_981 : i32
      %dma_wait3A_983 = arith.constant 1 : i32
      %dma_wait3A_984 = arith.constant 0 : i32
      %dma_wait3A_985 = arith.constant 0 : i32
      %dma_wait3A_986 = tpu.memref_slice %arg8[%rem3A_976, %dma_wait3A_984, %dma_wait3A_985] : memref<6x160x64xf32, #tpu.memory_space<vmem>> -> memref<1x160x64xf32, #tpu.memory_space<vmem>>
      %dma_wait3A_987 = tpu.memref_squeeze %dma_wait3A_986 : memref<1x160x64xf32, #tpu.memory_space<vmem>> -> memref<160x64xf32, #tpu.memory_space<vmem>>
      %dma_wait3A_988 = arith.constant 0 : i32
      %dma_wait3A_989 = tpu.memref_slice %arg6[%dma_wait3A_983, %scan3A_973, %dma_wait3A_988] : memref<3x25x160xi32, #tpu.memory_space<vmem>> -> memref<1x1x160xi32, #tpu.memory_space<vmem>>
      %dma_wait3A_990 = tpu.memref_squeeze %dma_wait3A_989 : memref<1x1x160xi32, #tpu.memory_space<vmem>> -> memref<160xi32, #tpu.memory_space<vmem>>
      %dma_wait3A_991 = arith.constant 0 : i32
      %dma_wait3A_992 = tpu.memref_slice %arg2[%arg0, %dma_wait3A_991] : memref<20000x64xf32, #tpu.memory_space<hbm>> -> memref<19999x64xf32, #tpu.memory_space<hbm>>
      %dma_wait3A_993 = arith.constant 0 : i32
      %dma_wait3A_994 = arith.constant 0 : i32
      %dma_wait3A_995 = tpu.memref_slice %dma_wait3A_992[%dma_wait3A_993, %dma_wait3A_994] : memref<19999x64xf32, #tpu.memory_space<hbm>> -> memref<19999x64xf32, #tpu.memory_space<hbm>>
      %dma_wait3A_996 = tpu.memref_slice %arg11[%rem3A_976] : memref<6x!tpu.dma_semaphore, #tpu.memory_space<semaphore_mem>> -> memref<1x!tpu.dma_semaphore, #tpu.memory_space<semaphore_mem>>
      %dma_wait3A_997 = tpu.memref_squeeze %dma_wait3A_996 : memref<1x!tpu.dma_semaphore, #tpu.memory_space<semaphore_mem>> -> memref<!tpu.dma_semaphore, #tpu.memory_space<semaphore_mem>>
      tpu.wait_indirect_dma semaphore(%dma_wait3A_997 : memref<!tpu.dma_semaphore, #tpu.memory_space<semaphore_mem>>) src(%dma_wait3A_995 : memref<19999x64xf32, #tpu.memory_space<hbm>>) dst(%dma_wait3A_987 : memref<160x64xf32, #tpu.memory_space<vmem>>)
      %run_scoped3A_998 = arith.constant 1 : i32
      "tpu.region"() ({
        %run_scoped3A_999 = tpu.sem_alloc : memref<!tpu.dma_semaphore, #tpu.memory_space<semaphore_mem>>
        %dma_start3A_1000 = arith.constant 0 : i32
        %dma_start3A_1001 = arith.constant 0 : i32
        %dma_start3A_1002 = tpu.memref_slice %arg8[%rem3A_976, %dma_start3A_1000, %dma_start3A_1001] : memref<6x160x64xf32, #tpu.memory_space<vmem>> -> memref<1x160x64xf32, #tpu.memory_space<vmem>>
        %dma_start3A_1003 = tpu.memref_squeeze %dma_start3A_1002 : memref<1x160x64xf32, #tpu.memory_space<vmem>> -> memref<160x64xf32, #tpu.memory_space<vmem>>
        %dma_start3A_1004 = arith.constant 0 : i32
        %dma_start3A_1005 = tpu.memref_slice %arg7[%run_scoped3A_998, %scan3A_973, %dma_start3A_1004] : memref<3x25x160xi32, #tpu.memory_space<vmem>> -> memref<1x1x160xi32, #tpu.memory_space<vmem>>
        %dma_start3A_1006 = tpu.memref_squeeze %dma_start3A_1005 : memref<1x1x160xi32, #tpu.memory_space<vmem>> -> memref<160xi32, #tpu.memory_space<vmem>>
        %dma_start3A_1007 = arith.constant 0 : i32
        %dma_start3A_1008 = arith.constant 0 : i32
        %dma_start3A_1009 = tpu.memref_slice %arg10[%dma_start3A_1007, %dma_start3A_1008] : memref<10240x64xf32, #tpu.memory_space<vmem_shared>> -> memref<10240x64xf32, #tpu.memory_space<vmem_shared>>
        tpu.enqueue_indirect_dma source(%dma_start3A_1003 : memref<160x64xf32, #tpu.memory_space<vmem>>) target(%dma_start3A_1009 : memref<10240x64xf32, #tpu.memory_space<vmem_shared>>) offsets(%dma_start3A_1006 : memref<160xi32, #tpu.memory_space<vmem>>) semaphore(%run_scoped3A_999 : memref<!tpu.dma_semaphore, #tpu.memory_space<semaphore_mem>>) {add = true}
        %dma_wait3A_1010 = arith.constant 0 : i32
        %dma_wait3A_1011 = arith.constant 0 : i32
        %dma_wait3A_1012 = tpu.memref_slice %arg8[%rem3A_976, %dma_wait3A_1010, %dma_wait3A_1011] : memref<6x160x64xf32, #tpu.memory_space<vmem>> -> memref<1x160x64xf32, #tpu.memory_space<vmem>>
        %dma_wait3A_1013 = tpu.memref_squeeze %dma_wait3A_1012 : memref<1x160x64xf32, #tpu.memory_space<vmem>> -> memref<160x64xf32, #tpu.memory_space<vmem>>
        %dma_wait3A_1014 = arith.constant 0 : i32
        %dma_wait3A_1015 = tpu.memref_slice %arg7[%run_scoped3A_998, %scan3A_973, %dma_wait3A_1014] : memref<3x25x160xi32, #tpu.memory_space<vmem>> -> memref<1x1x160xi32, #tpu.memory_space<vmem>>
        %dma_wait3A_1016 = tpu.memref_squeeze %dma_wait3A_1015 : memref<1x1x160xi32, #tpu.memory_space<vmem>> -> memref<160xi32, #tpu.memory_space<vmem>>
        %dma_wait3A_1017 = arith.constant 0 : i32
        %dma_wait3A_1018 = arith.constant 0 : i32
        %dma_wait3A_1019 = tpu.memref_slice %arg10[%dma_wait3A_1017, %dma_wait3A_1018] : memref<10240x64xf32, #tpu.memory_space<vmem_shared>> -> memref<10240x64xf32, #tpu.memory_space<vmem_shared>>
        tpu.wait_indirect_dma semaphore(%run_scoped3A_999 : memref<!tpu.dma_semaphore, #tpu.memory_space<semaphore_mem>>) src(%dma_wait3A_1013 : memref<160x64xf32, #tpu.memory_space<vmem>>) dst(%dma_wait3A_1019 : memref<10240x64xf32, #tpu.memory_space<vmem_shared>>)
        tpu.yield
      }) : () -> ()
    }
    %scan3A_671 = arith.constant 5 : i32
    %barrier3A_672 = arith.constant 0 : index
    tpu.barrier barrier_id(%barrier3A_672)
    %add3A_673 = arith.constant 0 : i32
    %add3A_674 = arith.addi %mul3A_97, %add3A_673 : i32
    %add3A_675 = arith.constant 0 : i32
    %add3A_676 = arith.addi %mul3A_97, %add3A_675 : i32
    %mul3A_677 = arith.constant 64 : i32
    %mul3A_678 = arith.muli %arg0, %mul3A_677 : i32
    %dma_start3A_679 = arith.constant 0 : i32
    %dma_start3A_680 = tpu.memref_slice %arg12[%dma_start3A_679] : memref<2x!tpu.dma_semaphore, #tpu.memory_space<semaphore_mem>> -> memref<1x!tpu.dma_semaphore, #tpu.memory_space<semaphore_mem>>
    %dma_start3A_681 = tpu.memref_squeeze %dma_start3A_680 : memref<1x!tpu.dma_semaphore, #tpu.memory_space<semaphore_mem>> -> memref<!tpu.dma_semaphore, #tpu.memory_space<semaphore_mem>>
    %dma_start3A_682 = arith.constant 0 : i32
    %dma_start3A_683 = tpu.memref_slice %arg5[%add3A_676, %dma_start3A_682] : memref<10240x128xf32, #tpu.memory_space<hbm>> -> memref<64x128xf32, #tpu.memory_space<hbm>>
    %dma_start3A_684 = arith.constant 0 : i32
    %dma_start3A_685 = tpu.memref_slice %dma_start3A_683[%dma_start3A_684, %mul3A_678] : memref<64x128xf32, #tpu.memory_space<hbm>> -> memref<64x64xf32, #tpu.memory_space<hbm>>
    %dma_start3A_686 = arith.constant 0 : i32
    %dma_start3A_687 = tpu.memref_slice %arg10[%add3A_674, %dma_start3A_686] : memref<10240x64xf32, #tpu.memory_space<vmem_shared>> -> memref<64x64xf32, #tpu.memory_space<vmem_shared>>
    tpu.enqueue_dma source(%dma_start3A_687 : memref<64x64xf32, #tpu.memory_space<vmem_shared>>) target(%dma_start3A_685 : memref<64x64xf32, #tpu.memory_space<hbm>>) target_semaphore(%dma_start3A_681 : memref<!tpu.dma_semaphore, #tpu.memory_space<semaphore_mem>>)
    %add3A_688 = arith.constant 64 : i32
    %add3A_689 = arith.addi %mul3A_97, %add3A_688 : i32
    %add3A_690 = arith.constant 64 : i32
    %add3A_691 = arith.addi %mul3A_97, %add3A_690 : i32
    %mul3A_692 = arith.constant 64 : i32
    %mul3A_693 = arith.muli %arg0, %mul3A_692 : i32
    %dma_start3A_694 = arith.constant 0 : i32
    %dma_start3A_695 = tpu.memref_slice %arg12[%dma_start3A_694] : memref<2x!tpu.dma_semaphore, #tpu.memory_space<semaphore_mem>> -> memref<1x!tpu.dma_semaphore, #tpu.memory_space<semaphore_mem>>
    %dma_start3A_696 = tpu.memref_squeeze %dma_start3A_695 : memref<1x!tpu.dma_semaphore, #tpu.memory_space<semaphore_mem>> -> memref<!tpu.dma_semaphore, #tpu.memory_space<semaphore_mem>>
    %dma_start3A_697 = arith.constant 0 : i32
    %dma_start3A_698 = tpu.memref_slice %arg5[%add3A_691, %dma_start3A_697] : memref<10240x128xf32, #tpu.memory_space<hbm>> -> memref<64x128xf32, #tpu.memory_space<hbm>>
    %dma_start3A_699 = arith.constant 0 : i32
    %dma_start3A_700 = tpu.memref_slice %dma_start3A_698[%dma_start3A_699, %mul3A_693] : memref<64x128xf32, #tpu.memory_space<hbm>> -> memref<64x64xf32, #tpu.memory_space<hbm>>
    %dma_start3A_701 = arith.constant 0 : i32
    %dma_start3A_702 = tpu.memref_slice %arg10[%add3A_689, %dma_start3A_701] : memref<10240x64xf32, #tpu.memory_space<vmem_shared>> -> memref<64x64xf32, #tpu.memory_space<vmem_shared>>
    tpu.enqueue_dma source(%dma_start3A_702 : memref<64x64xf32, #tpu.memory_space<vmem_shared>>) target(%dma_start3A_700 : memref<64x64xf32, #tpu.memory_space<hbm>>) target_semaphore(%dma_start3A_696 : memref<!tpu.dma_semaphore, #tpu.memory_space<semaphore_mem>>)
    %add3A_703 = arith.constant 128 : i32
    %add3A_704 = arith.addi %mul3A_97, %add3A_703 : i32
    %add3A_705 = arith.constant 128 : i32
    %add3A_706 = arith.addi %mul3A_97, %add3A_705 : i32
    %mul3A_707 = arith.constant 64 : i32
    %mul3A_708 = arith.muli %arg0, %mul3A_707 : i32
    %dma_start3A_709 = arith.constant 0 : i32
    %dma_start3A_710 = tpu.memref_slice %arg12[%dma_start3A_709] : memref<2x!tpu.dma_semaphore, #tpu.memory_space<semaphore_mem>> -> memref<1x!tpu.dma_semaphore, #tpu.memory_space<semaphore_mem>>
    %dma_start3A_711 = tpu.memref_squeeze %dma_start3A_710 : memref<1x!tpu.dma_semaphore, #tpu.memory_space<semaphore_mem>> -> memref<!tpu.dma_semaphore, #tpu.memory_space<semaphore_mem>>
    %dma_start3A_712 = arith.constant 0 : i32
    %dma_start3A_713 = tpu.memref_slice %arg5[%add3A_706, %dma_start3A_712] : memref<10240x128xf32, #tpu.memory_space<hbm>> -> memref<64x128xf32, #tpu.memory_space<hbm>>
    %dma_start3A_714 = arith.constant 0 : i32
    %dma_start3A_715 = tpu.memref_slice %dma_start3A_713[%dma_start3A_714, %mul3A_708] : memref<64x128xf32, #tpu.memory_space<hbm>> -> memref<64x64xf32, #tpu.memory_space<hbm>>
    %dma_start3A_716 = arith.constant 0 : i32
    %dma_start3A_717 = tpu.memref_slice %arg10[%add3A_704, %dma_start3A_716] : memref<10240x64xf32, #tpu.memory_space<vmem_shared>> -> memref<64x64xf32, #tpu.memory_space<vmem_shared>>
    tpu.enqueue_dma source(%dma_start3A_717 : memref<64x64xf32, #tpu.memory_space<vmem_shared>>) target(%dma_start3A_715 : memref<64x64xf32, #tpu.memory_space<hbm>>) target_semaphore(%dma_start3A_711 : memref<!tpu.dma_semaphore, #tpu.memory_space<semaphore_mem>>)
    %add3A_718 = arith.constant 192 : i32
    %add3A_719 = arith.addi %mul3A_97, %add3A_718 : i32
    %add3A_720 = arith.constant 192 : i32
    %add3A_721 = arith.addi %mul3A_97, %add3A_720 : i32
    %mul3A_722 = arith.constant 64 : i32
    %mul3A_723 = arith.muli %arg0, %mul3A_722 : i32
    %dma_start3A_724 = arith.constant 0 : i32
    %dma_start3A_725 = tpu.memref_slice %arg12[%dma_start3A_724] : memref<2x!tpu.dma_semaphore, #tpu.memory_space<semaphore_mem>> -> memref<1x!tpu.dma_semaphore, #tpu.memory_space<semaphore_mem>>
    %dma_start3A_726 = tpu.memref_squeeze %dma_start3A_725 : memref<1x!tpu.dma_semaphore, #tpu.memory_space<semaphore_mem>> -> memref<!tpu.dma_semaphore, #tpu.memory_space<semaphore_mem>>
    %dma_start3A_727 = arith.constant 0 : i32
    %dma_start3A_728 = tpu.memref_slice %arg5[%add3A_721, %dma_start3A_727] : memref<10240x128xf32, #tpu.memory_space<hbm>> -> memref<64x128xf32, #tpu.memory_space<hbm>>
    %dma_start3A_729 = arith.constant 0 : i32
    %dma_start3A_730 = tpu.memref_slice %dma_start3A_728[%dma_start3A_729, %mul3A_723] : memref<64x128xf32, #tpu.memory_space<hbm>> -> memref<64x64xf32, #tpu.memory_space<hbm>>
    %dma_start3A_731 = arith.constant 0 : i32
    %dma_start3A_732 = tpu.memref_slice %arg10[%add3A_719, %dma_start3A_731] : memref<10240x64xf32, #tpu.memory_space<vmem_shared>> -> memref<64x64xf32, #tpu.memory_space<vmem_shared>>
    tpu.enqueue_dma source(%dma_start3A_732 : memref<64x64xf32, #tpu.memory_space<vmem_shared>>) target(%dma_start3A_730 : memref<64x64xf32, #tpu.memory_space<hbm>>) target_semaphore(%dma_start3A_726 : memref<!tpu.dma_semaphore, #tpu.memory_space<semaphore_mem>>)
    %add3A_733 = arith.constant 256 : i32
    %add3A_734 = arith.addi %mul3A_97, %add3A_733 : i32
    %add3A_735 = arith.constant 256 : i32
    %add3A_736 = arith.addi %mul3A_97, %add3A_735 : i32
    %mul3A_737 = arith.constant 64 : i32
    %mul3A_738 = arith.muli %arg0, %mul3A_737 : i32
    %dma_start3A_739 = arith.constant 0 : i32
    %dma_start3A_740 = tpu.memref_slice %arg12[%dma_start3A_739] : memref<2x!tpu.dma_semaphore, #tpu.memory_space<semaphore_mem>> -> memref<1x!tpu.dma_semaphore, #tpu.memory_space<semaphore_mem>>
    %dma_start3A_741 = tpu.memref_squeeze %dma_start3A_740 : memref<1x!tpu.dma_semaphore, #tpu.memory_space<semaphore_mem>> -> memref<!tpu.dma_semaphore, #tpu.memory_space<semaphore_mem>>
    %dma_start3A_742 = arith.constant 0 : i32
    %dma_start3A_743 = tpu.memref_slice %arg5[%add3A_736, %dma_start3A_742] : memref<10240x128xf32, #tpu.memory_space<hbm>> -> memref<64x128xf32, #tpu.memory_space<hbm>>
    %dma_start3A_744 = arith.constant 0 : i32
    %dma_start3A_745 = tpu.memref_slice %dma_start3A_743[%dma_start3A_744, %mul3A_738] : memref<64x128xf32, #tpu.memory_space<hbm>> -> memref<64x64xf32, #tpu.memory_space<hbm>>
    %dma_start3A_746 = arith.constant 0 : i32
    %dma_start3A_747 = tpu.memref_slice %arg10[%add3A_734, %dma_start3A_746] : memref<10240x64xf32, #tpu.memory_space<vmem_shared>> -> memref<64x64xf32, #tpu.memory_space<vmem_shared>>
    tpu.enqueue_dma source(%dma_start3A_747 : memref<64x64xf32, #tpu.memory_space<vmem_shared>>) target(%dma_start3A_745 : memref<64x64xf32, #tpu.memory_space<hbm>>) target_semaphore(%dma_start3A_741 : memref<!tpu.dma_semaphore, #tpu.memory_space<semaphore_mem>>)
    %add3A_748 = arith.constant 320 : i32
    %add3A_749 = arith.addi %mul3A_97, %add3A_748 : i32
    %add3A_750 = arith.constant 320 : i32
    %add3A_751 = arith.addi %mul3A_97, %add3A_750 : i32
    %mul3A_752 = arith.constant 64 : i32
    %mul3A_753 = arith.muli %arg0, %mul3A_752 : i32
    %dma_start3A_754 = arith.constant 0 : i32
    %dma_start3A_755 = tpu.memref_slice %arg12[%dma_start3A_754] : memref<2x!tpu.dma_semaphore, #tpu.memory_space<semaphore_mem>> -> memref<1x!tpu.dma_semaphore, #tpu.memory_space<semaphore_mem>>
    %dma_start3A_756 = tpu.memref_squeeze %dma_start3A_755 : memref<1x!tpu.dma_semaphore, #tpu.memory_space<semaphore_mem>> -> memref<!tpu.dma_semaphore, #tpu.memory_space<semaphore_mem>>
    %dma_start3A_757 = arith.constant 0 : i32
    %dma_start3A_758 = tpu.memref_slice %arg5[%add3A_751, %dma_start3A_757] : memref<10240x128xf32, #tpu.memory_space<hbm>> -> memref<64x128xf32, #tpu.memory_space<hbm>>
    %dma_start3A_759 = arith.constant 0 : i32
    %dma_start3A_760 = tpu.memref_slice %dma_start3A_758[%dma_start3A_759, %mul3A_753] : memref<64x128xf32, #tpu.memory_space<hbm>> -> memref<64x64xf32, #tpu.memory_space<hbm>>
    %dma_start3A_761 = arith.constant 0 : i32
    %dma_start3A_762 = tpu.memref_slice %arg10[%add3A_749, %dma_start3A_761] : memref<10240x64xf32, #tpu.memory_space<vmem_shared>> -> memref<64x64xf32, #tpu.memory_space<vmem_shared>>
    tpu.enqueue_dma source(%dma_start3A_762 : memref<64x64xf32, #tpu.memory_space<vmem_shared>>) target(%dma_start3A_760 : memref<64x64xf32, #tpu.memory_space<hbm>>) target_semaphore(%dma_start3A_756 : memref<!tpu.dma_semaphore, #tpu.memory_space<semaphore_mem>>)
    %add3A_763 = arith.constant 384 : i32
    %add3A_764 = arith.addi %mul3A_97, %add3A_763 : i32
    %add3A_765 = arith.constant 384 : i32
    %add3A_766 = arith.addi %mul3A_97, %add3A_765 : i32
    %mul3A_767 = arith.constant 64 : i32
    %mul3A_768 = arith.muli %arg0, %mul3A_767 : i32
    %dma_start3A_769 = arith.constant 0 : i32
    %dma_start3A_770 = tpu.memref_slice %arg12[%dma_start3A_769] : memref<2x!tpu.dma_semaphore, #tpu.memory_space<semaphore_mem>> -> memref<1x!tpu.dma_semaphore, #tpu.memory_space<semaphore_mem>>
    %dma_start3A_771 = tpu.memref_squeeze %dma_start3A_770 : memref<1x!tpu.dma_semaphore, #tpu.memory_space<semaphore_mem>> -> memref<!tpu.dma_semaphore, #tpu.memory_space<semaphore_mem>>
    %dma_start3A_772 = arith.constant 0 : i32
    %dma_start3A_773 = tpu.memref_slice %arg5[%add3A_766, %dma_start3A_772] : memref<10240x128xf32, #tpu.memory_space<hbm>> -> memref<64x128xf32, #tpu.memory_space<hbm>>
    %dma_start3A_774 = arith.constant 0 : i32
    %dma_start3A_775 = tpu.memref_slice %dma_start3A_773[%dma_start3A_774, %mul3A_768] : memref<64x128xf32, #tpu.memory_space<hbm>> -> memref<64x64xf32, #tpu.memory_space<hbm>>
    %dma_start3A_776 = arith.constant 0 : i32
    %dma_start3A_777 = tpu.memref_slice %arg10[%add3A_764, %dma_start3A_776] : memref<10240x64xf32, #tpu.memory_space<vmem_shared>> -> memref<64x64xf32, #tpu.memory_space<vmem_shared>>
    tpu.enqueue_dma source(%dma_start3A_777 : memref<64x64xf32, #tpu.memory_space<vmem_shared>>) target(%dma_start3A_775 : memref<64x64xf32, #tpu.memory_space<hbm>>) target_semaphore(%dma_start3A_771 : memref<!tpu.dma_semaphore, #tpu.memory_space<semaphore_mem>>)
    %add3A_778 = arith.constant 448 : i32
    %add3A_779 = arith.addi %mul3A_97, %add3A_778 : i32
    %add3A_780 = arith.constant 448 : i32
    %add3A_781 = arith.addi %mul3A_97, %add3A_780 : i32
    %mul3A_782 = arith.constant 64 : i32
    %mul3A_783 = arith.muli %arg0, %mul3A_782 : i32
    %dma_start3A_784 = arith.constant 0 : i32
    %dma_start3A_785 = tpu.memref_slice %arg12[%dma_start3A_784] : memref<2x!tpu.dma_semaphore, #tpu.memory_space<semaphore_mem>> -> memref<1x!tpu.dma_semaphore, #tpu.memory_space<semaphore_mem>>
    %dma_start3A_786 = tpu.memref_squeeze %dma_start3A_785 : memref<1x!tpu.dma_semaphore, #tpu.memory_space<semaphore_mem>> -> memref<!tpu.dma_semaphore, #tpu.memory_space<semaphore_mem>>
    %dma_start3A_787 = arith.constant 0 : i32
    %dma_start3A_788 = tpu.memref_slice %arg5[%add3A_781, %dma_start3A_787] : memref<10240x128xf32, #tpu.memory_space<hbm>> -> memref<64x128xf32, #tpu.memory_space<hbm>>
    %dma_start3A_789 = arith.constant 0 : i32
    %dma_start3A_790 = tpu.memref_slice %dma_start3A_788[%dma_start3A_789, %mul3A_783] : memref<64x128xf32, #tpu.memory_space<hbm>> -> memref<64x64xf32, #tpu.memory_space<hbm>>
    %dma_start3A_791 = arith.constant 0 : i32
    %dma_start3A_792 = tpu.memref_slice %arg10[%add3A_779, %dma_start3A_791] : memref<10240x64xf32, #tpu.memory_space<vmem_shared>> -> memref<64x64xf32, #tpu.memory_space<vmem_shared>>
    tpu.enqueue_dma source(%dma_start3A_792 : memref<64x64xf32, #tpu.memory_space<vmem_shared>>) target(%dma_start3A_790 : memref<64x64xf32, #tpu.memory_space<hbm>>) target_semaphore(%dma_start3A_786 : memref<!tpu.dma_semaphore, #tpu.memory_space<semaphore_mem>>)
    %add3A_793 = arith.constant 512 : i32
    %add3A_794 = arith.addi %mul3A_97, %add3A_793 : i32
    %add3A_795 = arith.constant 512 : i32
    %add3A_796 = arith.addi %mul3A_97, %add3A_795 : i32
    %mul3A_797 = arith.constant 64 : i32
    %mul3A_798 = arith.muli %arg0, %mul3A_797 : i32
    %dma_start3A_799 = arith.constant 0 : i32
    %dma_start3A_800 = tpu.memref_slice %arg12[%dma_start3A_799] : memref<2x!tpu.dma_semaphore, #tpu.memory_space<semaphore_mem>> -> memref<1x!tpu.dma_semaphore, #tpu.memory_space<semaphore_mem>>
    %dma_start3A_801 = tpu.memref_squeeze %dma_start3A_800 : memref<1x!tpu.dma_semaphore, #tpu.memory_space<semaphore_mem>> -> memref<!tpu.dma_semaphore, #tpu.memory_space<semaphore_mem>>
    %dma_start3A_802 = arith.constant 0 : i32
    %dma_start3A_803 = tpu.memref_slice %arg5[%add3A_796, %dma_start3A_802] : memref<10240x128xf32, #tpu.memory_space<hbm>> -> memref<64x128xf32, #tpu.memory_space<hbm>>
    %dma_start3A_804 = arith.constant 0 : i32
    %dma_start3A_805 = tpu.memref_slice %dma_start3A_803[%dma_start3A_804, %mul3A_798] : memref<64x128xf32, #tpu.memory_space<hbm>> -> memref<64x64xf32, #tpu.memory_space<hbm>>
    %dma_start3A_806 = arith.constant 0 : i32
    %dma_start3A_807 = tpu.memref_slice %arg10[%add3A_794, %dma_start3A_806] : memref<10240x64xf32, #tpu.memory_space<vmem_shared>> -> memref<64x64xf32, #tpu.memory_space<vmem_shared>>
    tpu.enqueue_dma source(%dma_start3A_807 : memref<64x64xf32, #tpu.memory_space<vmem_shared>>) target(%dma_start3A_805 : memref<64x64xf32, #tpu.memory_space<hbm>>) target_semaphore(%dma_start3A_801 : memref<!tpu.dma_semaphore, #tpu.memory_space<semaphore_mem>>)
    %add3A_808 = arith.constant 576 : i32
    %add3A_809 = arith.addi %mul3A_97, %add3A_808 : i32
    %add3A_810 = arith.constant 576 : i32
    %add3A_811 = arith.addi %mul3A_97, %add3A_810 : i32
    %mul3A_812 = arith.constant 64 : i32
    %mul3A_813 = arith.muli %arg0, %mul3A_812 : i32
    %dma_start3A_814 = arith.constant 0 : i32
    %dma_start3A_815 = tpu.memref_slice %arg12[%dma_start3A_814] : memref<2x!tpu.dma_semaphore, #tpu.memory_space<semaphore_mem>> -> memref<1x!tpu.dma_semaphore, #tpu.memory_space<semaphore_mem>>
    %dma_start3A_816 = tpu.memref_squeeze %dma_start3A_815 : memref<1x!tpu.dma_semaphore, #tpu.memory_space<semaphore_mem>> -> memref<!tpu.dma_semaphore, #tpu.memory_space<semaphore_mem>>
    %dma_start3A_817 = arith.constant 0 : i32
    %dma_start3A_818 = tpu.memref_slice %arg5[%add3A_811, %dma_start3A_817] : memref<10240x128xf32, #tpu.memory_space<hbm>> -> memref<64x128xf32, #tpu.memory_space<hbm>>
    %dma_start3A_819 = arith.constant 0 : i32
    %dma_start3A_820 = tpu.memref_slice %dma_start3A_818[%dma_start3A_819, %mul3A_813] : memref<64x128xf32, #tpu.memory_space<hbm>> -> memref<64x64xf32, #tpu.memory_space<hbm>>
    %dma_start3A_821 = arith.constant 0 : i32
    %dma_start3A_822 = tpu.memref_slice %arg10[%add3A_809, %dma_start3A_821] : memref<10240x64xf32, #tpu.memory_space<vmem_shared>> -> memref<64x64xf32, #tpu.memory_space<vmem_shared>>
    tpu.enqueue_dma source(%dma_start3A_822 : memref<64x64xf32, #tpu.memory_space<vmem_shared>>) target(%dma_start3A_820 : memref<64x64xf32, #tpu.memory_space<hbm>>) target_semaphore(%dma_start3A_816 : memref<!tpu.dma_semaphore, #tpu.memory_space<semaphore_mem>>)
    %add3A_823 = arith.constant 0 : i32
    %add3A_824 = arith.addi %mul3A_97, %add3A_823 : i32
    %add3A_825 = arith.constant 0 : i32
    %add3A_826 = arith.addi %mul3A_97, %add3A_825 : i32
    %mul3A_827 = arith.constant 64 : i32
    %mul3A_828 = arith.muli %arg0, %mul3A_827 : i32
    %dma_wait3A_829 = arith.constant 0 : i32
    %dma_wait3A_830 = tpu.memref_slice %arg12[%dma_wait3A_829] : memref<2x!tpu.dma_semaphore, #tpu.memory_space<semaphore_mem>> -> memref<1x!tpu.dma_semaphore, #tpu.memory_space<semaphore_mem>>
    %dma_wait3A_831 = tpu.memref_squeeze %dma_wait3A_830 : memref<1x!tpu.dma_semaphore, #tpu.memory_space<semaphore_mem>> -> memref<!tpu.dma_semaphore, #tpu.memory_space<semaphore_mem>>
    %dma_wait3A_832 = arith.constant 0 : i32
    %dma_wait3A_833 = tpu.memref_slice %arg5[%add3A_826, %dma_wait3A_832] : memref<10240x128xf32, #tpu.memory_space<hbm>> -> memref<64x128xf32, #tpu.memory_space<hbm>>
    %dma_wait3A_834 = arith.constant 0 : i32
    %dma_wait3A_835 = tpu.memref_slice %dma_wait3A_833[%dma_wait3A_834, %mul3A_828] : memref<64x128xf32, #tpu.memory_space<hbm>> -> memref<64x64xf32, #tpu.memory_space<hbm>>
    %dma_wait3A_836 = arith.constant 0 : i32
    %dma_wait3A_837 = tpu.memref_slice %arg10[%add3A_824, %dma_wait3A_836] : memref<10240x64xf32, #tpu.memory_space<vmem_shared>> -> memref<64x64xf32, #tpu.memory_space<vmem_shared>>
    tpu.wait_dma2 semaphore(%dma_wait3A_831 : memref<!tpu.dma_semaphore, #tpu.memory_space<semaphore_mem>>) src(%dma_wait3A_837 : memref<64x64xf32, #tpu.memory_space<vmem_shared>>) dst(%dma_wait3A_835 : memref<64x64xf32, #tpu.memory_space<hbm>>)
    %add3A_838 = arith.constant 64 : i32
    %add3A_839 = arith.addi %mul3A_97, %add3A_838 : i32
    %add3A_840 = arith.constant 64 : i32
    %add3A_841 = arith.addi %mul3A_97, %add3A_840 : i32
    %mul3A_842 = arith.constant 64 : i32
    %mul3A_843 = arith.muli %arg0, %mul3A_842 : i32
    %dma_wait3A_844 = arith.constant 0 : i32
    %dma_wait3A_845 = tpu.memref_slice %arg12[%dma_wait3A_844] : memref<2x!tpu.dma_semaphore, #tpu.memory_space<semaphore_mem>> -> memref<1x!tpu.dma_semaphore, #tpu.memory_space<semaphore_mem>>
    %dma_wait3A_846 = tpu.memref_squeeze %dma_wait3A_845 : memref<1x!tpu.dma_semaphore, #tpu.memory_space<semaphore_mem>> -> memref<!tpu.dma_semaphore, #tpu.memory_space<semaphore_mem>>
    %dma_wait3A_847 = arith.constant 0 : i32
    %dma_wait3A_848 = tpu.memref_slice %arg5[%add3A_841, %dma_wait3A_847] : memref<10240x128xf32, #tpu.memory_space<hbm>> -> memref<64x128xf32, #tpu.memory_space<hbm>>
    %dma_wait3A_849 = arith.constant 0 : i32
    %dma_wait3A_850 = tpu.memref_slice %dma_wait3A_848[%dma_wait3A_849, %mul3A_843] : memref<64x128xf32, #tpu.memory_space<hbm>> -> memref<64x64xf32, #tpu.memory_space<hbm>>
    %dma_wait3A_851 = arith.constant 0 : i32
    %dma_wait3A_852 = tpu.memref_slice %arg10[%add3A_839, %dma_wait3A_851] : memref<10240x64xf32, #tpu.memory_space<vmem_shared>> -> memref<64x64xf32, #tpu.memory_space<vmem_shared>>
    tpu.wait_dma2 semaphore(%dma_wait3A_846 : memref<!tpu.dma_semaphore, #tpu.memory_space<semaphore_mem>>) src(%dma_wait3A_852 : memref<64x64xf32, #tpu.memory_space<vmem_shared>>) dst(%dma_wait3A_850 : memref<64x64xf32, #tpu.memory_space<hbm>>)
    %add3A_853 = arith.constant 128 : i32
    %add3A_854 = arith.addi %mul3A_97, %add3A_853 : i32
    %add3A_855 = arith.constant 128 : i32
    %add3A_856 = arith.addi %mul3A_97, %add3A_855 : i32
    %mul3A_857 = arith.constant 64 : i32
    %mul3A_858 = arith.muli %arg0, %mul3A_857 : i32
    %dma_wait3A_859 = arith.constant 0 : i32
    %dma_wait3A_860 = tpu.memref_slice %arg12[%dma_wait3A_859] : memref<2x!tpu.dma_semaphore, #tpu.memory_space<semaphore_mem>> -> memref<1x!tpu.dma_semaphore, #tpu.memory_space<semaphore_mem>>
    %dma_wait3A_861 = tpu.memref_squeeze %dma_wait3A_860 : memref<1x!tpu.dma_semaphore, #tpu.memory_space<semaphore_mem>> -> memref<!tpu.dma_semaphore, #tpu.memory_space<semaphore_mem>>
    %dma_wait3A_862 = arith.constant 0 : i32
    %dma_wait3A_863 = tpu.memref_slice %arg5[%add3A_856, %dma_wait3A_862] : memref<10240x128xf32, #tpu.memory_space<hbm>> -> memref<64x128xf32, #tpu.memory_space<hbm>>
    %dma_wait3A_864 = arith.constant 0 : i32
    %dma_wait3A_865 = tpu.memref_slice %dma_wait3A_863[%dma_wait3A_864, %mul3A_858] : memref<64x128xf32, #tpu.memory_space<hbm>> -> memref<64x64xf32, #tpu.memory_space<hbm>>
    %dma_wait3A_866 = arith.constant 0 : i32
    %dma_wait3A_867 = tpu.memref_slice %arg10[%add3A_854, %dma_wait3A_866] : memref<10240x64xf32, #tpu.memory_space<vmem_shared>> -> memref<64x64xf32, #tpu.memory_space<vmem_shared>>
    tpu.wait_dma2 semaphore(%dma_wait3A_861 : memref<!tpu.dma_semaphore, #tpu.memory_space<semaphore_mem>>) src(%dma_wait3A_867 : memref<64x64xf32, #tpu.memory_space<vmem_shared>>) dst(%dma_wait3A_865 : memref<64x64xf32, #tpu.memory_space<hbm>>)
    %add3A_868 = arith.constant 192 : i32
    %add3A_869 = arith.addi %mul3A_97, %add3A_868 : i32
    %add3A_870 = arith.constant 192 : i32
    %add3A_871 = arith.addi %mul3A_97, %add3A_870 : i32
    %mul3A_872 = arith.constant 64 : i32
    %mul3A_873 = arith.muli %arg0, %mul3A_872 : i32
    %dma_wait3A_874 = arith.constant 0 : i32
    %dma_wait3A_875 = tpu.memref_slice %arg12[%dma_wait3A_874] : memref<2x!tpu.dma_semaphore, #tpu.memory_space<semaphore_mem>> -> memref<1x!tpu.dma_semaphore, #tpu.memory_space<semaphore_mem>>
    %dma_wait3A_876 = tpu.memref_squeeze %dma_wait3A_875 : memref<1x!tpu.dma_semaphore, #tpu.memory_space<semaphore_mem>> -> memref<!tpu.dma_semaphore, #tpu.memory_space<semaphore_mem>>
    %dma_wait3A_877 = arith.constant 0 : i32
    %dma_wait3A_878 = tpu.memref_slice %arg5[%add3A_871, %dma_wait3A_877] : memref<10240x128xf32, #tpu.memory_space<hbm>> -> memref<64x128xf32, #tpu.memory_space<hbm>>
    %dma_wait3A_879 = arith.constant 0 : i32
    %dma_wait3A_880 = tpu.memref_slice %dma_wait3A_878[%dma_wait3A_879, %mul3A_873] : memref<64x128xf32, #tpu.memory_space<hbm>> -> memref<64x64xf32, #tpu.memory_space<hbm>>
    %dma_wait3A_881 = arith.constant 0 : i32
    %dma_wait3A_882 = tpu.memref_slice %arg10[%add3A_869, %dma_wait3A_881] : memref<10240x64xf32, #tpu.memory_space<vmem_shared>> -> memref<64x64xf32, #tpu.memory_space<vmem_shared>>
    tpu.wait_dma2 semaphore(%dma_wait3A_876 : memref<!tpu.dma_semaphore, #tpu.memory_space<semaphore_mem>>) src(%dma_wait3A_882 : memref<64x64xf32, #tpu.memory_space<vmem_shared>>) dst(%dma_wait3A_880 : memref<64x64xf32, #tpu.memory_space<hbm>>)
    %add3A_883 = arith.constant 256 : i32
    %add3A_884 = arith.addi %mul3A_97, %add3A_883 : i32
    %add3A_885 = arith.constant 256 : i32
    %add3A_886 = arith.addi %mul3A_97, %add3A_885 : i32
    %mul3A_887 = arith.constant 64 : i32
    %mul3A_888 = arith.muli %arg0, %mul3A_887 : i32
    %dma_wait3A_889 = arith.constant 0 : i32
    %dma_wait3A_890 = tpu.memref_slice %arg12[%dma_wait3A_889] : memref<2x!tpu.dma_semaphore, #tpu.memory_space<semaphore_mem>> -> memref<1x!tpu.dma_semaphore, #tpu.memory_space<semaphore_mem>>
    %dma_wait3A_891 = tpu.memref_squeeze %dma_wait3A_890 : memref<1x!tpu.dma_semaphore, #tpu.memory_space<semaphore_mem>> -> memref<!tpu.dma_semaphore, #tpu.memory_space<semaphore_mem>>
    %dma_wait3A_892 = arith.constant 0 : i32
    %dma_wait3A_893 = tpu.memref_slice %arg5[%add3A_886, %dma_wait3A_892] : memref<10240x128xf32, #tpu.memory_space<hbm>> -> memref<64x128xf32, #tpu.memory_space<hbm>>
    %dma_wait3A_894 = arith.constant 0 : i32
    %dma_wait3A_895 = tpu.memref_slice %dma_wait3A_893[%dma_wait3A_894, %mul3A_888] : memref<64x128xf32, #tpu.memory_space<hbm>> -> memref<64x64xf32, #tpu.memory_space<hbm>>
    %dma_wait3A_896 = arith.constant 0 : i32
    %dma_wait3A_897 = tpu.memref_slice %arg10[%add3A_884, %dma_wait3A_896] : memref<10240x64xf32, #tpu.memory_space<vmem_shared>> -> memref<64x64xf32, #tpu.memory_space<vmem_shared>>
    tpu.wait_dma2 semaphore(%dma_wait3A_891 : memref<!tpu.dma_semaphore, #tpu.memory_space<semaphore_mem>>) src(%dma_wait3A_897 : memref<64x64xf32, #tpu.memory_space<vmem_shared>>) dst(%dma_wait3A_895 : memref<64x64xf32, #tpu.memory_space<hbm>>)
    %add3A_898 = arith.constant 320 : i32
    %add3A_899 = arith.addi %mul3A_97, %add3A_898 : i32
    %add3A_900 = arith.constant 320 : i32
    %add3A_901 = arith.addi %mul3A_97, %add3A_900 : i32
    %mul3A_902 = arith.constant 64 : i32
    %mul3A_903 = arith.muli %arg0, %mul3A_902 : i32
    %dma_wait3A_904 = arith.constant 0 : i32
    %dma_wait3A_905 = tpu.memref_slice %arg12[%dma_wait3A_904] : memref<2x!tpu.dma_semaphore, #tpu.memory_space<semaphore_mem>> -> memref<1x!tpu.dma_semaphore, #tpu.memory_space<semaphore_mem>>
    %dma_wait3A_906 = tpu.memref_squeeze %dma_wait3A_905 : memref<1x!tpu.dma_semaphore, #tpu.memory_space<semaphore_mem>> -> memref<!tpu.dma_semaphore, #tpu.memory_space<semaphore_mem>>
    %dma_wait3A_907 = arith.constant 0 : i32
    %dma_wait3A_908 = tpu.memref_slice %arg5[%add3A_901, %dma_wait3A_907] : memref<10240x128xf32, #tpu.memory_space<hbm>> -> memref<64x128xf32, #tpu.memory_space<hbm>>
    %dma_wait3A_909 = arith.constant 0 : i32
    %dma_wait3A_910 = tpu.memref_slice %dma_wait3A_908[%dma_wait3A_909, %mul3A_903] : memref<64x128xf32, #tpu.memory_space<hbm>> -> memref<64x64xf32, #tpu.memory_space<hbm>>
    %dma_wait3A_911 = arith.constant 0 : i32
    %dma_wait3A_912 = tpu.memref_slice %arg10[%add3A_899, %dma_wait3A_911] : memref<10240x64xf32, #tpu.memory_space<vmem_shared>> -> memref<64x64xf32, #tpu.memory_space<vmem_shared>>
    tpu.wait_dma2 semaphore(%dma_wait3A_906 : memref<!tpu.dma_semaphore, #tpu.memory_space<semaphore_mem>>) src(%dma_wait3A_912 : memref<64x64xf32, #tpu.memory_space<vmem_shared>>) dst(%dma_wait3A_910 : memref<64x64xf32, #tpu.memory_space<hbm>>)
    %add3A_913 = arith.constant 384 : i32
    %add3A_914 = arith.addi %mul3A_97, %add3A_913 : i32
    %add3A_915 = arith.constant 384 : i32
    %add3A_916 = arith.addi %mul3A_97, %add3A_915 : i32
    %mul3A_917 = arith.constant 64 : i32
    %mul3A_918 = arith.muli %arg0, %mul3A_917 : i32
    %dma_wait3A_919 = arith.constant 0 : i32
    %dma_wait3A_920 = tpu.memref_slice %arg12[%dma_wait3A_919] : memref<2x!tpu.dma_semaphore, #tpu.memory_space<semaphore_mem>> -> memref<1x!tpu.dma_semaphore, #tpu.memory_space<semaphore_mem>>
    %dma_wait3A_921 = tpu.memref_squeeze %dma_wait3A_920 : memref<1x!tpu.dma_semaphore, #tpu.memory_space<semaphore_mem>> -> memref<!tpu.dma_semaphore, #tpu.memory_space<semaphore_mem>>
    %dma_wait3A_922 = arith.constant 0 : i32
    %dma_wait3A_923 = tpu.memref_slice %arg5[%add3A_916, %dma_wait3A_922] : memref<10240x128xf32, #tpu.memory_space<hbm>> -> memref<64x128xf32, #tpu.memory_space<hbm>>
    %dma_wait3A_924 = arith.constant 0 : i32
    %dma_wait3A_925 = tpu.memref_slice %dma_wait3A_923[%dma_wait3A_924, %mul3A_918] : memref<64x128xf32, #tpu.memory_space<hbm>> -> memref<64x64xf32, #tpu.memory_space<hbm>>
    %dma_wait3A_926 = arith.constant 0 : i32
    %dma_wait3A_927 = tpu.memref_slice %arg10[%add3A_914, %dma_wait3A_926] : memref<10240x64xf32, #tpu.memory_space<vmem_shared>> -> memref<64x64xf32, #tpu.memory_space<vmem_shared>>
    tpu.wait_dma2 semaphore(%dma_wait3A_921 : memref<!tpu.dma_semaphore, #tpu.memory_space<semaphore_mem>>) src(%dma_wait3A_927 : memref<64x64xf32, #tpu.memory_space<vmem_shared>>) dst(%dma_wait3A_925 : memref<64x64xf32, #tpu.memory_space<hbm>>)
    %add3A_928 = arith.constant 448 : i32
    %add3A_929 = arith.addi %mul3A_97, %add3A_928 : i32
    %add3A_930 = arith.constant 448 : i32
    %add3A_931 = arith.addi %mul3A_97, %add3A_930 : i32
    %mul3A_932 = arith.constant 64 : i32
    %mul3A_933 = arith.muli %arg0, %mul3A_932 : i32
    %dma_wait3A_934 = arith.constant 0 : i32
    %dma_wait3A_935 = tpu.memref_slice %arg12[%dma_wait3A_934] : memref<2x!tpu.dma_semaphore, #tpu.memory_space<semaphore_mem>> -> memref<1x!tpu.dma_semaphore, #tpu.memory_space<semaphore_mem>>
    %dma_wait3A_936 = tpu.memref_squeeze %dma_wait3A_935 : memref<1x!tpu.dma_semaphore, #tpu.memory_space<semaphore_mem>> -> memref<!tpu.dma_semaphore, #tpu.memory_space<semaphore_mem>>
    %dma_wait3A_937 = arith.constant 0 : i32
    %dma_wait3A_938 = tpu.memref_slice %arg5[%add3A_931, %dma_wait3A_937] : memref<10240x128xf32, #tpu.memory_space<hbm>> -> memref<64x128xf32, #tpu.memory_space<hbm>>
    %dma_wait3A_939 = arith.constant 0 : i32
    %dma_wait3A_940 = tpu.memref_slice %dma_wait3A_938[%dma_wait3A_939, %mul3A_933] : memref<64x128xf32, #tpu.memory_space<hbm>> -> memref<64x64xf32, #tpu.memory_space<hbm>>
    %dma_wait3A_941 = arith.constant 0 : i32
    %dma_wait3A_942 = tpu.memref_slice %arg10[%add3A_929, %dma_wait3A_941] : memref<10240x64xf32, #tpu.memory_space<vmem_shared>> -> memref<64x64xf32, #tpu.memory_space<vmem_shared>>
    tpu.wait_dma2 semaphore(%dma_wait3A_936 : memref<!tpu.dma_semaphore, #tpu.memory_space<semaphore_mem>>) src(%dma_wait3A_942 : memref<64x64xf32, #tpu.memory_space<vmem_shared>>) dst(%dma_wait3A_940 : memref<64x64xf32, #tpu.memory_space<hbm>>)
    %add3A_943 = arith.constant 512 : i32
    %add3A_944 = arith.addi %mul3A_97, %add3A_943 : i32
    %add3A_945 = arith.constant 512 : i32
    %add3A_946 = arith.addi %mul3A_97, %add3A_945 : i32
    %mul3A_947 = arith.constant 64 : i32
    %mul3A_948 = arith.muli %arg0, %mul3A_947 : i32
    %dma_wait3A_949 = arith.constant 0 : i32
    %dma_wait3A_950 = tpu.memref_slice %arg12[%dma_wait3A_949] : memref<2x!tpu.dma_semaphore, #tpu.memory_space<semaphore_mem>> -> memref<1x!tpu.dma_semaphore, #tpu.memory_space<semaphore_mem>>
    %dma_wait3A_951 = tpu.memref_squeeze %dma_wait3A_950 : memref<1x!tpu.dma_semaphore, #tpu.memory_space<semaphore_mem>> -> memref<!tpu.dma_semaphore, #tpu.memory_space<semaphore_mem>>
    %dma_wait3A_952 = arith.constant 0 : i32
    %dma_wait3A_953 = tpu.memref_slice %arg5[%add3A_946, %dma_wait3A_952] : memref<10240x128xf32, #tpu.memory_space<hbm>> -> memref<64x128xf32, #tpu.memory_space<hbm>>
    %dma_wait3A_954 = arith.constant 0 : i32
    %dma_wait3A_955 = tpu.memref_slice %dma_wait3A_953[%dma_wait3A_954, %mul3A_948] : memref<64x128xf32, #tpu.memory_space<hbm>> -> memref<64x64xf32, #tpu.memory_space<hbm>>
    %dma_wait3A_956 = arith.constant 0 : i32
    %dma_wait3A_957 = tpu.memref_slice %arg10[%add3A_944, %dma_wait3A_956] : memref<10240x64xf32, #tpu.memory_space<vmem_shared>> -> memref<64x64xf32, #tpu.memory_space<vmem_shared>>
    tpu.wait_dma2 semaphore(%dma_wait3A_951 : memref<!tpu.dma_semaphore, #tpu.memory_space<semaphore_mem>>) src(%dma_wait3A_957 : memref<64x64xf32, #tpu.memory_space<vmem_shared>>) dst(%dma_wait3A_955 : memref<64x64xf32, #tpu.memory_space<hbm>>)
    %add3A_958 = arith.constant 576 : i32
    %add3A_959 = arith.addi %mul3A_97, %add3A_958 : i32
    %add3A_960 = arith.constant 576 : i32
    %add3A_961 = arith.addi %mul3A_97, %add3A_960 : i32
    %mul3A_962 = arith.constant 64 : i32
    %mul3A_963 = arith.muli %arg0, %mul3A_962 : i32
    %dma_wait3A_964 = arith.constant 0 : i32
    %dma_wait3A_965 = tpu.memref_slice %arg12[%dma_wait3A_964] : memref<2x!tpu.dma_semaphore, #tpu.memory_space<semaphore_mem>> -> memref<1x!tpu.dma_semaphore, #tpu.memory_space<semaphore_mem>>
    %dma_wait3A_966 = tpu.memref_squeeze %dma_wait3A_965 : memref<1x!tpu.dma_semaphore, #tpu.memory_space<semaphore_mem>> -> memref<!tpu.dma_semaphore, #tpu.memory_space<semaphore_mem>>
    %dma_wait3A_967 = arith.constant 0 : i32
    %dma_wait3A_968 = tpu.memref_slice %arg5[%add3A_961, %dma_wait3A_967] : memref<10240x128xf32, #tpu.memory_space<hbm>> -> memref<64x128xf32, #tpu.memory_space<hbm>>
    %dma_wait3A_969 = arith.constant 0 : i32
    %dma_wait3A_970 = tpu.memref_slice %dma_wait3A_968[%dma_wait3A_969, %mul3A_963] : memref<64x128xf32, #tpu.memory_space<hbm>> -> memref<64x64xf32, #tpu.memory_space<hbm>>
    %dma_wait3A_971 = arith.constant 0 : i32
    %dma_wait3A_972 = tpu.memref_slice %arg10[%add3A_959, %dma_wait3A_971] : memref<10240x64xf32, #tpu.memory_space<vmem_shared>> -> memref<64x64xf32, #tpu.memory_space<vmem_shared>>
    tpu.wait_dma2 semaphore(%dma_wait3A_966 : memref<!tpu.dma_semaphore, #tpu.memory_space<semaphore_mem>>) src(%dma_wait3A_972 : memref<64x64xf32, #tpu.memory_space<vmem_shared>>) dst(%dma_wait3A_970 : memref<64x64xf32, #tpu.memory_space<hbm>>)
    return
  }
}

module attributes {stable_mosaic.version = 14 : i64} {
  func.func @_mlp_body(%arg0: i32, %arg1: memref<5000x128xf32, #tpu.memory_space<vmem>>, %arg2: memref<5000x128xf32, #tpu.memory_space<vmem>>, %arg3: memref<128x128xf32, #tpu.memory_space<vmem>>, %arg4: memref<1x128xf32, #tpu.memory_space<vmem>>, %arg5: memref<128x128xf32, #tpu.memory_space<vmem>>, %arg6: memref<1x128xf32, #tpu.memory_space<vmem>>, %arg7: memref<5000x128xf32, #tpu.memory_space<vmem>>) attributes {dimension_semantics = [#tpu.dimension_semantics<arbitrary>], iteration_bounds = array<i64: 2>, scalar_prefetch = 0 : i64, scratch_operands = 0 : i64, tpu.core_type = #tpu.core_type<tc>, window_params = [{transform_indices = @transform_0, window_bounds = array<i64: 5000, 128>}, {transform_indices = @transform_1, window_bounds = array<i64: 5000, 128>}, {pipeline_mode = #tpu.pipeline_mode<synchronous>, transform_indices = @transform_2, window_bounds = array<i64: 128, 128>}, {pipeline_mode = #tpu.pipeline_mode<synchronous>, transform_indices = @transform_3, window_bounds = array<i64: 1, 128>}, {pipeline_mode = #tpu.pipeline_mode<synchronous>, transform_indices = @transform_4, window_bounds = array<i64: 128, 128>}, {pipeline_mode = #tpu.pipeline_mode<synchronous>, transform_indices = @transform_5, window_bounds = array<i64: 1, 128>}, {transform_indices = @transform_6, window_bounds = array<i64: 5000, 128>}]} {
    %get3A = arith.constant 0 : index
    %get3A_0 = arith.constant 0 : index
    %get3A_1 = vector.load %arg1[%get3A, %get3A_0] : memref<5000x128xf32, #tpu.memory_space<vmem>>, vector<5000x128xf32>
    %get3A_2 = arith.constant 0 : index
    %get3A_3 = arith.constant 0 : index
    %get3A_4 = vector.load %arg2[%get3A_2, %get3A_3] : memref<5000x128xf32, #tpu.memory_space<vmem>>, vector<5000x128xf32>
    %add3A = arith.addf %get3A_1, %get3A_4 : vector<5000x128xf32>
    %get3A_5 = arith.constant 0 : index
    %get3A_6 = arith.constant 0 : index
    %get3A_7 = vector.load %arg3[%get3A_5, %get3A_6] : memref<128x128xf32, #tpu.memory_space<vmem>>, vector<128x128xf32>
    %dot_general3A = arith.constant dense<0.000000e+00> : vector<5000x128xf32>
    %dot_general3A_8 = tpu.matmul %add3A, %get3A_7, %dot_general3A {dimension_numbers = #tpu.dot_dimension_numbers<[1], [0], [0], [1], [0, 0, 1, 1], [], []>, transpose_lhs_hint = false} : vector<5000x128xf32>, vector<128x128xf32>, vector<5000x128xf32> -> vector<5000x128xf32>
    %get3A_9 = arith.constant 0 : index
    %get3A_10 = arith.constant 0 : index
    %get3A_11 = vector.load %arg4[%get3A_9, %get3A_10] : memref<1x128xf32, #tpu.memory_space<vmem>>, vector<1x128xf32>
    %add3A_12 = vector.broadcast %get3A_11 : vector<1x128xf32> to vector<5000x128xf32>
    %add3A_13 = arith.addf %dot_general3A_8, %add3A_12 : vector<5000x128xf32>
    %max3A = arith.constant 0.000000e+00 : f32
    %max3A_14 = vector.broadcast %max3A : f32 to vector<5000x128xf32>
    %max3A_15 = arith.maximumf %add3A_13, %max3A_14 : vector<5000x128xf32>
    %get3A_16 = arith.constant 0 : index
    %get3A_17 = arith.constant 0 : index
    %get3A_18 = vector.load %arg5[%get3A_16, %get3A_17] : memref<128x128xf32, #tpu.memory_space<vmem>>, vector<128x128xf32>
    %dot_general3A_19 = arith.constant dense<0.000000e+00> : vector<5000x128xf32>
    %dot_general3A_20 = tpu.matmul %max3A_15, %get3A_18, %dot_general3A_19 {dimension_numbers = #tpu.dot_dimension_numbers<[1], [0], [0], [1], [0, 0, 1, 1], [], []>, transpose_lhs_hint = false} : vector<5000x128xf32>, vector<128x128xf32>, vector<5000x128xf32> -> vector<5000x128xf32>
    %get3A_21 = arith.constant 0 : index
    %get3A_22 = arith.constant 0 : index
    %get3A_23 = vector.load %arg6[%get3A_21, %get3A_22] : memref<1x128xf32, #tpu.memory_space<vmem>>, vector<1x128xf32>
    %add3A_24 = vector.broadcast %get3A_23 : vector<1x128xf32> to vector<5000x128xf32>
    %add3A_25 = arith.addf %dot_general3A_20, %add3A_24 : vector<5000x128xf32>
    %swap3A = arith.constant 0 : index
    %swap3A_26 = arith.constant 0 : index
    %swap3A_27 = vector.load %arg7[%swap3A, %swap3A_26] : memref<5000x128xf32, #tpu.memory_space<vmem>>, vector<5000x128xf32>
    tpu.vector_store %arg7[%swap3A, %swap3A_26], %add3A_25 {strides = array<i32>} : memref<5000x128xf32, #tpu.memory_space<vmem>>, vector<5000x128xf32>,
    return
  }
  func.func @transform_0(%arg0: i32) -> (i32, i32) {
    %c0_i32 = arith.constant 0 : i32
    %c0_i32_0 = arith.constant 0 : i32
    return %arg0, %c0_i32 : i32, i32
  }
  func.func @transform_1(%arg0: i32) -> (i32, i32) {
    %c0_i32 = arith.constant 0 : i32
    %c0_i32_0 = arith.constant 0 : i32
    return %arg0, %c0_i32 : i32, i32
  }
  func.func @transform_2(%arg0: i32) -> (i32, i32) {
    %c0_i32 = arith.constant 0 : i32
    %c0_i32_0 = arith.constant 0 : i32
    %c0_i32_1 = arith.constant 0 : i32
    return %c0_i32, %c0_i32_0 : i32, i32
  }
  func.func @transform_3(%arg0: i32) -> (i32, i32) {
    %c0_i32 = arith.constant 0 : i32
    %c0_i32_0 = arith.constant 0 : i32
    %c0_i32_1 = arith.constant 0 : i32
    return %c0_i32, %c0_i32_0 : i32, i32
  }
  func.func @transform_4(%arg0: i32) -> (i32, i32) {
    %c0_i32 = arith.constant 0 : i32
    %c0_i32_0 = arith.constant 0 : i32
    %c0_i32_1 = arith.constant 0 : i32
    return %c0_i32, %c0_i32_0 : i32, i32
  }
  func.func @transform_5(%arg0: i32) -> (i32, i32) {
    %c0_i32 = arith.constant 0 : i32
    %c0_i32_0 = arith.constant 0 : i32
    %c0_i32_1 = arith.constant 0 : i32
    return %c0_i32, %c0_i32_0 : i32, i32
  }
  func.func @transform_6(%arg0: i32) -> (i32, i32) {
    %c0_i32 = arith.constant 0 : i32
    %c0_i32_0 = arith.constant 0 : i32
    return %arg0, %c0_i32 : i32, i32
  }
}

</mosaic_0001>

<sc_bundles>
// kernel: kernel.4.cloned.1.call-start
scs
__scs_entry_jumppad:
0x0: {  	(pc) =	sbr.rel $0x88, $3  }
0x1: {  	(tag) =	ssettag $0x0;
	lr =	simm.s32 $0x1  }
0x2: {  	[smem:$0x3F9A] =	sst lr;
	_ =	strace $0xD0000000  }
0x3: {  	_ = 	snop  }
0x4: {  	_ = 	snop  }
0x5: {  	_ = 	snop  }
0x6: {  	_ = 	snop  }
0x7: {  	_ = 	snop  }
__scs_overlays_trampoline_lowered:
0x8: {  	[smem:$0x3FA9] =	sst s0  }
0x9: {  	[smem:$0x3FAA] =	sst s1  }
0xa: {  	[smem:$0x3FAB] =	sst s2  }
0xb: {  	[smem:$0x3FAC] =	sst s3  }
0xc: {  	[smem:$0x3FAD] =	sst s4  }
0xd: {  	[smem:$0x3FAE] =	sst s5  }
0xe: {  	[smem:$0x3FAF] =	sst s6  }
0xf: {  	[smem:$0x3FB0] =	sst s7  }
0x10: {  	[smem:$0x3FB1] =	sst s8  }
0x11: {  	[smem:$0x3FB2] =	sst s9;
	s0 =	simm.s32 @!p0 $0x0  }
0x12: {  	s1 =	sld [smem:$0x3F98];
	s0 =	simm.s32 @p0 $0x1  }
0x13: {  	[smem:$0x3FB3] =	sst s0;
	s0 =	simm.s32 @!p1 $0x0  }
0x14: {  	s2 =	sld [smem:$0x3F97];
	s0 =	simm.s32 @p1 $0x1  }
0x15: {  	[smem:$0x3FB4] =	sst s0;
	s0 =	simm.s32 @!p2 $0x0  }
0x16: {  	s3 =	sld [smem:$0x3FDB];
	s0 =	simm.s32 @p2 $0x1  }
0x17: {  	s4 =	simm.s32 $0x1BF5;
	[smem:$0x3FB6] =	sst s0  }
0x18: {  	s0 =	sld [smem:$0x3F99];
	_ =	swait.ge [sflag:s4], $0x0  }
0x19: {  	s7 =	sld [smem:$0x3F9A]  }
0x1a: {  	s8 =	sadd.s32 $0xFFFFE003, lr  }
0x1b: {  	s9 =	sadd.s32 $0xFFFFFEF7, lr;
	s5 =	simm.s32 $0xFFFFFFFF;
	p2 =	slt.u32 s8, $0xFFFFF086  }
0x1c: {  	p1 =	slt.u32 s9, $0xF7A;
	s5 =	simm.s32 @!p2 $0x0  }
0x1d: {  	s5 =	simm.s32 @p1 $0x1;
	p0 =	seq.s32 s7, s2  }
0x1e: {  	s7 =	smul.u32 @!p0 $0xF7A, s2;
	p2 =	seq.s32 @!p0 s5, $0x0  }
0x1f: {  	s9 =	smul.u32 $0xF7A, s1;
	s8 =	simm.s32 @!p0 $0x1BF5;
	p2 =	por !p2, p0  }
0x20: {  	[sflag:s8] =	ssyncset.s32 @!p0 $0xFFFFF086;
	s6 =	sadd.s32 @!p0 s3, s7;
	s7 =	simm.s32 @!p0 $0x108  }
0x21: {  	s3 =	sadd.s32 s3, s9;
	s6 =	sadd.s32 @!p0 $0x88, s6;
	s7 =	simm.s32 @p2 $0x1082  }
0x22: {  	[simem:s7], [sflag:s8] =	dma.local @!p0 [hbm:s6], $0xF7A  }
0x23: {  	s9 =	sor.u32 $0xD0000000, s2;
	s6 =	simm.s32 $0x108;
	_ =	swait.ge @!p0 [sflag:s8], $0x0  }
0x24: {  	s3 =	sadd.s32 $0x88, s3;
	s6 =	simm.s32 @!p1 $0x1082;
	[sflag:s4] =	ssyncset.s32 $0xFFFFF086  }
0x25: {  	[simem:s6], [sflag:s4] =	dma.local [hbm:s3], $0xF7A  }
0x26: {  	[smem:$0x3F9A] =	sst s1;
	(tag) =	ssettag s2;
	_ =	strace s9  }
0x27: {  	s1 =	sld [smem:$0x3FAA]  }
0x28: {  	s2 =	sld [smem:$0x3FAB]  }
0x29: {  	s4 =	sld [smem:$0x3FAD]  }
0x2a: {  	p0 =	seq.s32 s5, $0x0;
	s5 =	sld [smem:$0x3FAE]  }
0x2b: {  	s6 =	sld [smem:$0x3FAF]  }
0x2c: {  	s7 =	sld [smem:$0x3FB0]  }
0x2d: {  	s3 =	simm.s32 $0x108;
	s8 =	sld [smem:$0x3FB1]  }
0x2e: {  	s3 =	simm.s32 @!p0 $0x1082;
	s9 =	sld [smem:$0x3FB2]  }
0x2f: {  	lr =	sadd.s32 s0, s3;
	s0 =	sld [smem:$0x3FA9]  }
0x30: {  	s3 =	sld [smem:$0x3FAC]  }
0x31: {  	[smem:$0x3FB5] =	sst s10  }
0x32: {  	s10 =	sld [smem:$0x3FB3];
	_ =	sdelay $0x3  }
0x33: {  	p0 =	seq.s32 s10, $0x1;
	s10 =	sld [smem:$0x3FB5];
	_ =	sdelay $0x3  }
0x34: {  	[smem:$0x3FB5] =	sst s10  }
0x35: {  	s10 =	sld [smem:$0x3FB4];
	_ =	sdelay $0x3  }
0x36: {  	p1 =	seq.s32 s10, $0x1;
	s10 =	sld [smem:$0x3FB5];
	_ =	sdelay $0x3  }
0x37: {  	[smem:$0x3FB5] =	sst s10  }
0x38: {  	s10 =	sld [smem:$0x3FB6]  }
0x39: {  	_ = 	snop;
	(pc) =	sbr.ind lr, $3  }
0x3a: {  	_ = 	snop  }
0x3b: {  	_ = 	snop  }
0x3c: {  	p2 =	seq.s32 s10, $0x1;
	s10 =	sld [smem:$0x3FB5]  }
0x3d: {  	_ =	shalt  }
0x3e: {  	_ =	shalt  }
0x3f: {  	_ =	shalt  }
0x40: {  	_ =	shalt  }
0x41: {  	_ =	shalt  }
0x42: {  	_ =	shalt  }
0x43: {  	_ =	shalt  }
0x44: {  	_ =	shalt  }
0x45: {  	_ =	shalt  }
0x46: {  	_ =	shalt  }
0x47: {  	_ =	shalt  }
0x48: {  	_ =	shalt  }
0x49: {  	_ =	shalt  }
0x4a: {  	_ =	shalt  }
0x4b: {  	_ =	shalt  }
0x4c: {  	_ =	shalt  }
0x4d: {  	_ =	shalt  }
0x4e: {  	_ =	shalt  }
0x4f: {  	_ =	shalt  }
0x50: {  	_ =	shalt  }
0x51: {  	_ =	shalt  }
0x52: {  	_ =	shalt  }
0x53: {  	_ =	shalt  }
0x54: {  	_ =	shalt  }
0x55: {  	_ =	shalt  }
0x56: {  	_ =	shalt  }
0x57: {  	_ =	shalt  }
0x58: {  	_ =	shalt  }
0x59: {  	_ =	shalt  }
0x5a: {  	_ =	shalt  }
0x5b: {  	_ =	shalt  }
0x5c: {  	_ =	shalt  }
0x5d: {  	_ =	shalt  }
0x5e: {  	_ =	shalt  }
0x5f: {  	_ =	shalt  }
0x60: {  	_ =	shalt  }
0x61: {  	_ =	shalt  }
0x62: {  	_ =	shalt  }
0x63: {  	_ =	shalt  }
0x64: {  	_ =	shalt  }
0x65: {  	_ =	shalt  }
0x66: {  	_ =	shalt  }
0x67: {  	_ =	shalt  }
0x68: {  	_ =	shalt  }
0x69: {  	_ =	shalt  }
0x6a: {  	_ =	shalt  }
0x6b: {  	_ =	shalt  }
0x6c: {  	_ =	shalt  }
0x6d: {  	_ =	shalt  }
0x6e: {  	_ =	shalt  }
0x6f: {  	_ =	shalt  }
0x70: {  	_ =	shalt  }
0x71: {  	_ =	shalt  }
0x72: {  	_ =	shalt  }
0x73: {  	_ =	shalt  }
0x74: {  	_ =	shalt  }
0x75: {  	_ =	shalt  }
0x76: {  	_ =	shalt  }
0x77: {  	_ =	shalt  }
0x78: {  	_ =	shalt  }
0x79: {  	_ =	shalt  }
0x7a: {  	_ =	shalt  }
0x7b: {  	_ =	shalt  }
0x7c: {  	_ =	shalt  }
0x7d: {  	_ =	shalt  }
0x7e: {  	_ =	shalt  }
0x7f: {  	_ =	shalt  }
0x80: {  	_ =	shalt  }
0x81: {  	_ =	shalt  }
0x82: {  	_ =	shalt  }
0x83: {  	_ =	shalt  }
0x84: {  	_ =	shalt  }
0x85: {  	_ =	shalt  }
0x86: {  	_ =	shalt  }
0x87: {  	_ =	shalt  }
.Lfunc_end0:
.L_simem_size_0:
called_computation_lowered:
.L_overlay_start_0:
0x88: {  	s2 =	sld [smem:$0x3FD9]  }
0x89: {  	s3 =	sld [smem:$0x3FFE];
	_ =	sdelay $0x1  }
0x8a: {  	s1 =	srdreg.scid  }
0x8b: {  	s0 =	sand.u32 $0x1, s1  }
0x8c: {  	s17 =	sshll.u32 s0, $0xA;
	s2 =	sadd.s32 s3, s2  }
0x8d: {  	s2 =	sadd.s32 s2, s17  }
0x8e: {  	[smem:$0x3FC1] =	sst s2  }
0x8f: {  	_ = 	snop  }
0x90: {  	s2 =	sld [smem:$0x3FC9]  }
0x91: {  	s18 =	sld [smem:$0x3FC7]  }
0x92: {  	s4 =	sld [smem:$0x3FD0];
	(tm) =	ssettm $0x1  }
0x93: {  	s5 =	sld [smem:$0x3FFB];
	_ =	sdelay $0x3  }
0x94: {  	_ =	strace s5  }
0x95: {  	s5 =	sld [smem:$0x3FFC];
	_ =	sdelay $0x3  }
0x96: {  	_ =	strace s5  }
0x97: {  	s5 =	sld [smem:$0x3FFD];
	_ =	sdelay $0x3  }
0x98: {  	_ =	strace s5  }
0x99: {  	_ =	strace $0x8FFFFFFF  }
0x9a: {  	s19 =	sld [smem:$0x3FDB];
	_ =	sdelay $0x1  }
0x9b: {  	s6 =	simm.s32 $_scs_section_size  }
0x9c: {  	s7 =	simm.s32 $_size__tile_overlayer_lowered;
	s8 =	simm.s32 $_tile_overlayer_lowered  }
0x9d: {  	s22 =	simm.s32 $0x1BFF;
	s21 =	sshll.u32 s8, $0x1;
	s5 =	sadd.s32 s6, s19  }
0x9e: {  	s9 =	simm.s32 $0x0;
	s20 =	sshll.u32 s7, $0x1;
	s7 =	sadd.s32 s21, s5  }
0x9f: {  	[timem:s9], [sflag:s22] =	dma.local [hbm:s7], s20  }
0xa0: {  	_ =	swait.ge [sflag:s22], s20  }
0xa1: {  	s6 =	ssub.s32 $0x0, s20;
	[sflag:s22] =	ssyncset.done $0x0  }
0xa2: {  	[sflag:s22] =	ssyncadd.s32 s6;
	_ =	sdelay $0x1  }
0xa3: {  	s23 =	simm.s32 $0x1B8B  }
0xa4: {  	_ =	swait.ge [sflag:s23], $0x1  }
0xa5: {  	[sflag:s23] =	ssyncset.done $0x0  }
0xa6: {  	s25 =	simm.s32 $0x1B8E;
	s24 =	sld [smem:$0x3FFE];
	[sflag:s23] =	ssyncadd.s32 $0xFFFFFFFF  }
0xa7: {  	s26 =	simm.s32 $execute0_lowered;
	[smem:$0x3FD2] =	sst s25  }
0xa8: {  	s7 =	sshll.u32 s26, $0x1;
	_ =	strace $0x80000046;
	[dreg:$0x1] =	wrdreg $0xFFFFFFFF  }
0xa9: {  	s28 =	simm.s32 $_size_execute0_lowered;
	s5 =	sadd.s32 s5, s7;
	[dreg:$0x0] =	wrdreg $0x0  }
0xaa: {  	s7 =	sshll.u32 s28, $0x1;
	[dreg:$0x2] =	wrdreg s5  }
0xab: {  	[dreg:$0x3] =	wrdreg s7  }
0xac: {  	[dreg:$0x4] =	wrdreg $0xC0  }
0xad: {  	_ =	task [dreg:s9], $0x5FFFF  }
0xae: {  	[dreg:$0x1] =	wrdreg $0xFFFFFFFF  }
0xaf: {  	[dreg:$0x0] =	wrdreg $0x60  }
0xb0: {  	[dreg:$0x2] =	wrdreg s2  }
0xb1: {  	[dreg:$0x3] =	wrdreg s4  }
0xb2: {  	[dreg:$0x4] =	wrdreg s18  }
0xb3: {  	[dreg:$0x5] =	wrdreg s24  }
0xb4: {  	[dreg:$0x6] =	wrdreg $0x15DC00  }
0xb5: {  	[dreg:$0x7] =	wrdreg $0x9  }
0xb6: {  	_ =	task.clear_ibuf [dreg:s9], $0x8FFFF;
	_ =	strace $0x90000046  }
0xb7: {  	s29 =	simm.s32 $0x9;
	_ =	strace $0x80000048  }
0xb8: {  	_ =	swait.ge [sflag:s29], $0x1  }
0xb9: {  	[sflag:s29] =	ssyncadd.s32 $0xFFFFFFFF  }
0xba: {  	_ =	strace $0x90000048  }
0xbb: {  	_ =	sfence  }
0xbc: {  	s30 =	sld [smem:$0x0];
	_ =	sdelay $0x2  }
0xbd: {  	s31 =	sshll.u32 s1, $0xD;
	s1 =	sshrl.u32 s1, $0x2  }
0xbe: {  	s3 =	sand.u32 $0x4000, s31;
	s1 =	sadd.s32 s1, s30  }
0xbf: {  	s0 =	sor.u32 s3, s0;
	s1 =	sshll.u32 s1, $0x11  }
0xc0: {  	s0 =	sor.u32 s1, s0  }
0xc1: {  	s0 =	sadd.s32 $0x8F2B, s0  }
0xc2: {  	[sflag:s0] =	ssyncadd.remote.s32 $0x1  }
0xc3: {  	_ =	sfence.sel $0xFFFF  }
0xc4: {  	[dreg:$0x0] =	wrdreg $0xFFFFFFFF;
	(pc) =	sbr.abs _section_cstart, $3  }
0xc5: {  	[dreg:$0x1] =	wrdreg $0xFFFFFFFF  }
0xc6: {  	_ =	task.clear_ibuf [dreg:s9], $0x2FFFF;
	_ =	strace $0x9FFFFFFF  }
0xc7: {  	(tm) =	ssettm $0x7FFFFFFF  }
tec
execute0_lowered:
.L_overlay_start_1:
0x0: {  	(tag) =	ssettag $0x1  }
0x1: {  	s7 =	rddreg [dreg:$0x1];
	s23 =	stileid.u32  }
0x2: {  	s0 =	srdreg.scid;
	s1 =	smul.u32 $0x4E20, s23  }
0x3: {  	s8 =	rddreg [dreg:$0x2];
	s10 =	smul.u32 $0x280, s23  }
0x4: {  	s2 =	rddreg [dreg:$0x3];
	s0 =	sand.u32 $0x1, s0;
	s18 =	smul.u32 $0x2800, s23  }
0x5: {  	s12 =	sadd.s32 $0x1600, s2;
	s23 =	smul.u32 $0x28000, s23;
	s3 =	ssub.s32 $0x2, s0  }
0x6: {  	s13 =	sshll.u32 s0, $0x3;
	s4 =	sshrl.u32 s3, $0x1;
	s9 =	sshrl.u32 s1, $0x3  }
0x7: {  	s14 =	sor.u32 $0x40, s10;
	s15 =	sadd.s32 $0x80, s10;
	s16 =	sadd.s32 $0xC0, s10  }
0x8: {  	s5 =	sadd.s32 $0x140, s10;
	s6 =	sadd.s32 $0x180, s10;
	s0 =	sadd.s32 $0x1C0, s10  }
0x9: {  	s2 =	sadd.s32 $0x240, s10;
	s23 =	sshrl.u32 s23, $0x2;
	s3 =	ssub.s32 s3, s4  }
0xa: {  	s1 =	sadd.s32 s7, s9;
	s21 =	sadd.s32 s8, s9;
	s4 =	sadd.s32 $0x100, s10  }
0xb: {  	s22 =	sadd.s32 $0x1F4, s9;
	s24 =	sadd.s32 $0x3E8, s9;
	[dreg:$0x6] =	wrdreg s1  }
0xc: {  	s26 =	sadd.s32 $0x5DC, s9;
	[dreg:$0x7] =	wrdreg s21;
	s11 =	sadd.s32 s7, s22  }
0xd: {  	s1 =	sadd.s32 $0x200, s10;
	s10 =	sadd.s32 s8, s22;
	[dreg:$0x8] =	wrdreg s11  }
0xe: {  	s9 =	sadd.s32 $0x7D0, s9;
	s25 =	sadd.s32 s7, s24;
	[dreg:$0x9] =	wrdreg s10  }
0xf: {  	s20 =	sshll.u32 s14, $0x4;
	s17 =	sadd.s32 s7, s26;
	[dreg:$0xa] =	wrdreg s25  }
0x10: {  	s7 =	sadd.s32 s7, s9;
	s19 =	sadd.s32 s8, s9;
	[dreg:$0xc] =	wrdreg s17  }
0x11: {  	s21 =	sshll.u32 s15, $0x4;
	s22 =	sshll.u32 s16, $0x4;
	[dreg:$0xe] =	wrdreg s7  }
0x12: {  	s10 =	sadd.s32 s8, s24;
	[dreg:$0xf] =	wrdreg s19;
	s7 =	sadd.s32 s12, s18  }
0x13: {  	s9 =	sadd.s32 s12, s21;
	s24 =	sshll.u32 s4, $0x4;
	s17 =	sshll.u32 s5, $0x4  }
0x14: {  	s25 =	sshll.u32 s6, $0x4;
	s21 =	rddreg [dreg:$0x0];
	s11 =	simm.s32 $0x0  }
0x15: {  	s4 =	sshll.u32 s4, $0x6;
	s5 =	sshll.u32 s5, $0x6;
	s6 =	sshll.u32 s6, $0x6  }
0x16: {  	[dreg:$0xb] =	wrdreg s10;
	s10 =	sadd.s32 s8, s26;
	s8 =	sadd.s32 s12, s20  }
0x17: {  	s18 =	sadd.s32 s12, s24;
	s17 =	sadd.s32 s12, s17;
	s19 =	sadd.s32 s12, s25  }
0x18: {  	s26 =	sshll.u32 s0, $0x4;
	s20 =	sshll.u32 s1, $0x4;
	s24 =	sshll.u32 s2, $0x4  }
0x19: {  	[smem:$0x7FF] =	sst s11;
	s7 =	sadd.s32 s13, s7;
	s25 =	sadd.s32 s13, s9  }
0x1a: {  	[dreg:$0xd] =	wrdreg s10;
	s10 =	sadd.s32 s12, s22;
	s22 =	sadd.s32 s12, s26  }
0x1b: {  	s20 =	sadd.s32 s12, s20;
	s24 =	sadd.s32 s12, s24;
	[dreg:$0x10] =	wrdreg s7  }
0x1c: {  	s12 =	sadd.s32 s21, s13;
	s21 =	sadd.s32 s13, s8;
	[dreg:$0x12] =	wrdreg s25  }
0x1d: {  	s0 =	sshll.u32 s0, $0x6;
	s8 =	sadd.s32 s13, s18;
	[dreg:$0x11] =	wrdreg s21  }
0x1e: {  	s1 =	sshll.u32 s1, $0x6;
	s9 =	sadd.s32 s13, s17;
	[dreg:$0x14] =	wrdreg s8  }
0x1f: {  	s2 =	sshll.u32 s2, $0x6;
	s7 =	simm.s32 $0x5DC0;
	[dreg:$0x15] =	wrdreg s9  }
0x20: {  	s26 =	sadd.s32 s13, s10;
	s10 =	sadd.s32 s13, s19;
	s21 =	rddreg [dreg:$0x4]  }
0x21: {  	s17 =	sadd.s32 s13, s22;
	s18 =	sadd.s32 s13, s20;
	[dreg:$0x13] =	wrdreg s26  }
0x22: {  	s19 =	sadd.s32 s13, s24;
	s20 =	sshll.u32 s14, $0x6;
	[dreg:$0x16] =	wrdreg s10  }
0x23: {  	s22 =	sshll.u32 s15, $0x6;
	s9 =	simm.s32 $0x4;
	[dreg:$0x17] =	wrdreg s17  }
0x24: {  	s13 =	simm.s32 $0x6;
	s15 =	simm.s32 $0x1;
	[dreg:$0x18] =	wrdreg s18  }
0x25: {  	[dreg:$0x19] =	wrdreg s19;
	s10 =	sadd.s32 s23, s21;
	s23 =	sshll.u32 s16, $0x6  }
0x26: {  	s14 =	sadd.s32 s20, s21;
	s8 =	sadd.s32 s22, s21;
	s24 =	sadd.s32 s1, s21  }
0x27: {  	s25 =	sadd.s32 s2, s21;
	_ =	strace $0x80000047;
	[smem:$0x7F9] =	sst s24  }
0x28: {  	s28 =	sadd.s32 s4, s21;
	s26 =	smax.u32 s3, $0x1;
	[smem:$0x7FA] =	sst s25  }
0x29: {  	s29 =	sadd.s32 s5, s21;
	s30 =	sadd.s32 s6, s21;
	[smem:$0x7FB] =	sst s26  }
0x2a: {  	s31 =	sadd.s32 s0, s21;
	s4 =	simm.s32 $0x9;
	[dreg:$0x1a] =	wrdreg s10  }
0x2b: {  	s6 =	simm.s32 $0xA0;
	s3 =	simm.s32 $0x85C0;
	[dreg:$0x1b] =	wrdreg s14  }
0x2c: {  	s17 =	simm.s32 $0xADC0;
	s2 =	simm.s32 $0xD5C0;
	[dreg:$0x1c] =	wrdreg s8  }
0x2d: {  	s16 =	simm.s32 $0xFDC0;
	s18 =	simm.s32 $0x14DC0;
	[dreg:$0x1e] =	wrdreg s28  }
0x2e: {  	s19 =	simm.s32 $0x7;
	s22 =	simm.s32 $0x5;
	[dreg:$0x1f] =	wrdreg s29  }
0x2f: {  	s5 =	simm.s32 $0x2;
	s20 =	sadd.s32 s23, s21;
	[smem:$0x7FC] =	sst s30  }
0x30: {  	s23 =	simm.s32 $0x8;
	s24 =	simm.s32 $0x3;
	[smem:$0x7FD] =	sst s31  }
0x31: {  	v0 =	vimm.f32 $0.0e+00;
	s25 =	simm.s32 $0x10;
	s26 =	simm.s32 $0x0;
	[dreg:$0x1d] =	wrdreg s20  }
.LBB2_1:
0x32: {  	s0 =	rddreg [dreg:$0x6]  }
0x33: {  	[tilespmem:s11], [sflag:$0x9] =	stream.linear.gather [hbm4b:s0+s11], $0xFA0, $0x38;
	[tilespmem:$0x1FDC0] =	vst v63  }
0x34: {  	_ =	swait.ge [sflag:s4], $0xFA0  }
0x35: {  	[sflag:s4] =	ssyncset.done $0x0  }
0x36: {  	s1 =	simm.s32 $0x2EE0;
	s0 =	rddreg [dreg:$0x7];
	[sflag:s4] =	ssyncadd.s32 $0xFFFFF060  }
0x37: {  	[tilespmem:s1], [sflag:$0x9] =	stream.linear.gather [hbm4b:s0+s11], $0xFA0, $0x38;
	[tilespmem:$0x1FDC0] =	vst v63  }
0x38: {  	_ =	swait.ge [sflag:s4], $0xFA0  }
0x39: {  	[sflag:s4] =	ssyncset.done $0x0  }
0x3a: {  	[sflag:s4] =	ssyncadd.s32 $0xFFFFF060  }
0x3b: {  	[tilespmem:s7], [sflag:$0x1] =	stream.indirect.gather [hbm4b:s12+s6], $0x40, s11, s6, $0xb8;
	[tilespmem:$0x1FDC0] =	vst v63  }
0x3c: {  	_ = 	snop  }
0x3d: {  	[tilespmem:s3], [sflag:$0x2] =	stream.indirect.gather [hbm4b:s12+s6], $0x40, s6, s6, $0xb8;
	[tilespmem:$0x1FDC0] =	vst v63  }
0x3e: {  	s1 =	simm.s32 $0x140  }
0x3f: {  	[tilespmem:s17], [sflag:$0x3] =	stream.indirect.gather [hbm4b:s12+s6], $0x40, s1, s6, $0xb8;
	[tilespmem:$0x1FDC0] =	vst v63  }
0x40: {  	s1 =	simm.s32 $0x1E0  }
0x41: {  	[tilespmem:s2], [sflag:$0x4] =	stream.indirect.gather [hbm4b:s12+s6], $0x40, s1, s6, $0xb8;
	[tilespmem:$0x1FDC0] =	vst v63  }
0x42: {  	s17 =	simm.s32 $0x280;
	s1 =	sand.u32 $0x3F00, s11  }
0x43: {  	[tilespmem:s16], [sflag:$0x5] =	stream.indirect.gather [hbm4b:s12+s6], $0x40, s17, s6, $0xb8;
	[tilespmem:$0x1FDC0] =	vst v63  }
0x44: {  	s2 =	sand.u32 $0x30, s11;
	s17 =	sshrl.u32 s1, $0x2  }
0x45: {  	s0 =	simm.s32 $0x40;
	s1 =	simm.s32 $0x0;
	s2 =	sor.u32 s2, s17  }
.LBB2_2:
0x46: {  	p0 =	sne.s32 s0, $0x3FC0  }
0x47: {  	[tilespmem:s2+$0x14DC0] =	vst v0;
	s1 =	sadd.s32 $0x10, s1;
	s2 =	smov.u32 s0;
	s0 =	sadd.s32 $0x40, s0  }
.Ltmp0:
0x48: {  	(pc) =	sbr.rel @p0 .LBB2_2-.Ltmp0, $4  }
0x49: {  	_ = 	snop  }
0x4a: {  	s2 =	sand.u32 $0x3F00, s2  }
0x4b: {  	s17 =	sand.u32 $0x30, s1;
	s2 =	sshrl.u32 s2, $0x2  }
0x4c: {  	s2 =	sor.u32 s17, s2  }
0x4d: {  	[tilespmem:s2+$0x14DC0] =	vst v0  }
0x4e: {  	[spmem:s10] =	stream.linear.scatter [tilespmem:s18], [sflag:$0x7], $0x1000, $0x38;
	[tilespmem:$0x1FDC0] =	vst v63  }
0x4f: {  	_ = 	snop  }
0x50: {  	[spmem:s14] =	stream.linear.scatter [tilespmem:s18], [sflag:$0x7], $0x1000, $0x38;
	[tilespmem:$0x1FDC0] =	vst v63  }
0x51: {  	_ = 	snop  }
0x52: {  	[spmem:s8] =	stream.linear.scatter [tilespmem:s18], [sflag:$0x7], $0x1000, $0x38;
	[tilespmem:$0x1FDC0] =	vst v63  }
0x53: {  	_ = 	snop  }
0x54: {  	[spmem:s20] =	stream.linear.scatter [tilespmem:s18], [sflag:$0x7], $0x1000, $0x38;
	[tilespmem:$0x1FDC0] =	vst v63  }
0x55: {  	_ = 	snop  }
0x56: {  	[spmem:s28] =	stream.linear.scatter [tilespmem:s18], [sflag:$0x7], $0x1000, $0x38;
	[tilespmem:$0x1FDC0] =	vst v63  }
0x57: {  	_ = 	snop  }
0x58: {  	[spmem:s29] =	stream.linear.scatter [tilespmem:s18], [sflag:$0x7], $0x1000, $0x38;
	[tilespmem:$0x1FDC0] =	vst v63  }
0x59: {  	_ = 	snop  }
0x5a: {  	[spmem:s30] =	stream.linear.scatter [tilespmem:s18], [sflag:$0x7], $0x1000, $0x38;
	[tilespmem:$0x1FDC0] =	vst v63  }
0x5b: {  	s0 =	sld [smem:$0x7F9]  }
0x5c: {  	[spmem:s31] =	stream.linear.scatter [tilespmem:s18], [sflag:$0x7], $0x1000, $0x38;
	[tilespmem:$0x1FDC0] =	vst v63  }
0x5d: {  	s1 =	sld [smem:$0x7FA]  }
0x5e: {  	[spmem:s0] =	stream.linear.scatter [tilespmem:s18], [sflag:$0x7], $0x1000, $0x38;
	[tilespmem:$0x1FDC0] =	vst v63  }
0x5f: {  	_ = 	snop  }
0x60: {  	[spmem:s1] =	stream.linear.scatter [tilespmem:s18], [sflag:$0x7], $0x1000, $0x38;
	[tilespmem:$0x1FDC0] =	vst v63  }
0x61: {  	_ =	swait.ge [sflag:s19], $0x1000  }
0x62: {  	[sflag:s19] =	ssyncset.done $0x0  }
0x63: {  	[sflag:s19] =	ssyncadd.s32 $0xFFFFF000  }
0x64: {  	_ =	swait.ge [sflag:s19], $0x1000  }
0x65: {  	[sflag:s19] =	ssyncset.done $0x0  }
0x66: {  	[sflag:s19] =	ssyncadd.s32 $0xFFFFF000  }
0x67: {  	_ =	swait.ge [sflag:s19], $0x1000  }
0x68: {  	[sflag:s19] =	ssyncset.done $0x0  }
0x69: {  	[sflag:s19] =	ssyncadd.s32 $0xFFFFF000  }
0x6a: {  	_ =	swait.ge [sflag:s19], $0x1000  }
0x6b: {  	[sflag:s19] =	ssyncset.done $0x0  }
0x6c: {  	[sflag:s19] =	ssyncadd.s32 $0xFFFFF000  }
0x6d: {  	_ =	swait.ge [sflag:s19], $0x1000  }
0x6e: {  	[sflag:s19] =	ssyncset.done $0x0  }
0x6f: {  	[sflag:s19] =	ssyncadd.s32 $0xFFFFF000  }
0x70: {  	_ =	swait.ge [sflag:s19], $0x1000  }
0x71: {  	[sflag:s19] =	ssyncset.done $0x0  }
0x72: {  	[sflag:s19] =	ssyncadd.s32 $0xFFFFF000  }
0x73: {  	_ =	swait.ge [sflag:s19], $0x1000  }
0x74: {  	[sflag:s19] =	ssyncset.done $0x0  }
0x75: {  	[sflag:s19] =	ssyncadd.s32 $0xFFFFF000  }
0x76: {  	_ =	swait.ge [sflag:s19], $0x1000  }
0x77: {  	[sflag:s19] =	ssyncset.done $0x0  }
0x78: {  	s2 =	simm.s32 $0x5;
	[sflag:s19] =	ssyncadd.s32 $0xFFFFF000  }
0x79: {  	s0 =	smul.u32 $0xAB, s2;
	_ =	swait.ge [sflag:s19], $0x1000  }
0x7a: {  	[sflag:s19] =	ssyncset.done $0x0  }
0x7b: {  	s10 =	sshrl.u32 s0, $0xA;
	s0 =	sadd.s32 $0xFFFFFCA9, s0;
	[sflag:s19] =	ssyncadd.s32 $0xFFFFF000  }
0x7c: {  	s0 =	sshrl.u32 s0, $0xA;
	_ =	swait.ge [sflag:s19], $0x1000  }
0x7d: {  	s0 =	sand.u32 $0x3F, s0;
	[sflag:s19] =	ssyncset.done $0x0  }
0x7e: {  	s17 =	simm.s32 $0x3E80;
	s0 =	smul.u32 $0x6, s0;
	[sflag:s19] =	ssyncadd.s32 $0xFFFFF000  }
0x7f: {  	s8 =	simm.s32 $0xFA0;
	s28 =	simm.s32 $0x2EE0;
	[bflag:$0x0] =	sbarrier.arrive $0xFFFF  }
0x80: {  	s29 =	simm.s32 $0x6;
	s0 =	ssub.s32 $0x5, s0;
	s1 =	rddreg [dreg:$0x8]  }
0x81: {  	[tilespmem:s8], [sflag:$0x7] =	stream.linear.gather [hbm4b:s1+s11], $0xFA0, $0x38;
	[tilespmem:$0x1FDC0] =	vst v63  }
0x82: {  	s31 =	simm.s32 $0x320;
	s0 =	sadd.s32 $0xFFFFFFFB, s0;
	s1 =	sand.u32 $0x3F, s10  }
0x83: {  	s0 =	sand.u32 $0xFF, s0;
	s14 =	rddreg [dreg:$0x9];
	s1 =	smul.u32 $0x6, s1  }
0x84: {  	[tilespmem:s17], [sflag:$0x8] =	stream.linear.gather [hbm4b:s14+s11], $0xFA0, $0x38;
	[tilespmem:$0x1FDC0] =	vst v63  }
0x85: {  	s30 =	smul.u32 $0xA000, s0;
	s8 =	sadd.s32 $0x1, s0;
	s1 =	ssub.s32 $0x5, s1  }
0x86: {  	_ =	swait.ge [sflag:s8], $0x2800;
	s20 =	sand.u32 $0xFF, s1;
	s1 =	simm.s32 $0x7  }
0x87: {  	[sflag:s8] =	ssyncset.done $0x0;
	s10 =	smul.u32 $0xA000, s20;
	s17 =	sadd.s32 $0x1, s20  }
0x88: {  	s20 =	sshrl.u32 s30, $0x2;
	[sflag:s8] =	ssyncadd.s32 $0xFFFFD800;
	s30 =	simm.s32 $0x3C0  }
0x89: {  	s2 =	sadd.s32 $0x5DC0, s20;
	s14 =	sshrl.u32 s10, $0x2;
	s10 =	smul.u32 $0xAB, s29  }
0x8a: {  	[spmem:s21] =	stream.indirect.scatter.add.f32 [tilespmem:s2], [sflag:$0x9], $0x40, s28, s6, $0xb8;
	[tilespmem:$0x1FDC0] =	vst v63  }
0x8b: {  	s0 =	sadd.s32 $0x5DC0, s14;
	_ =	swait.ge [sflag:s4], $0x2800;
	s14 =	sshrl.u32 s10, $0xA  }
0x8c: {  	s20 =	sadd.s32 $0xFFFFFCA9, s10;
	[sflag:s4] =	ssyncset.done $0x0;
	s2 =	sand.u32 $0x3F, s14  }
0x8d: {  	s20 =	sshrl.u32 s20, $0xA;
	[sflag:s4] =	ssyncadd.s32 $0xFFFFD800;
	s2 =	smul.u32 $0x6, s2  }
.LBB2_4:
0x8e: {  	s8 =	sand.u32 $0x3F, s20  }
0x8f: {  	s28 =	sadd.s32 $0xA0, s28;
	s20 =	smov.u32 s1;
	s10 =	sadd.s32 $0x1, s1  }
0x90: {  	p0 =	sne.s32 s1, $0x18;
	s1 =	smul.u32 $0x6, s8;
	s2 =	ssub.s32 s29, s2  }
0x91: {  	[tilespmem:s0], [sflag:s17] =	stream.indirect.gather [hbm4b:s12+s6], $0x40, s31, s6, $0xb8;
	[tilespmem:$0x1FDC0] =	vst v63  }
0x92: {  	s0 =	ssub.s32 s29, s1;
	s1 =	sand.u32 $0xFF, s2;
	s29 =	smov.u32 s20  }
0x93: {  	s0 =	sadd.s32 $0xFFFFFFFB, s0;
	s2 =	smul.u32 $0xA000, s1;
	s17 =	sadd.s32 $0x1, s1  }
0x94: {  	s31 =	smov.u32 s30;
	s0 =	sand.u32 $0xFF, s0  }
0x95: {  	s1 =	smul.u32 $0xA000, s0;
	s8 =	sadd.s32 $0x1, s0;
	s0 =	sshrl.u32 s2, $0x2  }
0x96: {  	s30 =	sadd.s32 $0xA0, s30;
	_ =	swait.ge [sflag:s8], $0x2800;
	s0 =	sadd.s32 $0x5DC0, s0  }
0x97: {  	s2 =	smul.u32 $0xAB, s29;
	s1 =	sshrl.u32 s1, $0x2;
	[sflag:s8] =	ssyncset.done $0x0  }
.Ltmp1:
0x98: {  	s1 =	sadd.s32 $0x5DC0, s1;
	[sflag:s8] =	ssyncadd.s32 $0xFFFFD800;
	(pc) =	sbr.rel @p0 .LBB2_4-.Ltmp1, $4  }
0x99: {  	[spmem:s21] =	stream.indirect.scatter.add.f32 [tilespmem:s1], [sflag:$0x9], $0x40, s28, s6, $0xb8;
	[tilespmem:$0x1FDC0] =	vst v63  }
0x9a: {  	s1 =	sshrl.u32 s2, $0xA;
	s2 =	sadd.s32 $0xFFFFFCA9, s2;
	_ =	swait.ge [sflag:s4], $0x2800  }
0x9b: {  	s1 =	sand.u32 $0x3F, s1;
	s20 =	sshrl.u32 s2, $0xA;
	[sflag:s4] =	ssyncset.done $0x0  }
0x9c: {  	s2 =	smul.u32 $0x6, s1;
	s1 =	smov.u32 s10;
	[sflag:s4] =	ssyncadd.s32 $0xFFFFD800  }
0x9d: {  	s1 =	sand.u32 $0x3F, s20  }
0x9e: {  	s1 =	smul.u32 $0x6, s1  }
0x9f: {  	[tilespmem:s0], [sflag:s17] =	stream.indirect.gather [hbm4b:s12+s6], $0x40, s31, s6, $0xb8;
	[tilespmem:$0x1FDC0] =	vst v63  }
0xa0: {  	s20 =	ssub.s32 s29, s1  }
0xa1: {  	s0 =	sadd.s32 $0xFFFFFFFB, s20  }
0xa2: {  	s0 =	sand.u32 $0xFF, s0  }
0xa3: {  	s31 =	smul.u32 $0xA000, s0;
	s0 =	sadd.s32 $0x1, s0  }
0xa4: {  	s8 =	sadd.s32 $0xA0, s28;
	s2 =	ssub.s32 s29, s2;
	_ =	swait.ge [sflag:s0], $0x2800  }
0xa5: {  	s2 =	sand.u32 $0xFF, s2;
	s1 =	sshrl.u32 s31, $0x2;
	[sflag:s0] =	ssyncset.done $0x0  }
0xa6: {  	s10 =	smul.u32 $0xA000, s2;
	s1 =	sadd.s32 $0x5DC0, s1;
	[sflag:s0] =	ssyncadd.s32 $0xFFFFD800  }
0xa7: {  	[spmem:s21] =	stream.indirect.scatter.add.f32 [tilespmem:s1], [sflag:$0x9], $0x40, s8, s6, $0xb8;
	[tilespmem:$0x1FDC0] =	vst v63  }
0xa8: {  	_ =	swait.ge [sflag:s4], $0x2800  }
0xa9: {  	s8 =	sshrl.u32 s10, $0x2;
	[sflag:s4] =	ssyncset.done $0x0  }
0xaa: {  	s10 =	sadd.s32 $0x1, s2;
	s0 =	sadd.s32 $0x5DC0, s8;
	[sflag:s4] =	ssyncadd.s32 $0xFFFFD800  }
0xab: {  	[tilespmem:s0], [sflag:s10] =	stream.indirect.gather [hbm4b:s12+s6], $0x40, s30, s6, $0xb8;
	[tilespmem:$0x1FDC0] =	vst v63  }
0xac: {  	_ =	swait.ge [sflag:s19], $0xFA0  }
0xad: {  	[sflag:s19] =	ssyncset.done $0x0  }
0xae: {  	[sflag:s19] =	ssyncadd.s32 $0xFFFFF060  }
0xaf: {  	_ =	swait.ge [sflag:s23], $0xFA0  }
0xb0: {  	[sflag:s23] =	ssyncset.done $0x0  }
0xb1: {  	[sflag:s23] =	ssyncadd.s32 $0xFFFFF060  }
0xb2: {  	_ =	swait.ge [sflag:s24], $0x2800  }
0xb3: {  	[sflag:s24] =	ssyncset.done $0x0  }
0xb4: {  	s14 =	simm.s32 $0xADC0;
	s17 =	simm.s32 $0x3B60;
	[sflag:s24] =	ssyncadd.s32 $0xFFFFD800  }
0xb5: {  	[spmem:s21] =	stream.indirect.scatter.add.f32 [tilespmem:s14], [sflag:$0x9], $0x40, s17, s6, $0xb8;
	[tilespmem:$0x1FDC0] =	vst v63  }
0xb6: {  	_ =	swait.ge [sflag:s4], $0x2800  }
0xb7: {  	[sflag:s4] =	ssyncset.done $0x0  }
0xb8: {  	s20 =	simm.s32 $0xFA0;
	[sflag:s4] =	ssyncadd.s32 $0xFFFFD800  }
0xb9: {  	[tilespmem:s3], [sflag:$0x2] =	stream.indirect.gather [hbm4b:s12+s6], $0x40, s20, s6, $0xb8;
	[tilespmem:$0x1FDC0] =	vst v63  }
0xba: {  	_ =	swait.ge [sflag:s9], $0x2800  }
0xbb: {  	[sflag:s9] =	ssyncset.done $0x0  }
0xbc: {  	s31 =	simm.s32 $0xD5C0;
	s8 =	simm.s32 $0x3C00;
	[sflag:s9] =	ssyncadd.s32 $0xFFFFD800  }
0xbd: {  	[spmem:s21] =	stream.indirect.scatter.add.f32 [tilespmem:s31], [sflag:$0x9], $0x40, s8, s6, $0xb8;
	[tilespmem:$0x1FDC0] =	vst v63  }
0xbe: {  	_ =	swait.ge [sflag:s4], $0x2800  }
0xbf: {  	[sflag:s4] =	ssyncset.done $0x0  }
0xc0: {  	s10 =	simm.s32 $0x1040;
	[sflag:s4] =	ssyncadd.s32 $0xFFFFD800  }
0xc1: {  	[tilespmem:s14], [sflag:$0x3] =	stream.indirect.gather [hbm4b:s12+s6], $0x40, s10, s6, $0xb8;
	[tilespmem:$0x1FDC0] =	vst v63  }
0xc2: {  	_ =	swait.ge [sflag:s22], $0x2800  }
0xc3: {  	[sflag:s22] =	ssyncset.done $0x0  }
0xc4: {  	s14 =	simm.s32 $0x3CA0;
	[sflag:s22] =	ssyncadd.s32 $0xFFFFD800  }
0xc5: {  	[spmem:s21] =	stream.indirect.scatter.add.f32 [tilespmem:s16], [sflag:$0x9], $0x40, s14, s6, $0xb8;
	[tilespmem:$0x1FDC0] =	vst v63  }
0xc6: {  	_ =	swait.ge [sflag:s4], $0x2800  }
0xc7: {  	[sflag:s4] =	ssyncset.done $0x0  }
0xc8: {  	s17 =	simm.s32 $0x10E0;
	[sflag:s4] =	ssyncadd.s32 $0xFFFFD800  }
0xc9: {  	[tilespmem:s31], [sflag:$0x4] =	stream.indirect.gather [hbm4b:s12+s6], $0x40, s17, s6, $0xb8;
	[tilespmem:$0x1FDC0] =	vst v63  }
0xca: {  	s28 =	simm.s32 $0x12C0;
	_ =	swait.ge [sflag:s13], $0x2800  }
0xcb: {  	s29 =	simm.s32 $0x3F20;
	s2 =	simm.s32 $0x6;
	[sflag:s13] =	ssyncset.done $0x0  }
0xcc: {  	s20 =	simm.s32 $0x3D40;
	s31 =	simm.s32 $0x125C0;
	[sflag:s13] =	ssyncadd.s32 $0xFFFFD800  }
0xcd: {  	[spmem:s21] =	stream.indirect.scatter.add.f32 [tilespmem:s31], [sflag:$0x9], $0x40, s20, s6, $0xb8;
	[tilespmem:$0x1FDC0] =	vst v63  }
0xce: {  	s1 =	sand.u32 $0xFF, s2;
	s10 =	simm.s32 $0x1;
	_ =	swait.ge [sflag:s4], $0x2800  }
0xcf: {  	s1 =	smul.u32 $0xAB, s1;
	s0 =	sand.u32 $0xFF, s10;
	[sflag:s4] =	ssyncset.done $0x0  }
0xd0: {  	s8 =	simm.s32 $0x1180;
	s0 =	smul.u32 $0xAB, s0;
	[sflag:s4] =	ssyncadd.s32 $0xFFFFD800  }
0xd1: {  	[tilespmem:s16], [sflag:$0x5] =	stream.indirect.gather [hbm4b:s12+s6], $0x40, s8, s6, $0xb8;
	[tilespmem:$0x1FDC0] =	vst v63  }
0xd2: {  	s2 =	simm.s32 $0x3;
	s1 =	sshrl.u32 s1, $0xA;
	_ =	swait.ge [sflag:s10], $0x2800  }
0xd3: {  	s1 =	smul.u32 $0x6, s1;
	s0 =	sshrl.u32 s0, $0xA;
	[sflag:s10] =	ssyncset.done $0x0  }
0xd4: {  	s14 =	simm.s32 $0x3DE0;
	s0 =	smul.u32 $0x6, s0;
	[sflag:s10] =	ssyncadd.s32 $0xFFFFD800  }
0xd5: {  	[spmem:s21] =	stream.indirect.scatter.add.f32 [tilespmem:s7], [sflag:$0x9], $0x40, s14, s6, $0xb8;
	[tilespmem:$0x1FDC0] =	vst v63  }
0xd6: {  	s30 =	simm.s32 $0x2;
	s1 =	ssub.s32 $0x6, s1;
	_ =	swait.ge [sflag:s4], $0x2800  }
0xd7: {  	s0 =	ssub.s32 $0x1, s0;
	s17 =	simm.s32 $0x1220;
	[sflag:s4] =	ssyncset.done $0x0  }
0xd8: {  	s0 =	sand.u32 $0xFF, s0;
	s10 =	simm.s32 $0x4E20;
	[sflag:s4] =	ssyncadd.s32 $0xFFFFD800  }
0xd9: {  	[tilespmem:s31], [sflag:$0x6] =	stream.indirect.gather [hbm4b:s12+s6], $0x40, s17, s6, $0xb8;
	[tilespmem:$0x1FDC0] =	vst v63  }
0xda: {  	s14 =	simm.s32 $0x3E80;
	s20 =	rddreg [dreg:$0xa];
	s31 =	simm.s32 $0x1F40  }
0xdb: {  	[tilespmem:s31], [sflag:$0x7] =	stream.linear.gather [hbm4b:s20+s11], $0xFA0, $0x38;
	[tilespmem:$0x1FDC0] =	vst v63  }
0xdc: {  	s8 =	rddreg [dreg:$0xb];
	s17 =	sadd.s32 $0x1, s0;
	s0 =	smul.u32 $0xA000, s0  }
0xdd: {  	[tilespmem:s10], [sflag:$0x8] =	stream.linear.gather [hbm4b:s8+s11], $0xFA0, $0x38;
	[tilespmem:$0x1FDC0] =	vst v63  }
0xde: {  	s20 =	sand.u32 $0xFF, s30;
	s31 =	sand.u32 $0xFF, s1;
	_ =	swait.ge [sflag:s17], $0x2800  }
0xdf: {  	s0 =	sshrl.u32 s0, $0x2;
	s1 =	smul.u32 $0xA000, s31;
	[sflag:s17] =	ssyncset.done $0x0  }
0xe0: {  	s0 =	sadd.s32 $0x5DC0, s0;
	s20 =	smul.u32 $0xAB, s20;
	[sflag:s17] =	ssyncadd.s32 $0xFFFFD800  }
0xe1: {  	[spmem:s21] =	stream.indirect.scatter.add.f32 [tilespmem:s0], [sflag:$0x9], $0x40, s14, s6, $0xb8;
	[tilespmem:$0x1FDC0] =	vst v63  }
0xe2: {  	s17 =	simm.s32 $0x12C0;
	s0 =	sadd.s32 $0x1, s31;
	_ =	swait.ge [sflag:s4], $0x2800  }
.LBB2_6:
0xe3: {  	s1 =	sshrl.u32 s1, $0x2;
	s28 =	sadd.s32 $0xA0, s28  }
0xe4: {  	s8 =	smov.u32 s2;
	s10 =	sadd.s32 $0x1, s2;
	s31 =	smov.u32 s29  }
0xe5: {  	s14 =	sadd.s32 $0x5, s30;
	s20 =	sshrl.u32 s20, $0xA;
	s1 =	sadd.s32 $0x5DC0, s1  }
0xe6: {  	p0 =	sne.s32 s2, $0x14;
	s2 =	smul.u32 $0x6, s20;
	s20 =	sand.u32 $0xFF, s14  }
0xe7: {  	s20 =	smul.u32 $0xAB, s20  }
0xe8: {  	s2 =	ssub.s32 s30, s2;
	s30 =	smov.u32 s8  }
0xe9: {  	s2 =	sand.u32 $0xFF, s2;
	s8 =	sshrl.u32 s20, $0xA;
	[sflag:s4] =	ssyncset.done $0x0  }
0xea: {  	s8 =	smul.u32 $0x6, s8;
	s20 =	sadd.s32 $0x1, s2;
	[sflag:s4] =	ssyncadd.s32 $0xFFFFD800  }
0xeb: {  	[tilespmem:s1], [sflag:s0] =	stream.indirect.gather [hbm4b:s12+s6], $0x40, s17, s6, $0xb8;
	[tilespmem:$0x1FDC0] =	vst v63  }
0xec: {  	s29 =	sadd.s32 $0xA0, s29;
	s0 =	smul.u32 $0xA000, s2  }
0xed: {  	s17 =	smov.u32 s28;
	s2 =	sand.u32 $0xFF, s30;
	s1 =	ssub.s32 s14, s8  }
.Ltmp2:
0xee: {  	_ =	swait.ge [sflag:s20], $0x2800;
	s8 =	sand.u32 $0xFF, s1;
	(pc) =	sbr.rel @p0 .LBB2_6-.Ltmp2, $4  }
0xef: {  	s0 =	sshrl.u32 s0, $0x2;
	[sflag:s20] =	ssyncset.done $0x0;
	s1 =	smul.u32 $0xA000, s8  }
0xf0: {  	s0 =	sadd.s32 $0x5DC0, s0;
	[sflag:s20] =	ssyncadd.s32 $0xFFFFD800;
	s20 =	smul.u32 $0xAB, s2  }
0xf1: {  	[spmem:s21] =	stream.indirect.scatter.add.f32 [tilespmem:s0], [sflag:$0x9], $0x40, s31, s6, $0xb8;
	[tilespmem:$0x1FDC0] =	vst v63  }
0xf2: {  	s2 =	smov.u32 s10;
	s0 =	sadd.s32 $0x1, s8;
	_ =	swait.ge [sflag:s4], $0x2800  }
0xf3: {  	s2 =	sshrl.u32 s20, $0xA;
	s8 =	sadd.s32 $0x5, s30;
	s1 =	sshrl.u32 s1, $0x2  }
0xf4: {  	[sflag:s4] =	ssyncset.done $0x0;
	s2 =	smul.u32 $0x6, s2;
	s10 =	sand.u32 $0xFF, s8  }
0xf5: {  	s1 =	sadd.s32 $0x5DC0, s1;
	[sflag:s4] =	ssyncadd.s32 $0xFFFFD800;
	s10 =	smul.u32 $0xAB, s10  }
0xf6: {  	[tilespmem:s1], [sflag:s0] =	stream.indirect.gather [hbm4b:s12+s6], $0x40, s17, s6, $0xb8;
	[tilespmem:$0x1FDC0] =	vst v63  }
0xf7: {  	s2 =	ssub.s32 s30, s2;
	s10 =	sshrl.u32 s10, $0xA  }
0xf8: {  	s2 =	sand.u32 $0xFF, s2;
	s10 =	smul.u32 $0x6, s10  }
0xf9: {  	s11 =	sadd.s32 $0x1, s2;
	s14 =	smul.u32 $0xA000, s2  }
0xfa: {  	_ =	swait.ge [sflag:s11], $0x2800;
	s17 =	ssub.s32 s8, s10  }
0xfb: {  	s1 =	sshrl.u32 s14, $0x2;
	[sflag:s11] =	ssyncset.done $0x0;
	s2 =	sand.u32 $0xFF, s17  }
0xfc: {  	s1 =	sadd.s32 $0x5DC0, s1;
	[sflag:s11] =	ssyncadd.s32 $0xFFFFD800;
	s20 =	smul.u32 $0xA000, s2  }
0xfd: {  	[spmem:s21] =	stream.indirect.scatter.add.f32 [tilespmem:s1], [sflag:$0x9], $0x40, s29, s6, $0xb8;
	[tilespmem:$0x1FDC0] =	vst v63  }
0xfe: {  	_ =	swait.ge [sflag:s4], $0x2800  }
0xff: {  	s8 =	sadd.s32 $0xA0, s28;
	s0 =	sshrl.u32 s20, $0x2;
	[sflag:s4] =	ssyncset.done $0x0  }
0x100: {  	s2 =	sadd.s32 $0x1, s2;
	s0 =	sadd.s32 $0x5DC0, s0;
	[sflag:s4] =	ssyncadd.s32 $0xFFFFD800  }
0x101: {  	[tilespmem:s0], [sflag:s2] =	stream.indirect.gather [hbm4b:s12+s6], $0x40, s8, s6, $0xb8;
	[tilespmem:$0x1FDC0] =	vst v63  }
0x102: {  	_ =	swait.ge [sflag:s19], $0xFA0  }
0x103: {  	[sflag:s19] =	ssyncset.done $0x0  }
0x104: {  	[sflag:s19] =	ssyncadd.s32 $0xFFFFF060  }
0x105: {  	_ =	swait.ge [sflag:s23], $0xFA0  }
0x106: {  	[sflag:s23] =	ssyncset.done $0x0  }
0x107: {  	[sflag:s23] =	ssyncadd.s32 $0xFFFFF060  }
0x108: {  	_ =	swait.ge [sflag:s9], $0x2800  }
0x109: {  	[sflag:s9] =	ssyncset.done $0x0  }
0x10a: {  	s10 =	simm.s32 $0xD5C0;
	s11 =	simm.s32 $0x4B00;
	[sflag:s9] =	ssyncadd.s32 $0xFFFFD800  }
0x10b: {  	[spmem:s21] =	stream.indirect.scatter.add.f32 [tilespmem:s10], [sflag:$0x9], $0x40, s11, s6, $0xb8;
	[tilespmem:$0x1FDC0] =	vst v63  }
0x10c: {  	_ =	swait.ge [sflag:s4], $0x2800  }
0x10d: {  	[sflag:s4] =	ssyncset.done $0x0  }
0x10e: {  	s14 =	simm.s32 $0xADC0;
	s17 =	simm.s32 $0x1F40;
	[sflag:s4] =	ssyncadd.s32 $0xFFFFD800  }
0x10f: {  	[tilespmem:s14], [sflag:$0x3] =	stream.indirect.gather [hbm4b:s12+s6], $0x40, s17, s6, $0xb8;
	[tilespmem:$0x1FDC0] =	vst v63  }
0x110: {  	_ =	swait.ge [sflag:s22], $0x2800  }
0x111: {  	[sflag:s22] =	ssyncset.done $0x0  }
0x112: {  	s20 =	simm.s32 $0x4BA0;
	[sflag:s22] =	ssyncadd.s32 $0xFFFFD800  }
0x113: {  	[spmem:s21] =	stream.indirect.scatter.add.f32 [tilespmem:s16], [sflag:$0x9], $0x40, s20, s6, $0xb8;
	[tilespmem:$0x1FDC0] =	vst v63  }
0x114: {  	_ =	swait.ge [sflag:s4], $0x2800  }
0x115: {  	[sflag:s4] =	ssyncset.done $0x0  }
0x116: {  	s2 =	simm.s32 $0x1FE0;
	[sflag:s4] =	ssyncadd.s32 $0xFFFFD800  }
0x117: {  	[tilespmem:s10], [sflag:$0x4] =	stream.indirect.gather [hbm4b:s12+s6], $0x40, s2, s6, $0xb8;
	[tilespmem:$0x1FDC0] =	vst v63  }
0x118: {  	_ =	swait.ge [sflag:s13], $0x2800  }
0x119: {  	[sflag:s13] =	ssyncset.done $0x0  }
0x11a: {  	s8 =	simm.s32 $0x125C0;
	s10 =	simm.s32 $0x4C40;
	[sflag:s13] =	ssyncadd.s32 $0xFFFFD800  }
0x11b: {  	[spmem:s21] =	stream.indirect.scatter.add.f32 [tilespmem:s8], [sflag:$0x9], $0x40, s10, s6, $0xb8;
	[tilespmem:$0x1FDC0] =	vst v63  }
0x11c: {  	_ =	swait.ge [sflag:s4], $0x2800  }
0x11d: {  	[sflag:s4] =	ssyncset.done $0x0  }
0x11e: {  	s11 =	simm.s32 $0x2080;
	[sflag:s4] =	ssyncadd.s32 $0xFFFFD800  }
0x11f: {  	[tilespmem:s16], [sflag:$0x5] =	stream.indirect.gather [hbm4b:s12+s6], $0x40, s11, s6, $0xb8;
	[tilespmem:$0x1FDC0] =	vst v63  }
0x120: {  	_ =	swait.ge [sflag:s15], $0x2800  }
0x121: {  	[sflag:s15] =	ssyncset.done $0x0  }
0x122: {  	s14 =	simm.s32 $0x4CE0;
	[sflag:s15] =	ssyncadd.s32 $0xFFFFD800  }
0x123: {  	[spmem:s21] =	stream.indirect.scatter.add.f32 [tilespmem:s7], [sflag:$0x9], $0x40, s14, s6, $0xb8;
	[tilespmem:$0x1FDC0] =	vst v63  }
0x124: {  	s2 =	simm.s32 $0x2;
	_ =	swait.ge [sflag:s4], $0x2800  }
0x125: {  	s0 =	sand.u32 $0xFF, s2;
	[sflag:s4] =	ssyncset.done $0x0  }
0x126: {  	s17 =	simm.s32 $0x2120;
	s0 =	smul.u32 $0xAB, s0;
	[sflag:s4] =	ssyncadd.s32 $0xFFFFD800  }
0x127: {  	[tilespmem:s8], [sflag:$0x6] =	stream.indirect.gather [hbm4b:s12+s6], $0x40, s17, s6, $0xb8;
	[tilespmem:$0x1FDC0] =	vst v63  }
0x128: {  	_ =	swait.ge [sflag:s5], $0x2800  }
0x129: {  	s31 =	simm.s32 $0x3;
	s0 =	sshrl.u32 s0, $0xA;
	[sflag:s5] =	ssyncset.done $0x0  }
0x12a: {  	s20 =	simm.s32 $0x4D80;
	s0 =	smul.u32 $0x6, s0;
	[sflag:s5] =	ssyncadd.s32 $0xFFFFD800  }
0x12b: {  	[spmem:s21] =	stream.indirect.scatter.add.f32 [tilespmem:s3], [sflag:$0x9], $0x40, s20, s6, $0xb8;
	[tilespmem:$0x1FDC0] =	vst v63  }
0x12c: {  	s1 =	simm.s32 $0x21C0;
	s10 =	simm.s32 $0x7;
	_ =	swait.ge [sflag:s4], $0x2800  }
0x12d: {  	s2 =	sand.u32 $0xFF, s10;
	s0 =	ssub.s32 $0x2, s0;
	[sflag:s4] =	ssyncset.done $0x0  }
0x12e: {  	s2 =	smul.u32 $0xAB, s2;
	s0 =	sand.u32 $0xFF, s0;
	[sflag:s4] =	ssyncadd.s32 $0xFFFFD800  }
0x12f: {  	[tilespmem:s7], [sflag:$0x1] =	stream.indirect.gather [hbm4b:s12+s6], $0x40, s1, s6, $0xb8;
	[tilespmem:$0x1FDC0] =	vst v63  }
0x130: {  	s17 =	sshrl.u32 s2, $0xA;
	s3 =	simm.s32 $0x0;
	s8 =	rddreg [dreg:$0xc]  }
0x131: {  	[tilespmem:s3], [sflag:$0x7] =	stream.linear.gather [hbm4b:s8+s3], $0xFA0, $0x38;
	[tilespmem:$0x1FDC0] =	vst v63  }
0x132: {  	s14 =	simm.s32 $0x2EE0;
	s11 =	rddreg [dreg:$0xd];
	s1 =	smul.u32 $0x6, s17  }
0x133: {  	[tilespmem:s14], [sflag:$0x8] =	stream.linear.gather [hbm4b:s11+s3], $0xFA0, $0x38;
	[tilespmem:$0x1FDC0] =	vst v63  }
0x134: {  	s30 =	simm.s32 $0x2260;
	s3 =	sadd.s32 $0x1, s0;
	s0 =	smul.u32 $0xA000, s0  }
0x135: {  	s28 =	simm.s32 $0x2260;
	s20 =	simm.s32 $0x4E20;
	_ =	swait.ge [sflag:s3], $0x2800  }
0x136: {  	s1 =	ssub.s32 $0x7, s1;
	s11 =	sshrl.u32 s0, $0x2;
	[sflag:s3] =	ssyncset.done $0x0  }
0x137: {  	s0 =	sand.u32 $0xFF, s1;
	s14 =	sadd.s32 $0x5DC0, s11;
	[sflag:s3] =	ssyncadd.s32 $0xFFFFD800  }
0x138: {  	[spmem:s21] =	stream.indirect.scatter.add.f32 [tilespmem:s14], [sflag:$0x9], $0x40, s20, s6, $0xb8;
	[tilespmem:$0x1FDC0] =	vst v63  }
0x139: {  	s29 =	simm.s32 $0x4EC0;
	s1 =	smul.u32 $0xA000, s0;
	s20 =	sand.u32 $0xFF, s31  }
0x13a: {  	s2 =	simm.s32 $0x2;
	s17 =	simm.s32 $0x1;
	s20 =	smul.u32 $0xAB, s20  }
.LBB2_8:
0x13b: {  	s1 =	sshrl.u32 s1, $0x2;
	s28 =	sadd.s32 $0xA0, s28  }
0x13c: {  	s8 =	smov.u32 s2;
	s10 =	sadd.s32 $0x1, s2;
	s14 =	smov.u32 s29  }
0x13d: {  	s20 =	sshrl.u32 s20, $0xA;
	s3 =	sadd.s32 $0x7, s17;
	s1 =	sadd.s32 $0x5DC0, s1  }
0x13e: {  	p0 =	sne.s32 s2, $0x13;
	s2 =	smul.u32 $0x6, s20;
	s17 =	sand.u32 $0xFF, s3  }
0x13f: {  	s0 =	sadd.s32 $0x1, s0;
	s20 =	smul.u32 $0xAB, s17;
	s17 =	smov.u32 s8  }
0x140: {  	s29 =	sadd.s32 $0xA0, s29;
	s2 =	ssub.s32 s31, s2;
	_ =	swait.ge [sflag:s4], $0x2800  }
0x141: {  	s2 =	sand.u32 $0xFF, s2;
	s8 =	sshrl.u32 s20, $0xA;
	[sflag:s4] =	ssyncset.done $0x0  }
0x142: {  	s8 =	smul.u32 $0x6, s8;
	s11 =	sadd.s32 $0x1, s2;
	[sflag:s4] =	ssyncadd.s32 $0xFFFFD800  }
0x143: {  	[tilespmem:s1], [sflag:s0] =	stream.indirect.gather [hbm4b:s12+s6], $0x40, s30, s6, $0xb8;
	[tilespmem:$0x1FDC0] =	vst v63  }
0x144: {  	s31 =	sadd.s32 $0x2, s17;
	s1 =	smul.u32 $0xA000, s2;
	s30 =	smov.u32 s28  }
.Ltmp3:
0x145: {  	s0 =	ssub.s32 s3, s8;
	_ =	swait.ge [sflag:s11], $0x2800;
	(pc) =	sbr.rel @p0 .LBB2_8-.Ltmp3, $4  }
0x146: {  	s2 =	sand.u32 $0xFF, s31;
	s0 =	sand.u32 $0xFF, s0;
	s1 =	sshrl.u32 s1, $0x2  }
0x147: {  	s3 =	sadd.s32 $0x5DC0, s1;
	s1 =	smul.u32 $0xA000, s0;
	[sflag:s11] =	ssyncset.done $0x0  }
0x148: {  	s20 =	smul.u32 $0xAB, s2;
	s2 =	smov.u32 s10;
	[sflag:s11] =	ssyncadd.s32 $0xFFFFD800  }
0x149: {  	[spmem:s21] =	stream.indirect.scatter.add.f32 [tilespmem:s3], [sflag:$0x9], $0x40, s14, s6, $0xb8;
	[tilespmem:$0x1FDC0] =	vst v63  }
0x14a: {  	s2 =	sshrl.u32 s20, $0xA;
	s3 =	sadd.s32 $0x7, s17  }
0x14b: {  	s1 =	sshrl.u32 s1, $0x2;
	_ =	swait.ge [sflag:s4], $0x2800;
	s0 =	sadd.s32 $0x1, s0  }
0x14c: {  	s2 =	smul.u32 $0x6, s2;
	s8 =	sand.u32 $0xFF, s3;
	[sflag:s4] =	ssyncset.done $0x0  }
0x14d: {  	s1 =	sadd.s32 $0x5DC0, s1;
	s8 =	smul.u32 $0xAB, s8;
	[sflag:s4] =	ssyncadd.s32 $0xFFFFD800  }
0x14e: {  	[tilespmem:s1], [sflag:s0] =	stream.indirect.gather [hbm4b:s12+s6], $0x40, s30, s6, $0xb8;
	[tilespmem:$0x1FDC0] =	vst v63  }
0x14f: {  	s2 =	ssub.s32 s31, s2;
	s8 =	sshrl.u32 s8, $0xA  }
0x150: {  	s2 =	sand.u32 $0xFF, s2;
	s8 =	smul.u32 $0x6, s8  }
0x151: {  	s20 =	sadd.s32 $0x1, s2;
	s10 =	smul.u32 $0xA000, s2  }
0x152: {  	_ =	swait.ge [sflag:s20], $0x2800;
	s11 =	ssub.s32 s3, s8  }
0x153: {  	s1 =	sshrl.u32 s10, $0x2;
	[sflag:s20] =	ssyncset.done $0x0;
	s2 =	sand.u32 $0xFF, s11  }
0x154: {  	s1 =	sadd.s32 $0x5DC0, s1;
	[sflag:s20] =	ssyncadd.s32 $0xFFFFD800;
	s14 =	smul.u32 $0xA000, s2  }
0x155: {  	[spmem:s21] =	stream.indirect.scatter.add.f32 [tilespmem:s1], [sflag:$0x9], $0x40, s29, s6, $0xb8;
	[tilespmem:$0x1FDC0] =	vst v63  }
0x156: {  	_ =	swait.ge [sflag:s4], $0x2800  }
0x157: {  	s17 =	sadd.s32 $0xA0, s28;
	s20 =	sshrl.u32 s14, $0x2;
	[sflag:s4] =	ssyncset.done $0x0  }
0x158: {  	s2 =	sadd.s32 $0x1, s2;
	s1 =	sadd.s32 $0x5DC0, s20;
	[sflag:s4] =	ssyncadd.s32 $0xFFFFD800  }
0x159: {  	[tilespmem:s1], [sflag:s2] =	stream.indirect.gather [hbm4b:s12+s6], $0x40, s17, s6, $0xb8;
	[tilespmem:$0x1FDC0] =	vst v63  }
0x15a: {  	_ =	swait.ge [sflag:s19], $0xFA0  }
0x15b: {  	[sflag:s19] =	ssyncset.done $0x0  }
0x15c: {  	[sflag:s19] =	ssyncadd.s32 $0xFFFFF060  }
0x15d: {  	_ =	swait.ge [sflag:s23], $0xFA0  }
0x15e: {  	[sflag:s23] =	ssyncset.done $0x0  }
0x15f: {  	[sflag:s23] =	ssyncadd.s32 $0xFFFFF060  }
0x160: {  	_ =	swait.ge [sflag:s22], $0x2800  }
0x161: {  	[sflag:s22] =	ssyncset.done $0x0  }
0x162: {  	s2 =	simm.s32 $0x5AA0;
	[sflag:s22] =	ssyncadd.s32 $0xFFFFD800  }
0x163: {  	[spmem:s21] =	stream.indirect.scatter.add.f32 [tilespmem:s16], [sflag:$0x9], $0x40, s2, s6, $0xb8;
	[tilespmem:$0x1FDC0] =	vst v63  }
0x164: {  	_ =	swait.ge [sflag:s4], $0x2800  }
0x165: {  	[sflag:s4] =	ssyncset.done $0x0  }
0x166: {  	s0 =	simm.s32 $0x0;
	s3 =	simm.s32 $0xD5C0;
	[sflag:s4] =	ssyncadd.s32 $0xFFFFD800  }
0x167: {  	[tilespmem:s3], [sflag:$0x4] =	stream.indirect.gather [hbm4b:s12+s6], $0x40, s0, s6, $0xb8;
	[tilespmem:$0x1FDC0] =	vst v63  }
0x168: {  	_ =	swait.ge [sflag:s13], $0x2800  }
0x169: {  	[sflag:s13] =	ssyncset.done $0x0  }
0x16a: {  	s8 =	simm.s32 $0x125C0;
	s10 =	simm.s32 $0x5B40;
	[sflag:s13] =	ssyncadd.s32 $0xFFFFD800  }
0x16b: {  	[spmem:s21] =	stream.indirect.scatter.add.f32 [tilespmem:s8], [sflag:$0x9], $0x40, s10, s6, $0xb8;
	[tilespmem:$0x1FDC0] =	vst v63  }
0x16c: {  	_ =	swait.ge [sflag:s4], $0x2800  }
0x16d: {  	[sflag:s4] =	ssyncset.done $0x0  }
0x16e: {  	[sflag:s4] =	ssyncadd.s32 $0xFFFFD800  }
0x16f: {  	[tilespmem:s16], [sflag:$0x5] =	stream.indirect.gather [hbm4b:s12+s6], $0x40, s6, s6, $0xb8;
	[tilespmem:$0x1FDC0] =	vst v63  }
0x170: {  	_ =	swait.ge [sflag:s15], $0x2800  }
0x171: {  	[sflag:s15] =	ssyncset.done $0x0  }
0x172: {  	s11 =	simm.s32 $0x5BE0;
	[sflag:s15] =	ssyncadd.s32 $0xFFFFD800  }
0x173: {  	[spmem:s21] =	stream.indirect.scatter.add.f32 [tilespmem:s7], [sflag:$0x9], $0x40, s11, s6, $0xb8;
	[tilespmem:$0x1FDC0] =	vst v63  }
0x174: {  	_ =	swait.ge [sflag:s4], $0x2800  }
0x175: {  	[sflag:s4] =	ssyncset.done $0x0  }
0x176: {  	s14 =	simm.s32 $0x140;
	[sflag:s4] =	ssyncadd.s32 $0xFFFFD800  }
0x177: {  	[tilespmem:s8], [sflag:$0x6] =	stream.indirect.gather [hbm4b:s12+s6], $0x40, s14, s6, $0xb8;
	[tilespmem:$0x1FDC0] =	vst v63  }
0x178: {  	_ =	swait.ge [sflag:s5], $0x2800  }
0x179: {  	[sflag:s5] =	ssyncset.done $0x0  }
0x17a: {  	s20 =	simm.s32 $0x5C80;
	s17 =	simm.s32 $0x85C0;
	[sflag:s5] =	ssyncadd.s32 $0xFFFFD800  }
0x17b: {  	[spmem:s21] =	stream.indirect.scatter.add.f32 [tilespmem:s17], [sflag:$0x9], $0x40, s20, s6, $0xb8;
	[tilespmem:$0x1FDC0] =	vst v63  }
0x17c: {  	_ =	swait.ge [sflag:s4], $0x2800  }
0x17d: {  	[sflag:s4] =	ssyncset.done $0x0  }
0x17e: {  	s3 =	simm.s32 $0x1E0;
	[sflag:s4] =	ssyncadd.s32 $0xFFFFD800  }
0x17f: {  	[tilespmem:s7], [sflag:$0x1] =	stream.indirect.gather [hbm4b:s12+s6], $0x40, s3, s6, $0xb8;
	[tilespmem:$0x1FDC0] =	vst v63  }
0x180: {  	s14 =	simm.s32 $0x3;
	_ =	swait.ge [sflag:s24], $0x2800  }
0x181: {  	s10 =	simm.s32 $0x5D20;
	s1 =	sand.u32 $0xFF, s14;
	[sflag:s24] =	ssyncset.done $0x0  }
0x182: {  	s8 =	simm.s32 $0xADC0;
	s1 =	smul.u32 $0xAB, s1;
	[sflag:s24] =	ssyncadd.s32 $0xFFFFD800  }
0x183: {  	[spmem:s21] =	stream.indirect.scatter.add.f32 [tilespmem:s8], [sflag:$0x9], $0x40, s10, s6, $0xb8;
	[tilespmem:$0x1FDC0] =	vst v63  }
0x184: {  	s11 =	simm.s32 $0x280;
	s20 =	simm.s32 $0xFA0;
	_ =	swait.ge [sflag:s4], $0x2800  }
0x185: {  	s1 =	sshrl.u32 s1, $0xA;
	s8 =	simm.s32 $0x8;
	[sflag:s4] =	ssyncset.done $0x0  }
0x186: {  	s1 =	smul.u32 $0x6, s1;
	s2 =	sand.u32 $0xFF, s8;
	[sflag:s4] =	ssyncadd.s32 $0xFFFFD800  }
0x187: {  	[tilespmem:s17], [sflag:$0x2] =	stream.indirect.gather [hbm4b:s12+s6], $0x40, s11, s6, $0xb8;
	[tilespmem:$0x1FDC0] =	vst v63  }
0x188: {  	s14 =	ssub.s32 $0x3, s1;
	s2 =	smul.u32 $0xAB, s2;
	s17 =	rddreg [dreg:$0xe]  }
0x189: {  	[tilespmem:s20], [sflag:$0x7] =	stream.linear.gather [hbm4b:s17+s0], $0xFA0, $0x38;
	[tilespmem:$0x1FDC0] =	vst v63  }
0x18a: {  	s10 =	rddreg [dreg:$0xf];
	s11 =	simm.s32 $0x3E80;
	s17 =	sshrl.u32 s2, $0xA  }
0x18b: {  	[tilespmem:s11], [sflag:$0x8] =	stream.linear.gather [hbm4b:s10+s0], $0xFA0, $0x38;
	[tilespmem:$0x1FDC0] =	vst v63  }
0x18c: {  	s28 =	simm.s32 $0x320;
	s1 =	smul.u32 $0x6, s17;
	s0 =	sand.u32 $0xFF, s14  }
0x18d: {  	s31 =	simm.s32 $0x4;
	s10 =	sadd.s32 $0x1, s0;
	s0 =	smul.u32 $0xA000, s0  }
0x18e: {  	s30 =	simm.s32 $0x320;
	s20 =	simm.s32 $0x2EE0;
	_ =	swait.ge [sflag:s10], $0x2800  }
0x18f: {  	s1 =	ssub.s32 $0x8, s1;
	s11 =	sshrl.u32 s0, $0x2;
	[sflag:s10] =	ssyncset.done $0x0  }
0x190: {  	s0 =	sand.u32 $0xFF, s1;
	s14 =	sadd.s32 $0x5DC0, s11;
	[sflag:s10] =	ssyncadd.s32 $0xFFFFD800  }
0x191: {  	[spmem:s21] =	stream.indirect.scatter.add.f32 [tilespmem:s14], [sflag:$0x9], $0x40, s20, s6, $0xb8;
	[tilespmem:$0x1FDC0] =	vst v63  }
0x192: {  	s29 =	simm.s32 $0x2F80;
	s1 =	smul.u32 $0xA000, s0;
	s20 =	sand.u32 $0xFF, s31  }
0x193: {  	s2 =	simm.s32 $0x2;
	s17 =	simm.s32 $0x1;
	s20 =	smul.u32 $0xAB, s20  }
.LBB2_10:
0x194: {  	s1 =	sshrl.u32 s1, $0x2;
	s28 =	sadd.s32 $0xA0, s28  }
0x195: {  	s3 =	smov.u32 s2;
	s8 =	sadd.s32 $0x1, s2;
	s10 =	smov.u32 s29  }
0x196: {  	s11 =	sshrl.u32 s20, $0xA;
	s14 =	sadd.s32 $0x8, s17;
	s1 =	sadd.s32 $0x5DC0, s1  }
0x197: {  	p0 =	sne.s32 s2, $0x13;
	s2 =	smul.u32 $0x6, s11;
	s11 =	sand.u32 $0xFF, s14  }
0x198: {  	s0 =	sadd.s32 $0x1, s0;
	s17 =	smov.u32 s3;
	s11 =	smul.u32 $0xAB, s11  }
0x199: {  	s29 =	sadd.s32 $0xA0, s29;
	s2 =	ssub.s32 s31, s2;
	_ =	swait.ge [sflag:s4], $0x2800  }
0x19a: {  	s2 =	sand.u32 $0xFF, s2;
	s3 =	sshrl.u32 s11, $0xA;
	[sflag:s4] =	ssyncset.done $0x0  }
0x19b: {  	s3 =	smul.u32 $0x6, s3;
	s11 =	sadd.s32 $0x1, s2;
	[sflag:s4] =	ssyncadd.s32 $0xFFFFD800  }
0x19c: {  	[tilespmem:s1], [sflag:s0] =	stream.indirect.gather [hbm4b:s12+s6], $0x40, s30, s6, $0xb8;
	[tilespmem:$0x1FDC0] =	vst v63  }
0x19d: {  	s31 =	sadd.s32 $0x3, s17;
	s1 =	smul.u32 $0xA000, s2;
	s30 =	smov.u32 s28  }
.Ltmp4:
0x19e: {  	s0 =	ssub.s32 s14, s3;
	_ =	swait.ge [sflag:s11], $0x2800;
	(pc) =	sbr.rel @p0 .LBB2_10-.Ltmp4, $4  }
0x19f: {  	s2 =	sand.u32 $0xFF, s31;
	s0 =	sand.u32 $0xFF, s0;
	s1 =	sshrl.u32 s1, $0x2  }
0x1a0: {  	s3 =	sadd.s32 $0x5DC0, s1;
	s1 =	smul.u32 $0xA000, s0;
	[sflag:s11] =	ssyncset.done $0x0  }
0x1a1: {  	s20 =	smul.u32 $0xAB, s2;
	s2 =	smov.u32 s8;
	[sflag:s11] =	ssyncadd.s32 $0xFFFFD800  }
0x1a2: {  	[spmem:s21] =	stream.indirect.scatter.add.f32 [tilespmem:s3], [sflag:$0x9], $0x40, s10, s6, $0xb8;
	[tilespmem:$0x1FDC0] =	vst v63  }
0x1a3: {  	s2 =	sshrl.u32 s20, $0xA;
	s3 =	sadd.s32 $0x8, s17  }
0x1a4: {  	s1 =	sshrl.u32 s1, $0x2;
	_ =	swait.ge [sflag:s4], $0x2800;
	s0 =	sadd.s32 $0x1, s0  }
0x1a5: {  	s2 =	smul.u32 $0x6, s2;
	s8 =	sand.u32 $0xFF, s3;
	[sflag:s4] =	ssyncset.done $0x0  }
0x1a6: {  	s1 =	sadd.s32 $0x5DC0, s1;
	s8 =	smul.u32 $0xAB, s8;
	[sflag:s4] =	ssyncadd.s32 $0xFFFFD800  }
0x1a7: {  	[tilespmem:s1], [sflag:s0] =	stream.indirect.gather [hbm4b:s12+s6], $0x40, s30, s6, $0xb8;
	[tilespmem:$0x1FDC0] =	vst v63  }
0x1a8: {  	s2 =	ssub.s32 s31, s2;
	s8 =	sshrl.u32 s8, $0xA  }
0x1a9: {  	s2 =	sand.u32 $0xFF, s2;
	s8 =	smul.u32 $0x6, s8  }
0x1aa: {  	s17 =	sadd.s32 $0x1, s2;
	s20 =	smul.u32 $0xA000, s2  }
0x1ab: {  	_ =	swait.ge [sflag:s17], $0x2800;
	s3 =	ssub.s32 s3, s8  }
0x1ac: {  	s1 =	sshrl.u32 s20, $0x2;
	[sflag:s17] =	ssyncset.done $0x0;
	s2 =	sand.u32 $0xFF, s3  }
0x1ad: {  	s1 =	sadd.s32 $0x5DC0, s1;
	[sflag:s17] =	ssyncadd.s32 $0xFFFFD800;
	s8 =	smul.u32 $0xA000, s2  }
0x1ae: {  	[spmem:s21] =	stream.indirect.scatter.add.f32 [tilespmem:s1], [sflag:$0x9], $0x40, s29, s6, $0xb8;
	[tilespmem:$0x1FDC0] =	vst v63  }
0x1af: {  	_ =	swait.ge [sflag:s4], $0x2800  }
0x1b0: {  	s10 =	sadd.s32 $0xA0, s28;
	s11 =	sshrl.u32 s8, $0x2;
	[sflag:s4] =	ssyncset.done $0x0  }
0x1b1: {  	s2 =	sadd.s32 $0x1, s2;
	s1 =	sadd.s32 $0x5DC0, s11;
	[sflag:s4] =	ssyncadd.s32 $0xFFFFD800  }
0x1b2: {  	[tilespmem:s1], [sflag:s2] =	stream.indirect.gather [hbm4b:s12+s6], $0x40, s10, s6, $0xb8;
	[tilespmem:$0x1FDC0] =	vst v63  }
0x1b3: {  	_ =	swait.ge [sflag:s19], $0xFA0  }
0x1b4: {  	[sflag:s19] =	ssyncset.done $0x0  }
0x1b5: {  	[sflag:s19] =	ssyncadd.s32 $0xFFFFF060  }
0x1b6: {  	_ =	swait.ge [sflag:s23], $0xFA0  }
0x1b7: {  	[sflag:s23] =	ssyncset.done $0x0  }
0x1b8: {  	[sflag:s23] =	ssyncadd.s32 $0xFFFFF060  }
0x1b9: {  	_ =	swait.ge [sflag:s13], $0x2800  }
0x1ba: {  	[sflag:s13] =	ssyncset.done $0x0  }
0x1bb: {  	s14 =	simm.s32 $0x3B60;
	s17 =	simm.s32 $0x125C0;
	[sflag:s13] =	ssyncadd.s32 $0xFFFFD800  }
0x1bc: {  	[spmem:s21] =	stream.indirect.scatter.add.f32 [tilespmem:s17], [sflag:$0x9], $0x40, s14, s6, $0xb8;
	[tilespmem:$0x1FDC0] =	vst v63  }
0x1bd: {  	_ =	swait.ge [sflag:s4], $0x2800  }
0x1be: {  	[sflag:s4] =	ssyncset.done $0x0  }
0x1bf: {  	s20 =	simm.s32 $0xFA0;
	[sflag:s4] =	ssyncadd.s32 $0xFFFFD800  }
0x1c0: {  	[tilespmem:s16], [sflag:$0x5] =	stream.indirect.gather [hbm4b:s12+s6], $0x40, s20, s6, $0xb8;
	[tilespmem:$0x1FDC0] =	vst v63  }
0x1c1: {  	_ =	swait.ge [sflag:s15], $0x2800  }
0x1c2: {  	[sflag:s15] =	ssyncset.done $0x0  }
0x1c3: {  	s2 =	simm.s32 $0x3C00;
	[sflag:s15] =	ssyncadd.s32 $0xFFFFD800  }
0x1c4: {  	[spmem:s21] =	stream.indirect.scatter.add.f32 [tilespmem:s7], [sflag:$0x9], $0x40, s2, s6, $0xb8;
	[tilespmem:$0x1FDC0] =	vst v63  }
0x1c5: {  	_ =	swait.ge [sflag:s4], $0x2800  }
0x1c6: {  	[sflag:s4] =	ssyncset.done $0x0  }
0x1c7: {  	s3 =	simm.s32 $0x1040;
	[sflag:s4] =	ssyncadd.s32 $0xFFFFD800  }
0x1c8: {  	[tilespmem:s17], [sflag:$0x6] =	stream.indirect.gather [hbm4b:s12+s6], $0x40, s3, s6, $0xb8;
	[tilespmem:$0x1FDC0] =	vst v63  }
0x1c9: {  	_ =	swait.ge [sflag:s5], $0x2800  }
0x1ca: {  	[sflag:s5] =	ssyncset.done $0x0  }
0x1cb: {  	s8 =	simm.s32 $0x85C0;
	s10 =	simm.s32 $0x3CA0;
	[sflag:s5] =	ssyncadd.s32 $0xFFFFD800  }
0x1cc: {  	[spmem:s21] =	stream.indirect.scatter.add.f32 [tilespmem:s8], [sflag:$0x9], $0x40, s10, s6, $0xb8;
	[tilespmem:$0x1FDC0] =	vst v63  }
0x1cd: {  	_ =	swait.ge [sflag:s4], $0x2800  }
0x1ce: {  	[sflag:s4] =	ssyncset.done $0x0  }
0x1cf: {  	s11 =	simm.s32 $0x10E0;
	s1 =	simm.s32 $0x4;
	[sflag:s4] =	ssyncadd.s32 $0xFFFFD800  }
0x1d0: {  	[tilespmem:s7], [sflag:$0x1] =	stream.indirect.gather [hbm4b:s12+s6], $0x40, s11, s6, $0xb8;
	[tilespmem:$0x1FDC0] =	vst v63  }
0x1d1: {  	s0 =	sand.u32 $0xFF, s1;
	_ =	swait.ge [sflag:s24], $0x2800  }
0x1d2: {  	s0 =	smul.u32 $0xAB, s0;
	[sflag:s24] =	ssyncset.done $0x0  }
0x1d3: {  	s14 =	simm.s32 $0xADC0;
	s17 =	simm.s32 $0x3D40;
	[sflag:s24] =	ssyncadd.s32 $0xFFFFD800  }
0x1d4: {  	[spmem:s21] =	stream.indirect.scatter.add.f32 [tilespmem:s14], [sflag:$0x9], $0x40, s17, s6, $0xb8;
	[tilespmem:$0x1FDC0] =	vst v63  }
0x1d5: {  	s28 =	simm.s32 $0x12C0;
	_ =	swait.ge [sflag:s4], $0x2800  }
0x1d6: {  	s30 =	simm.s32 $0x1;
	s0 =	sshrl.u32 s0, $0xA;
	[sflag:s4] =	ssyncset.done $0x0  }
0x1d7: {  	s0 =	smul.u32 $0x6, s0;
	s20 =	simm.s32 $0x1180;
	[sflag:s4] =	ssyncadd.s32 $0xFFFFD800  }
0x1d8: {  	[tilespmem:s8], [sflag:$0x2] =	stream.indirect.gather [hbm4b:s12+s6], $0x40, s20, s6, $0xb8;
	[tilespmem:$0x1FDC0] =	vst v63  }
0x1d9: {  	s0 =	ssub.s32 $0x4, s0;
	s10 =	simm.s32 $0x9;
	_ =	swait.ge [sflag:s9], $0x2800  }
0x1da: {  	s3 =	simm.s32 $0xD5C0;
	s1 =	sand.u32 $0xFF, s10;
	[sflag:s9] =	ssyncset.done $0x0  }
0x1db: {  	s1 =	smul.u32 $0xAB, s1;
	s8 =	simm.s32 $0x3DE0;
	[sflag:s9] =	ssyncadd.s32 $0xFFFFD800  }
0x1dc: {  	[spmem:s21] =	stream.indirect.scatter.add.f32 [tilespmem:s3], [sflag:$0x9], $0x40, s8, s6, $0xb8;
	[tilespmem:$0x1FDC0] =	vst v63  }
0x1dd: {  	s0 =	sand.u32 $0xFF, s0;
	s1 =	sshrl.u32 s1, $0xA;
	_ =	swait.ge [sflag:s4], $0x2800  }
0x1de: {  	s11 =	simm.s32 $0x1220;
	s1 =	smul.u32 $0x6, s1;
	[sflag:s4] =	ssyncset.done $0x0  }
0x1df: {  	s20 =	sadd.s32 $0x1, s0;
	s0 =	smul.u32 $0xA000, s0;
	[sflag:s4] =	ssyncadd.s32 $0xFFFFD800  }
0x1e0: {  	[tilespmem:s14], [sflag:$0x3] =	stream.indirect.gather [hbm4b:s12+s6], $0x40, s11, s6, $0xb8;
	[tilespmem:$0x1FDC0] =	vst v63  }
0x1e1: {  	s1 =	ssub.s32 $0x9, s1;
	s17 =	simm.s32 $0x5;
	_ =	swait.ge [sflag:s20], $0x2800  }
0x1e2: {  	s10 =	sshrl.u32 s0, $0x2;
	s0 =	sand.u32 $0xFF, s1;
	[sflag:s20] =	ssyncset.done $0x0  }
0x1e3: {  	s14 =	simm.s32 $0x3E80;
	s11 =	sadd.s32 $0x5DC0, s10;
	[sflag:s20] =	ssyncadd.s32 $0xFFFFD800  }
0x1e4: {  	[spmem:s21] =	stream.indirect.scatter.add.f32 [tilespmem:s11], [sflag:$0x9], $0x40, s14, s6, $0xb8;
	[tilespmem:$0x1FDC0] =	vst v63  }
0x1e5: {  	s31 =	simm.s32 $0x12C0;
	s20 =	smul.u32 $0xA000, s0;
	s14 =	sand.u32 $0xFF, s17  }
0x1e6: {  	s29 =	simm.s32 $0x3F20;
	s2 =	simm.s32 $0x2;
	s1 =	smul.u32 $0xAB, s14  }
.LBB2_12:
0x1e7: {  	s3 =	sshrl.u32 s20, $0x2;
	s28 =	sadd.s32 $0xA0, s28  }
0x1e8: {  	s8 =	smov.u32 s2;
	s10 =	sadd.s32 $0x1, s2;
	s11 =	smov.u32 s29  }
0x1e9: {  	s1 =	sshrl.u32 s1, $0xA;
	s14 =	sadd.s32 $0x9, s30;
	s3 =	sadd.s32 $0x5DC0, s3  }
0x1ea: {  	p0 =	sne.s32 s2, $0x13;
	s1 =	smul.u32 $0x6, s1;
	s2 =	sand.u32 $0xFF, s14  }
0x1eb: {  	s0 =	sadd.s32 $0x1, s0;
	s30 =	smov.u32 s8;
	s2 =	smul.u32 $0xAB, s2  }
0x1ec: {  	s29 =	sadd.s32 $0xA0, s29;
	s1 =	ssub.s32 s17, s1;
	_ =	swait.ge [sflag:s4], $0x2800  }
0x1ed: {  	s1 =	sand.u32 $0xFF, s1;
	s2 =	sshrl.u32 s2, $0xA;
	[sflag:s4] =	ssyncset.done $0x0  }
0x1ee: {  	s2 =	smul.u32 $0x6, s2;
	s8 =	sadd.s32 $0x1, s1;
	[sflag:s4] =	ssyncadd.s32 $0xFFFFD800  }
0x1ef: {  	[tilespmem:s3], [sflag:s0] =	stream.indirect.gather [hbm4b:s12+s6], $0x40, s31, s6, $0xb8;
	[tilespmem:$0x1FDC0] =	vst v63  }
0x1f0: {  	s17 =	sadd.s32 $0x4, s30;
	s1 =	smul.u32 $0xA000, s1;
	s31 =	smov.u32 s28  }
.Ltmp5:
0x1f1: {  	s0 =	ssub.s32 s14, s2;
	_ =	swait.ge [sflag:s8], $0x2800;
	(pc) =	sbr.rel @p0 .LBB2_12-.Ltmp5, $4  }
0x1f2: {  	s2 =	sand.u32 $0xFF, s17;
	s1 =	sshrl.u32 s1, $0x2;
	s0 =	sand.u32 $0xFF, s0  }
0x1f3: {  	s3 =	sadd.s32 $0x5DC0, s1;
	s20 =	smul.u32 $0xA000, s0;
	[sflag:s8] =	ssyncset.done $0x0  }
0x1f4: {  	s1 =	smul.u32 $0xAB, s2;
	s2 =	smov.u32 s10;
	[sflag:s8] =	ssyncadd.s32 $0xFFFFD800  }
0x1f5: {  	[spmem:s21] =	stream.indirect.scatter.add.f32 [tilespmem:s3], [sflag:$0x9], $0x40, s11, s6, $0xb8;
	[tilespmem:$0x1FDC0] =	vst v63  }
0x1f6: {  	_ =	swait.ge [sflag:s4], $0x2800  }
0x1f7: {  	s2 =	sshrl.u32 s20, $0x2;
	s0 =	sadd.s32 $0x1, s0;
	[sflag:s4] =	ssyncset.done $0x0  }
0x1f8: {  	s8 =	sshrl.u32 s1, $0xA;
	s2 =	sadd.s32 $0x5DC0, s2;
	[sflag:s4] =	ssyncadd.s32 $0xFFFFD800  }
0x1f9: {  	[tilespmem:s2], [sflag:s0] =	stream.indirect.gather [hbm4b:s12+s6], $0x40, s31, s6, $0xb8;
	[tilespmem:$0x1FDC0] =	vst v63  }
0x1fa: {  	s10 =	sadd.s32 $0x9, s30;
	s0 =	smul.u32 $0x6, s8  }
0x1fb: {  	s11 =	sand.u32 $0xFF, s10  }
0x1fc: {  	s2 =	smul.u32 $0xAB, s11;
	s0 =	ssub.s32 s17, s0  }
0x1fd: {  	s0 =	sand.u32 $0xFF, s0  }
0x1fe: {  	s2 =	sshrl.u32 s2, $0xA;
	s3 =	sadd.s32 $0x1, s0;
	s0 =	smul.u32 $0xA000, s0  }
0x1ff: {  	s2 =	smul.u32 $0x6, s2;
	_ =	swait.ge [sflag:s3], $0x2800  }
0x200: {  	s0 =	sshrl.u32 s0, $0x2;
	[sflag:s3] =	ssyncset.done $0x0  }
0x201: {  	s14 =	ssub.s32 s10, s2;
	[sflag:s3] =	ssyncadd.s32 $0xFFFFD800;
	s0 =	sadd.s32 $0x5DC0, s0  }
0x202: {  	[spmem:s21] =	stream.indirect.scatter.add.f32 [tilespmem:s0], [sflag:$0x9], $0x40, s29, s6, $0xb8;
	[tilespmem:$0x1FDC0] =	vst v63  }
0x203: {  	s0 =	sand.u32 $0xFF, s14  }
0x204: {  	s17 =	smul.u32 $0xA000, s0  }
0x205: {  	_ =	swait.ge [sflag:s4], $0x2800  }
0x206: {  	s20 =	sadd.s32 $0xA0, s28;
	[sflag:s4] =	ssyncset.done $0x0;
	s1 =	sshrl.u32 s17, $0x2  }
0x207: {  	s0 =	sadd.s32 $0x1, s0;
	[sflag:s4] =	ssyncadd.s32 $0xFFFFD800;
	s1 =	sadd.s32 $0x5DC0, s1  }
0x208: {  	[tilespmem:s1], [sflag:s0] =	stream.indirect.gather [hbm4b:s12+s6], $0x40, s20, s6, $0xb8;
	[tilespmem:$0x1FDC0] =	vst v63  }
0x209: {  	_ =	swait.ge [sflag:s15], $0x2800  }
0x20a: {  	[sflag:s15] =	ssyncset.done $0x0  }
0x20b: {  	s3 =	simm.s32 $0x4B00;
	[sflag:s15] =	ssyncadd.s32 $0xFFFFD800  }
0x20c: {  	[spmem:s21] =	stream.indirect.scatter.add.f32 [tilespmem:s7], [sflag:$0x9], $0x40, s3, s6, $0xb8;
	[tilespmem:$0x1FDC0] =	vst v63  }
0x20d: {  	_ =	swait.ge [sflag:s4], $0x2800  }
0x20e: {  	[sflag:s4] =	ssyncset.done $0x0  }
0x20f: {  	[sflag:s4] =	ssyncadd.s32 $0xFFFFD800  }
0x210: {  	_ =	swait.ge [sflag:s5], $0x2800  }
0x211: {  	[sflag:s5] =	ssyncset.done $0x0  }
0x212: {  	s8 =	simm.s32 $0x4BA0;
	s3 =	simm.s32 $0x85C0;
	[sflag:s5] =	ssyncadd.s32 $0xFFFFD800  }
0x213: {  	[spmem:s21] =	stream.indirect.scatter.add.f32 [tilespmem:s3], [sflag:$0x9], $0x40, s8, s6, $0xb8;
	[tilespmem:$0x1FDC0] =	vst v63  }
0x214: {  	_ =	swait.ge [sflag:s4], $0x2800  }
0x215: {  	[sflag:s4] =	ssyncset.done $0x0  }
0x216: {  	[sflag:s4] =	ssyncadd.s32 $0xFFFFD800  }
0x217: {  	_ =	swait.ge [sflag:s24], $0x2800  }
0x218: {  	[sflag:s24] =	ssyncset.done $0x0  }
0x219: {  	s10 =	simm.s32 $0x4C40;
	s17 =	simm.s32 $0xADC0;
	[sflag:s24] =	ssyncadd.s32 $0xFFFFD800  }
0x21a: {  	[spmem:s21] =	stream.indirect.scatter.add.f32 [tilespmem:s17], [sflag:$0x9], $0x40, s10, s6, $0xb8;
	[tilespmem:$0x1FDC0] =	vst v63  }
0x21b: {  	_ =	swait.ge [sflag:s4], $0x2800  }
0x21c: {  	[sflag:s4] =	ssyncset.done $0x0  }
0x21d: {  	[sflag:s4] =	ssyncadd.s32 $0xFFFFD800  }
0x21e: {  	_ =	swait.ge [sflag:s9], $0x2800  }
0x21f: {  	[sflag:s9] =	ssyncset.done $0x0  }
0x220: {  	s11 =	simm.s32 $0xD5C0;
	s14 =	simm.s32 $0x4CE0;
	[sflag:s9] =	ssyncadd.s32 $0xFFFFD800  }
0x221: {  	[spmem:s21] =	stream.indirect.scatter.add.f32 [tilespmem:s11], [sflag:$0x9], $0x40, s14, s6, $0xb8;
	[tilespmem:$0x1FDC0] =	vst v63  }
0x222: {  	_ =	swait.ge [sflag:s4], $0x2800  }
0x223: {  	[sflag:s4] =	ssyncset.done $0x0  }
0x224: {  	[sflag:s4] =	ssyncadd.s32 $0xFFFFD800  }
0x225: {  	_ =	swait.ge [sflag:s22], $0x2800  }
0x226: {  	[sflag:s22] =	ssyncset.done $0x0  }
0x227: {  	s20 =	simm.s32 $0x4D80;
	[sflag:s22] =	ssyncadd.s32 $0xFFFFD800  }
0x228: {  	[spmem:s21] =	stream.indirect.scatter.add.f32 [tilespmem:s16], [sflag:$0x9], $0x40, s20, s6, $0xb8;
	[tilespmem:$0x1FDC0] =	vst v63  }
0x229: {  	_ =	swait.ge [sflag:s4], $0x2800  }
0x22a: {  	[sflag:s4] =	ssyncset.done $0x0  }
0x22b: {  	[sflag:s4] =	ssyncadd.s32 $0xFFFFD800  }
0x22c: {  	s1 =	stileid.u32;
	[bflag:$0x0] =	sbarrier.arrive $0xFFFF  }
0x22d: {  	s0 =	sshll.u32 s1, $0x6;
	s10 =	rddreg [dreg:$0x1a]  }
0x22e: {  	s0 =	sor.u32 $0x1C07, s0;
	s8 =	rddreg [dreg:$0x10];
	s2 =	sshrl.u32 s10, $0x3  }
0x22f: {  	[hbm:s8@s25], [sflag:s0] =	dma.strided [spmem:s2@s23], $0x200, s15, $0x8   }
0x230: {  	s14 =	rddreg [dreg:$0x1b]  }
0x231: {  	s2 =	rddreg [dreg:$0x11];
	s11 =	sshrl.u32 s14, $0x3  }
0x232: {  	[hbm:s2@s25], [sflag:s0] =	dma.strided [spmem:s11@s23], $0x200, s15, $0x8   }
0x233: {  	s8 =	rddreg [dreg:$0x1c]  }
0x234: {  	s2 =	rddreg [dreg:$0x12];
	s20 =	sshrl.u32 s8, $0x3  }
0x235: {  	[hbm:s2@s25], [sflag:s0] =	dma.strided [spmem:s20@s23], $0x200, s15, $0x8   }
0x236: {  	s20 =	rddreg [dreg:$0x1d]  }
0x237: {  	s2 =	rddreg [dreg:$0x13];
	s11 =	sshrl.u32 s20, $0x3  }
0x238: {  	[hbm:s2@s25], [sflag:s0] =	dma.strided [spmem:s11@s23], $0x200, s15, $0x8   }
0x239: {  	s28 =	rddreg [dreg:$0x1e]  }
0x23a: {  	s2 =	rddreg [dreg:$0x14];
	s11 =	sshrl.u32 s28, $0x3  }
0x23b: {  	[hbm:s2@s25], [sflag:s0] =	dma.strided [spmem:s11@s23], $0x200, s15, $0x8   }
0x23c: {  	s29 =	rddreg [dreg:$0x1f]  }
0x23d: {  	s2 =	rddreg [dreg:$0x15];
	s11 =	sshrl.u32 s29, $0x3  }
0x23e: {  	[hbm:s2@s25], [sflag:s0] =	dma.strided [spmem:s11@s23], $0x200, s15, $0x8   }
0x23f: {  	s30 =	sld [smem:$0x7FC];
	_ =	sdelay $0x2  }
0x240: {  	s2 =	rddreg [dreg:$0x16];
	s11 =	sshrl.u32 s30, $0x3  }
0x241: {  	[hbm:s2@s25], [sflag:s0] =	dma.strided [spmem:s11@s23], $0x200, s15, $0x8   }
0x242: {  	s31 =	sld [smem:$0x7FD];
	_ =	sdelay $0x2  }
0x243: {  	s2 =	rddreg [dreg:$0x17];
	s11 =	sshrl.u32 s31, $0x3  }
0x244: {  	[hbm:s2@s25], [sflag:s0] =	dma.strided [spmem:s11@s23], $0x200, s15, $0x8   }
0x245: {  	s1 =	sld [smem:$0x7F9];
	_ =	sdelay $0x2  }
0x246: {  	s2 =	rddreg [dreg:$0x18];
	s1 =	sshrl.u32 s1, $0x3  }
0x247: {  	[hbm:s2@s25], [sflag:s0] =	dma.strided [spmem:s1@s23], $0x200, s15, $0x8   }
0x248: {  	s1 =	sld [smem:$0x7FA];
	_ =	sdelay $0x2  }
0x249: {  	s2 =	rddreg [dreg:$0x19];
	s1 =	sshrl.u32 s1, $0x3  }
0x24a: {  	[hbm:s2@s25], [sflag:s0] =	dma.strided [spmem:s1@s23], $0x200, s15, $0x8   }
0x24b: {  	_ =	swait.ge [sflag:s19], $0x200  }
0x24c: {  	[sflag:s19] =	ssyncset.done $0x0  }
0x24d: {  	[sflag:s19] =	ssyncadd.s32 $0xFFFFFE00  }
0x24e: {  	_ =	swait.ge [sflag:s19], $0x200  }
0x24f: {  	[sflag:s19] =	ssyncset.done $0x0  }
0x250: {  	[sflag:s19] =	ssyncadd.s32 $0xFFFFFE00  }
0x251: {  	_ =	swait.ge [sflag:s19], $0x200  }
0x252: {  	[sflag:s19] =	ssyncset.done $0x0  }
0x253: {  	[sflag:s19] =	ssyncadd.s32 $0xFFFFFE00  }
0x254: {  	_ =	swait.ge [sflag:s19], $0x200  }
0x255: {  	[sflag:s19] =	ssyncset.done $0x0  }
0x256: {  	[sflag:s19] =	ssyncadd.s32 $0xFFFFFE00  }
0x257: {  	_ =	swait.ge [sflag:s19], $0x200  }
0x258: {  	[sflag:s19] =	ssyncset.done $0x0  }
0x259: {  	[sflag:s19] =	ssyncadd.s32 $0xFFFFFE00  }
0x25a: {  	_ =	swait.ge [sflag:s19], $0x200  }
0x25b: {  	[sflag:s19] =	ssyncset.done $0x0  }
0x25c: {  	[sflag:s19] =	ssyncadd.s32 $0xFFFFFE00  }
0x25d: {  	_ =	swait.ge [sflag:s19], $0x200  }
0x25e: {  	[sflag:s19] =	ssyncset.done $0x0  }
0x25f: {  	[sflag:s19] =	ssyncadd.s32 $0xFFFFFE00  }
0x260: {  	_ =	swait.ge [sflag:s19], $0x200  }
0x261: {  	[sflag:s19] =	ssyncset.done $0x0  }
0x262: {  	[sflag:s19] =	ssyncadd.s32 $0xFFFFFE00  }
0x263: {  	_ =	swait.ge [sflag:s19], $0x200  }
0x264: {  	[sflag:s19] =	ssyncset.done $0x0  }
0x265: {  	[sflag:s19] =	ssyncadd.s32 $0xFFFFFE00  }
0x266: {  	_ =	swait.ge [sflag:s19], $0x200  }
0x267: {  	s11 =	sld [smem:$0x7FB];
	_ =	sdelay $0x1  }
0x268: {  	s26 =	sadd.s32 $0x1, s26  }
0x269: {  	p0 =	sne.s32 s26, s11  }
.Ltmp6:
0x26a: {  	_ = 	snop;
	(pc) =	sbr.rel @p0 .LBB2_1-.Ltmp6, $3  }
0x26b: {  	_ =	sdelay $0x1  }
0x26c: {  	[sflag:s19] =	ssyncset.done $0x0  }
0x26d: {  	s2 =	simm.s32 $0xD5C0;
	[sflag:s19] =	ssyncadd.s32 $0xFFFFFE00;
	s11 =	simm.s32 $0x0  }
0x26e: {  	_ =	sfence.sel $0x180000  }
0x26f: {  	[bflag:$0x0] =	sbarrier.arrive $0xFFFF  }
0x270: {  	_ =	strace $0x90000047  }
0x271: {  	s0 =	stileid.u32;
	[bflag:$0x2] =	sbarrier.arrive $0xFFFF  }
0x272: {  	p0 =	sne.s32 s0, $0x0;
	s0 =	rddreg [dreg:$0x5]  }
0x273: {  	s0 =	sadd.s32 @!p0 $0x100000, s0  }
0x274: {  	[sflag:s0] =	ssyncadd.tile.s32 @!p0 $0x1;
	_ =	shalt  }
.Lfunc_end2:
_tile_overlayer_lowered:
.L_overlay_start_2:
0x275: {  	(tag) =	ssettag $0x2  }
0x276: {  	s0 =	rddreg [dreg:$0x0];
	s2 =	stileid.u32  }
0x277: {  	s1 =	rddreg [dreg:$0x1];
	p0 =	sne.s32 s2, $0x0  }
0x278: {  	s3 =	rddreg [dreg:$0x2];
	[bflag:$0x3] =	sbarrier.arrive $0xFFFF;
	s2 =	simm.s32 @!p0 $0x1C09  }
0x279: {  	[timem:s3], [sflag:s2] =	dma.local @!p0 [hbm:s0], s1  }
0x27a: {  	s0 =	simm.s32 @!p0 $0x9  }
0x27b: {  	_ =	swait.ge @!p0 [sflag:s0], s1  }
0x27c: {  	s1 =	ssub.s32 @!p0 $0x0, s1;
	[sflag:s0] =	ssyncset.done @!p0 $0x0  }
0x27d: {  	[sflag:s0] =	ssyncadd.s32 @!p0 s1  }
0x27e: {  	[bflag:$0x3] =	sbarrier.arrive $0xFFFF  }
0x27f: {  	_ =	shalt  }

</sc_bundles>
